<compile_context>
chip_gen: v7x
topology: tpu7x:2x2x1
jax: 0.10.2.dev20260603
libtpu: 0.0.44.dev20260713+nightly
codegen_flags: <defaults>
</compile_context>

<pallas_src>
import functools

import jax
import jax.numpy as jnp
from jax import lax
from jax.experimental import pallas as pl
from jax.experimental.pallas import tpu as pltpu
from jax.experimental.pallas import tpu_sc as plsc

N = 10000
D = 128
H = 128
OUT = 10
G = 64
L = 3
E = 320000

NC = 2
NS = 16
NW = NC * NS

GSZD = 80
ND = E // NW // GSZD
EPT = E // NS
GSZ = 80
NGB = EPT // GSZ
N_ACC = 10240
SLC = N_ACC // NS
N_ACC2 = 10000
SLC2 = N_ACC2 // NS
NTS = N // NS

_mesh = plsc.VectorSubcoreMesh(core_axis_name="c", subcore_axis_name="s")

F32 = jnp.float32
HIGHEST = lax.Precision.HIGHEST


@functools.partial(
    pl.kernel,
    mesh=_mesh,
    out_type=jax.ShapeDtypeStruct((NC, N_ACC), F32),
    scratch_types=[
        pltpu.VMEM((ND, GSZD), jnp.int32),
        pltpu.VMEM((GSZD,), F32),
        pltpu.VMEM((SLC,), F32),
        pltpu.VMEM_SHARED((N_ACC,), F32),
    ],
)
def _deg_pass(ei_hbm, out_hbm, dst_v, ones_v, zb_v, acc_sh):
    c = lax.axis_index("c")
    s = lax.axis_index("s")
    wid = c * NS + s

    def _fill_z(i, _):
        zb_v[pl.ds(i * 16, 16)] = jnp.zeros((16,), F32)
        return 0

    lax.fori_loop(0, SLC // 16, _fill_z, 0)
    for j in range(GSZD // 16):
        ones_v[pl.ds(j * 16, 16)] = jnp.ones((16,), F32)
    pltpu.sync_copy(zb_v, acc_sh.at[pl.ds(s * SLC, SLC)])
    plsc.subcore_barrier()

    pltpu.sync_copy(ei_hbm.at[1, wid], dst_v)

    def _scatter(g, _):
        pltpu.sync_copy(ones_v, acc_sh.at[dst_v.at[g]], add=True)
        return 0

    lax.fori_loop(0, ND, _scatter, 0)
    plsc.subcore_barrier()
    pltpu.sync_copy(acc_sh.at[pl.ds(s * SLC, SLC)],
                    out_hbm.at[c, pl.ds(s * SLC, SLC)])


@functools.partial(
    pl.kernel,
    mesh=_mesh,
    compiler_params=pltpu.CompilerParams(use_tc_tiling_on_sc=False),
    out_type=jax.ShapeDtypeStruct((NC, N_ACC2, 64), F32),
    scratch_types=[
        pltpu.VMEM((NGB, GSZ), jnp.int32),
        pltpu.VMEM((NGB, GSZ), jnp.int32),
        pltpu.VMEM((GSZ, 64), F32),
        pltpu.VMEM((GSZ, 64), F32),
        pltpu.SemaphoreType.DMA,
        pltpu.SemaphoreType.DMA,
        pltpu.VMEM_SHARED((N, 64), F32),
        pltpu.VMEM_SHARED((N_ACC2, 64), F32),
    ],
)
def _sc_scatter(table_hbm, ei_hbm, out_hbm,
                src_v, dst_v, r0, r1, s0, s1, tbl_sh, acc_sh):
    rows = (r0, r1)
    sems = (s0, s1)
    c = lax.axis_index("c")
    s = lax.axis_index("s")

    pltpu.sync_copy(table_hbm.at[c, pl.ds(s * NTS, NTS)],
                    tbl_sh.at[pl.ds(s * NTS, NTS)])

    def _zrow(i, _):
        for j in range(4):
            rows[0][i, pl.ds(j * 16, 16)] = jnp.zeros((16,), F32)
        return 0

    lax.fori_loop(0, GSZ, _zrow, 0)
    for r in range(SLC2 // GSZ):
        pltpu.sync_copy(rows[0], acc_sh.at[pl.ds(s * SLC2 + r * GSZ, GSZ)])
    if SLC2 % GSZ:
        pltpu.sync_copy(rows[0].at[pl.ds(0, SLC2 % GSZ)],
                        acc_sh.at[pl.ds(s * SLC2 + (SLC2 // GSZ) * GSZ,
                                        SLC2 % GSZ)])

    pltpu.sync_copy(ei_hbm.at[0, s], src_v)
    pltpu.sync_copy(ei_hbm.at[1, s], dst_v)
    plsc.subcore_barrier()

    def _start(g, r, sm):
        pltpu.make_async_copy(tbl_sh.at[src_v.at[g]], r, sm).start()

    def _drain(g, r, sm):
        pltpu.make_async_copy(tbl_sh.at[src_v.at[g]], r, sm).wait()
        pltpu.sync_copy(r, acc_sh.at[dst_v.at[g]], add=True)

    _start(0, rows[0], sems[0])

    def _edge_pair(k, _):
        g = 2 * k
        _start(g + 1, rows[1], sems[1])
        _drain(g, rows[0], sems[0])
        _start(g + 2, rows[0], sems[0])
        _drain(g + 1, rows[1], sems[1])
        return 0

    lax.fori_loop(0, NGB // 2 - 1, _edge_pair, 0)
    _start(NGB - 1, rows[1], sems[1])
    _drain(NGB - 2, rows[0], sems[0])
    _drain(NGB - 1, rows[1], sems[1])
    plsc.subcore_barrier()
    pltpu.sync_copy(acc_sh.at[pl.ds(s * SLC2, SLC2)],
                    out_hbm.at[c, pl.ds(s * SLC2, SLC2)])


BN_ROWS = 2000


def _dinv(dg0, dg1):
    return lax.rsqrt(dg0 + dg1 + 1.0)


def _bn_scale(bw, bb, bm, bv):
    s = bw * lax.rsqrt(bv + 1e-5)
    return s, bb - bm * s


def _prep_body(x_ref, dg0_ref, dg1_ref, bw_ref, bb_ref, bm_ref, bv_ref, w_ref,
               out_ref):
    s, t = _bn_scale(bw_ref[...], bb_ref[...], bm_ref[...], bv_ref[...])
    h = x_ref[...] * s + t
    hw = jnp.dot(h, w_ref[...], preferred_element_type=F32, precision=HIGHEST)
    hws = hw * _dinv(dg0_ref[...], dg1_ref[...])
    out_ref[0] = hws[:, :64]
    out_ref[1] = hws[:, 64:]


def _prep_tc(x, dg0, dg1, bw, bb, bm, bv, w):
    grid = (N // BN_ROWS,)
    blk = lambda r, c_: pl.BlockSpec((r, c_), lambda i: (i, 0))
    full = lambda shape: pl.BlockSpec(shape, lambda i: (0,) * len(shape))
    return pl.pallas_call(
        _prep_body,
        grid=grid,
        in_specs=[blk(BN_ROWS, 128), blk(BN_ROWS, 1), blk(BN_ROWS, 1),
                  full((128,)), full((128,)), full((128,)), full((128,)),
                  full((128, 128))],
        out_specs=pl.BlockSpec((2, BN_ROWS, 64), lambda i: (0, i, 0)),
        out_shape=jax.ShapeDtypeStruct((2, N, 64), F32),
    )(x, dg0, dg1, bw, bb, bm, bv, w)


def _combine_prep_body(with_residual,
                       p0_ref, p1_ref, h0_ref, h1_ref, prev_ref,
                       dg0_ref, dg1_ref,
                       bias_ref, bw_ref, bb_ref, bm_ref, bv_ref, w_ref,
                       out_ref, hwsn_ref):
    dinv = _dinv(dg0_ref[...], dg1_ref[...])
    p = jnp.concatenate([p0_ref[...], p1_ref[...]], axis=1)
    hws = jnp.concatenate([h0_ref[...], h1_ref[...]], axis=1)
    acc = (p + hws) * dinv
    o = jnp.maximum(acc + bias_ref[...], 0.0)
    if with_residual:
        o = o + prev_ref[...]
    out_ref[...] = o
    s, t = _bn_scale(bw_ref[...], bb_ref[...], bm_ref[...], bv_ref[...])
    h = o * s + t
    hw = jnp.dot(h, w_ref[...], preferred_element_type=F32, precision=HIGHEST)
    hwsn = hw * dinv
    hwsn_ref[0] = hwsn[:, :64]
    hwsn_ref[1] = hwsn[:, 64:]


def _combine_prep_tc(with_residual, p0, p1, h0, h1, prev, dg0, dg1, bias,
                     bw, bb, bm, bv, w):
    grid = (N // BN_ROWS,)
    blk = lambda r, c_: pl.BlockSpec((r, c_), lambda i: (i, 0))
    full = lambda shape: pl.BlockSpec(shape, lambda i: (0,) * len(shape))
    return pl.pallas_call(
        functools.partial(_combine_prep_body, with_residual),
        grid=grid,
        in_specs=[blk(BN_ROWS, 64), blk(BN_ROWS, 64), blk(BN_ROWS, 64),
                  blk(BN_ROWS, 64), blk(BN_ROWS, 128),
                  blk(BN_ROWS, 1), blk(BN_ROWS, 1), full((128,)),
                  full((128,)), full((128,)), full((128,)), full((128,)),
                  full((128, 128))],
        out_specs=[blk(BN_ROWS, 128),
                   pl.BlockSpec((2, BN_ROWS, 64), lambda i: (0, i, 0))],
        out_shape=[jax.ShapeDtypeStruct((N, 128), F32),
                   jax.ShapeDtypeStruct((2, N, 64), F32)],
    )(p0, p1, h0, h1, prev, dg0, dg1, bias, bw, bb, bm, bv, w)


def _pool_head_body(p0_ref, p1_ref, h0_ref, h1_ref, prev_ref,
                    dg0_ref, dg1_ref,
                    bias_ref, batch_ref,
                    fbw_ref, fbb_ref, fbm_ref, fbv_ref,
                    fw_ref, fb_ref, cw_ref, cb_ref,
                    out_ref, sums_ref, cnts_ref):
    b = pl.program_id(0)

    @pl.when(b == 0)
    def _():
        sums_ref[...] = jnp.zeros((G, 128), F32)
        cnts_ref[...] = jnp.zeros((G, 128), F32)

    p = jnp.concatenate([p0_ref[...], p1_ref[...]], axis=1)
    hws = jnp.concatenate([h0_ref[...], h1_ref[...]], axis=1)
    acc = (p + hws) * _dinv(dg0_ref[...], dg1_ref[...])
    o = jnp.maximum(acc + bias_ref[...], 0.0) + prev_ref[...]

    oh = (lax.broadcasted_iota(jnp.int32, (G, BN_ROWS), 0)
          == batch_ref[0]).astype(F32)
    sums_ref[...] += jnp.dot(oh, o, preferred_element_type=F32,
                             precision=HIGHEST)
    cnts_ref[...] += jnp.dot(oh, jnp.ones((BN_ROWS, 128), F32),
                             preferred_element_type=F32, precision=HIGHEST)

    @pl.when(b == N // BN_ROWS - 1)
    def _():
        pooled = sums_ref[...] / jnp.maximum(cnts_ref[...], 1.0)
        s, t = _bn_scale(fbw_ref[...], fbb_ref[...], fbm_ref[...], fbv_ref[...])
        h = pooled * s + t
        h = jnp.maximum(
            jnp.dot(h, fw_ref[...], preferred_element_type=F32,
                    precision=HIGHEST) + fb_ref[...], 0.0)
        lg = jnp.dot(h, cw_ref[...], preferred_element_type=F32,
                     precision=HIGHEST) + cb_ref[...]
        m = jnp.max(lg, axis=-1, keepdims=True)
        z = lg - m
        out_ref[...] = z - jnp.log(jnp.sum(jnp.exp(z), axis=-1, keepdims=True))


def _pool_head_tc(p0, p1, h0, h1, prev, dg0, dg1, bias, batch,
                  fbw, fbb, fbm, fbv, fw, fb, cw_pad, cb_pad):
    grid = (N // BN_ROWS,)
    blk = lambda r, c_: pl.BlockSpec((r, c_), lambda i: (i, 0))
    full = lambda shape: pl.BlockSpec(shape, lambda i: (0,) * len(shape))
    return pl.pallas_call(
        _pool_head_body,
        grid=grid,
        in_specs=[blk(BN_ROWS, 64), blk(BN_ROWS, 64), blk(BN_ROWS, 64),
                  blk(BN_ROWS, 64), blk(BN_ROWS, 128),
                  blk(BN_ROWS, 1), blk(BN_ROWS, 1),
                  full((128,)),
                  pl.BlockSpec((1, 1, BN_ROWS), lambda i: (i, 0, 0)),
                  full((128,)), full((128,)), full((128,)), full((128,)),
                  full((128, 128)), full((128,)),
                  full((128, 128)), full((128,))],
        out_specs=pl.BlockSpec((G, 128), lambda i: (0, 0)),
        out_shape=jax.ShapeDtypeStruct((G, 128), F32),
        scratch_shapes=[pltpu.VMEM((G, 128), F32), pltpu.VMEM((G, 128), F32)],
    )(p0, p1, h0, h1, prev, dg0, dg1, bias, batch,
      fbw, fbb, fbm, fbv, fw, fb, cw_pad, cb_pad)


def kernel(x, edge_index, batch, bn_w, bn_b, bn_m, bn_v, W, b,
           fc_bn_w, fc_bn_b, fc_bn_m, fc_bn_v, fc_W, fc_b, cls_W, cls_b):
    ei4 = edge_index.reshape(2, NS, NGB, GSZ)
    eid = edge_index.reshape(2, NW, ND, GSZD)

    deg_p = _deg_pass(eid).reshape(NC, N_ACC, 1)
    dg0 = deg_p[0, :N]
    dg1 = deg_p[1, :N]

    hws = _prep_tc(x, dg0, dg1, bn_w[0], bn_b[0], bn_m[0], bn_v[0], W[0])
    prev = x
    outs = None
    for i in range(L - 1):
        parts = _sc_scatter(hws, ei4)
        outs = _combine_prep_tc(i > 0, parts[0], parts[1],
                                hws[0], hws[1], prev,
                                dg0, dg1, b[i],
                                bn_w[i + 1], bn_b[i + 1], bn_m[i + 1],
                                bn_v[i + 1], W[i + 1])
        prev, hws = outs

    parts = _sc_scatter(hws, ei4)
    cw_pad = jnp.pad(cls_W, ((0, 0), (0, 128 - OUT)))
    cb_pad = jnp.pad(cls_b, (0, 128 - OUT), constant_values=-1e30)
    batch2d = batch.reshape(N // BN_ROWS, 1, BN_ROWS)
    logits = _pool_head_tc(parts[0], parts[1], hws[0], hws[1], prev,
                           dg0, dg1, b[L - 1], batch2d,
                           fc_bn_w, fc_bn_b, fc_bn_m, fc_bn_v,
                           fc_W, fc_b, cw_pad, cb_pad)
    return logits[:, :OUT]

# --- scband reference (transcript-rebuilt; emitter-appended) ---
"""Pipeline reference for scband-gnn-65060164600383 (READ-ONLY COPY).

The authoritative reference and input builder live on the scoring server;
editing this copy changes nothing except your own understanding.
"""

import jax, jax.numpy as jnp
import numpy as np

N = 10000
E = 320000
D = 128
H = 128
OUT = 10
G = 64
L = 3


def setup_inputs(seed: int = 0) -> dict:
    key = jax.random.key(seed)
    ks = [jax.random.fold_in(key, i) for i in range(24)]
    x = jax.random.normal(ks[0], (N, D), dtype=jnp.float32)
    edge_index = jax.random.randint(ks[1], (2, E), 0, N, dtype=jnp.int32)
    batch = jnp.sort(jax.random.randint(ks[2], (N,), 0, G, dtype=jnp.int32))
    # per-layer BatchNorm1d params (inference mode: running stats)
    bn_w = 1.0 + 0.1 * jax.random.normal(ks[3], (L, D), dtype=jnp.float32)
    bn_b = 0.1 * jax.random.normal(ks[4], (L, D), dtype=jnp.float32)
    bn_m = 0.1 * jax.random.normal(ks[5], (L, D), dtype=jnp.float32)
    bn_v = 1.0 + 0.1 * jax.random.uniform(ks[6], (L, D), dtype=jnp.float32)
    # per-layer GCNConv weights
    W = 0.05 * jax.random.normal(ks[7], (L, D, H), dtype=jnp.float32)
    b = 0.05 * jax.random.normal(ks[8], (L, H), dtype=jnp.float32)
    # FC head: one BN + Linear (num_fc - 1 = 1) then classifier
    fc_bn_w = 1.0 + 0.1 * jax.random.normal(ks[9], (H,), dtype=jnp.float32)
    fc_bn_b = 0.1 * jax.random.normal(ks[10], (H,), dtype=jnp.float32)
    fc_bn_m = 0.1 * jax.random.normal(ks[11], (H,), dtype=jnp.float32)
    fc_bn_v = 1.0 + 0.1 * jax.random.uniform(ks[12], (H,), dtype=jnp.float32)
    fc_W = 0.05 * jax.random.normal(ks[13], (H, H), dtype=jnp.float32)
    fc_b = 0.05 * jax.random.normal(ks[14], (H,), dtype=jnp.float32)
    cls_W = 0.05 * jax.random.normal(ks[15], (H, OUT), dtype=jnp.float32)
    cls_b = 0.05 * jax.random.normal(ks[16], (OUT,), dtype=jnp.float32)
    return {"x": x, "edge_index": edge_index, "batch": batch,
            "bn_w": bn_w, "bn_b": bn_b, "bn_m": bn_m, "bn_v": bn_v,
            "W": W, "b": b,
            "fc_bn_w": fc_bn_w, "fc_bn_b": fc_bn_b, "fc_bn_m": fc_bn_m, "fc_bn_v": fc_bn_v,
            "fc_W": fc_W, "fc_b": fc_b, "cls_W": cls_W, "cls_b": cls_b}


def _bn_eval(h, w, bb, m, v, eps=1e-5):
    return (h - m) / jnp.sqrt(v + eps) * w + bb


def reference(x, edge_index, batch, bn_w, bn_b, bn_m, bn_v, W, b,
              fc_bn_w, fc_bn_b, fc_bn_m, fc_bn_v, fc_W, fc_b, cls_W, cls_b):
    n = x.shape[0]
    loop = jnp.arange(n, dtype=edge_index.dtype)
    src = jnp.concatenate([edge_index[0], loop])
    dst = jnp.concatenate([edge_index[1], loop])
    # symmetric GCN normalization with self loops
    deg = jax.ops.segment_sum(jnp.ones_like(src, dtype=x.dtype), dst, num_segments=n)
    dinv = jnp.where(deg > 0, 1.0 / jnp.sqrt(jnp.maximum(deg, 1.0)), 0.0)
    norm = dinv[src] * dinv[dst]
    prev = x
    for i in range(L):
        h = _bn_eval(prev, bn_w[i], bn_b[i], bn_m[i], bn_v[i])
        hw = h @ W[i]
        msg = hw[src] * norm[:, None]
        out = jax.ops.segment_sum(msg, dst, num_segments=n) + b[i]
        out = jax.nn.relu(out)
        # dropout p=0.0 (eval) -> identity; residual only after first layer
        if i > 0:
            out = out + prev
        prev = out
    # global mean pool over graphs
    sums = jax.ops.segment_sum(prev, batch, num_segments=G)
    counts = jax.ops.segment_sum(jnp.ones((n,), dtype=x.dtype), batch, num_segments=G)
    pooled = sums / jnp.maximum(counts, 1.0)[:, None]
    h = _bn_eval(pooled, fc_bn_w, fc_bn_b, fc_bn_m, fc_bn_v)
    h = jax.nn.relu(h @ fc_W + fc_b)
    logits = h @ cls_W + cls_b
    return jax.nn.log_softmax(logits, axis=-1)

if __name__ == "__main__":
    import jax
    _d = setup_inputs()
    print(jax.jit(kernel)(*tuple(_d.values())))

</pallas_src>

<mosaic_0001>
#map = affine_map<(d0, d1) -> (0, 0, 0)>
#map1 = affine_map<(d0, d1) -> (0, 0, 0, 0)>
module attributes {stable_mosaic.version = 14 : i64} {
  func.func @_sc_scatter(%arg0: i32, %arg1: i32, %arg2: memref<2x10000x64xf32, #tpu.memory_space<hbm>>, %arg3: memref<2x16x250x80xi32, #tpu.memory_space<hbm>>, %arg4: memref<2x10000x64xf32, #tpu.memory_space<hbm>>, %arg5: memref<250x80xi32, #tpu.memory_space<vmem>>, %arg6: memref<250x80xi32, #tpu.memory_space<vmem>>, %arg7: memref<80x64xf32, #tpu.memory_space<vmem>>, %arg8: memref<80x64xf32, #tpu.memory_space<vmem>>, %arg9: memref<!tpu.dma_semaphore, #tpu.memory_space<semaphore_mem>>, %arg10: memref<!tpu.dma_semaphore, #tpu.memory_space<semaphore_mem>>, %arg11: memref<10000x64xf32, #tpu.memory_space<vmem_shared>>, %arg12: memref<10000x64xf32, #tpu.memory_space<vmem_shared>>) attributes {dimension_semantics = [#tpu.dimension_semantics<core_parallel>, #tpu.dimension_semantics<subcore_parallel>], iteration_bounds = array<i64: 2, 16>, scalar_prefetch = 0 : i64, scratch_operands = 8 : i64, tpu.core_type = #tpu.core_type<sc_vector_subcore>, window_params = [{transform_indices = #map}, {transform_indices = #map1}, {transform_indices = #map}]} {
    %mul3A = arith.constant 625 : i32
    %mul3A_0 = arith.muli %arg1, %mul3A : i32
    %mul3A_1 = arith.constant 625 : i32
    %mul3A_2 = arith.muli %arg1, %mul3A_1 : i32
    "tpu.region"() ({
      %run_scoped3A_81 = tpu.sem_alloc : memref<!tpu.dma_semaphore, #tpu.memory_space<semaphore_mem>>
      %dma_start3A_82 = arith.constant 0 : i32
      %dma_start3A_83 = tpu.memref_slice %arg11[%mul3A_2, %dma_start3A_82] : memref<10000x64xf32, #tpu.memory_space<vmem_shared>> -> memref<625x64xf32, #tpu.memory_space<vmem_shared>>
      %dma_start3A_84 = arith.constant 0 : i32
      %dma_start3A_85 = tpu.memref_slice %arg2[%arg0, %mul3A_0, %dma_start3A_84] : memref<2x10000x64xf32, #tpu.memory_space<hbm>> -> memref<1x625x64xf32, #tpu.memory_space<hbm>>
      %dma_start3A_86 = tpu.memref_squeeze %dma_start3A_85 : memref<1x625x64xf32, #tpu.memory_space<hbm>> -> memref<625x64xf32, #tpu.memory_space<hbm>>
      tpu.enqueue_dma source(%dma_start3A_86 : memref<625x64xf32, #tpu.memory_space<hbm>>) target(%dma_start3A_83 : memref<625x64xf32, #tpu.memory_space<vmem_shared>>) target_semaphore(%run_scoped3A_81 : memref<!tpu.dma_semaphore, #tpu.memory_space<semaphore_mem>>)
      %dma_wait3A_87 = arith.constant 0 : i32
      %dma_wait3A_88 = tpu.memref_slice %arg11[%mul3A_2, %dma_wait3A_87] : memref<10000x64xf32, #tpu.memory_space<vmem_shared>> -> memref<625x64xf32, #tpu.memory_space<vmem_shared>>
      %dma_wait3A_89 = arith.constant 0 : i32
      %dma_wait3A_90 = tpu.memref_slice %arg2[%arg0, %mul3A_0, %dma_wait3A_89] : memref<2x10000x64xf32, #tpu.memory_space<hbm>> -> memref<1x625x64xf32, #tpu.memory_space<hbm>>
      %dma_wait3A_91 = tpu.memref_squeeze %dma_wait3A_90 : memref<1x625x64xf32, #tpu.memory_space<hbm>> -> memref<625x64xf32, #tpu.memory_space<hbm>>
      tpu.wait_dma2 semaphore(%run_scoped3A_81 : memref<!tpu.dma_semaphore, #tpu.memory_space<semaphore_mem>>) src(%dma_wait3A_91 : memref<625x64xf32, #tpu.memory_space<hbm>>) dst(%dma_wait3A_88 : memref<625x64xf32, #tpu.memory_space<vmem_shared>>)
      tpu.yield
    }) : () -> ()
    %scan3A = arith.constant 0 : i32
    %scan3A_3 = arith.constant 0 : i32
    %scan3A_4 = arith.constant 80 : i32
    %scan3A_5 = arith.addi %scan3A_3, %scan3A_4 : i32
    %scan3A_6 = arith.constant 1 : i32
    %scan3A_7 = scf.for %scan3A_81 = %scan3A_3 to %scan3A_5 step %scan3A_6 iter_args(%scan3A_82 = %scan3A) -> (i32)  : i32 {
      %broadcast_in_dim3A = arith.constant 0.000000e+00 : f32
      %broadcast_in_dim3A_83 = vector.broadcast %broadcast_in_dim3A : f32 to vector<16xf32>
      %swap3A = arith.index_cast %scan3A_81 : i32 to index
      %swap3A_84 = arith.constant 0 : index
      %swap3A_85 = tpu.vector_load %arg7[%swap3A, %swap3A_84] {strides = array<i32>} : memref<80x64xf32, #tpu.memory_space<vmem>>, vector<1x16xf32>,
      %swap3A_86 = vector.shape_cast %swap3A_85 : vector<1x16xf32> to vector<16xf32>
      %swap3A_87 = vector.shape_cast %broadcast_in_dim3A_83 : vector<16xf32> to vector<1x16xf32>
      tpu.vector_store %arg7[%swap3A, %swap3A_84], %swap3A_87 {strides = array<i32>} : memref<80x64xf32, #tpu.memory_space<vmem>>, vector<1x16xf32>,
      %broadcast_in_dim3A_88 = arith.constant 0.000000e+00 : f32
      %broadcast_in_dim3A_89 = vector.broadcast %broadcast_in_dim3A_88 : f32 to vector<16xf32>
      %swap3A_90 = arith.index_cast %scan3A_81 : i32 to index
      %swap3A_91 = arith.constant 16 : index
      %swap3A_92 = tpu.vector_load %arg7[%swap3A_90, %swap3A_91] {strides = array<i32>} : memref<80x64xf32, #tpu.memory_space<vmem>>, vector<1x16xf32>,
      %swap3A_93 = vector.shape_cast %swap3A_92 : vector<1x16xf32> to vector<16xf32>
      %swap3A_94 = vector.shape_cast %broadcast_in_dim3A_89 : vector<16xf32> to vector<1x16xf32>
      tpu.vector_store %arg7[%swap3A_90, %swap3A_91], %swap3A_94 {strides = array<i32>} : memref<80x64xf32, #tpu.memory_space<vmem>>, vector<1x16xf32>,
      %broadcast_in_dim3A_95 = arith.constant 0.000000e+00 : f32
      %broadcast_in_dim3A_96 = vector.broadcast %broadcast_in_dim3A_95 : f32 to vector<16xf32>
      %swap3A_97 = arith.index_cast %scan3A_81 : i32 to index
      %swap3A_98 = arith.constant 32 : index
      %swap3A_99 = tpu.vector_load %arg7[%swap3A_97, %swap3A_98] {strides = array<i32>} : memref<80x64xf32, #tpu.memory_space<vmem>>, vector<1x16xf32>,
      %swap3A_100 = vector.shape_cast %swap3A_99 : vector<1x16xf32> to vector<16xf32>
      %swap3A_101 = vector.shape_cast %broadcast_in_dim3A_96 : vector<16xf32> to vector<1x16xf32>
      tpu.vector_store %arg7[%swap3A_97, %swap3A_98], %swap3A_101 {strides = array<i32>} : memref<80x64xf32, #tpu.memory_space<vmem>>, vector<1x16xf32>,
      %broadcast_in_dim3A_102 = arith.constant 0.000000e+00 : f32
      %broadcast_in_dim3A_103 = vector.broadcast %broadcast_in_dim3A_102 : f32 to vector<16xf32>
      %swap3A_104 = arith.index_cast %scan3A_81 : i32 to index
      %swap3A_105 = arith.constant 48 : index
      %swap3A_106 = tpu.vector_load %arg7[%swap3A_104, %swap3A_105] {strides = array<i32>} : memref<80x64xf32, #tpu.memory_space<vmem>>, vector<1x16xf32>,
      %swap3A_107 = vector.shape_cast %swap3A_106 : vector<1x16xf32> to vector<16xf32>
      %swap3A_108 = vector.shape_cast %broadcast_in_dim3A_103 : vector<16xf32> to vector<1x16xf32>
      tpu.vector_store %arg7[%swap3A_104, %swap3A_105], %swap3A_108 {strides = array<i32>} : memref<80x64xf32, #tpu.memory_space<vmem>>, vector<1x16xf32>,
      %scan3A_109 = arith.constant 0 : i32
      scf.yield %scan3A_109 : i32
    }
    %scan3A_8 = arith.constant 80 : i32
    %mul3A_9 = arith.constant 625 : i32
    %mul3A_10 = arith.muli %arg1, %mul3A_9 : i32
    %add3A = arith.constant 0 : i32
    %add3A_11 = arith.addi %mul3A_10, %add3A : i32
    "tpu.region"() ({
      %run_scoped3A_81 = tpu.sem_alloc : memref<!tpu.dma_semaphore, #tpu.memory_space<semaphore_mem>>
      %dma_start3A_82 = arith.constant 0 : i32
      %dma_start3A_83 = tpu.memref_slice %arg12[%add3A_11, %dma_start3A_82] : memref<10000x64xf32, #tpu.memory_space<vmem_shared>> -> memref<80x64xf32, #tpu.memory_space<vmem_shared>>
      %dma_start3A_84 = arith.constant 0 : i32
      %dma_start3A_85 = tpu.memref_slice %arg12[%add3A_11, %dma_start3A_84] : memref<10000x64xf32, #tpu.memory_space<vmem_shared>> -> memref<80x64xf32, #tpu.memory_space<vmem_shared>>
      tpu.enqueue_dma source(%arg7 : memref<80x64xf32, #tpu.memory_space<vmem>>) target(%dma_start3A_85 : memref<80x64xf32, #tpu.memory_space<vmem_shared>>) target_semaphore(%run_scoped3A_81 : memref<!tpu.dma_semaphore, #tpu.memory_space<semaphore_mem>>)
      %dma_wait3A_86 = arith.constant 0 : i32
      %dma_wait3A_87 = tpu.memref_slice %arg12[%add3A_11, %dma_wait3A_86] : memref<10000x64xf32, #tpu.memory_space<vmem_shared>> -> memref<80x64xf32, #tpu.memory_space<vmem_shared>>
      %dma_wait3A_88 = arith.constant 0 : i32
      %dma_wait3A_89 = tpu.memref_slice %arg12[%add3A_11, %dma_wait3A_88] : memref<10000x64xf32, #tpu.memory_space<vmem_shared>> -> memref<80x64xf32, #tpu.memory_space<vmem_shared>>
      tpu.wait_dma2 semaphore(%run_scoped3A_81 : memref<!tpu.dma_semaphore, #tpu.memory_space<semaphore_mem>>) src(%arg7 : memref<80x64xf32, #tpu.memory_space<vmem>>) dst(%dma_wait3A_89 : memref<80x64xf32, #tpu.memory_space<vmem_shared>>)
      tpu.yield
    }) : () -> ()
    %mul3A_12 = arith.constant 625 : i32
    %mul3A_13 = arith.muli %arg1, %mul3A_12 : i32
    %add3A_14 = arith.constant 80 : i32
    %add3A_15 = arith.addi %mul3A_13, %add3A_14 : i32
    "tpu.region"() ({
      %run_scoped3A_81 = tpu.sem_alloc : memref<!tpu.dma_semaphore, #tpu.memory_space<semaphore_mem>>
      %dma_start3A_82 = arith.constant 0 : i32
      %dma_start3A_83 = tpu.memref_slice %arg12[%add3A_15, %dma_start3A_82] : memref<10000x64xf32, #tpu.memory_space<vmem_shared>> -> memref<80x64xf32, #tpu.memory_space<vmem_shared>>
      %dma_start3A_84 = arith.constant 0 : i32
      %dma_start3A_85 = tpu.memref_slice %arg12[%add3A_15, %dma_start3A_84] : memref<10000x64xf32, #tpu.memory_space<vmem_shared>> -> memref<80x64xf32, #tpu.memory_space<vmem_shared>>
      tpu.enqueue_dma source(%arg7 : memref<80x64xf32, #tpu.memory_space<vmem>>) target(%dma_start3A_85 : memref<80x64xf32, #tpu.memory_space<vmem_shared>>) target_semaphore(%run_scoped3A_81 : memref<!tpu.dma_semaphore, #tpu.memory_space<semaphore_mem>>)
      %dma_wait3A_86 = arith.constant 0 : i32
      %dma_wait3A_87 = tpu.memref_slice %arg12[%add3A_15, %dma_wait3A_86] : memref<10000x64xf32, #tpu.memory_space<vmem_shared>> -> memref<80x64xf32, #tpu.memory_space<vmem_shared>>
      %dma_wait3A_88 = arith.constant 0 : i32
      %dma_wait3A_89 = tpu.memref_slice %arg12[%add3A_15, %dma_wait3A_88] : memref<10000x64xf32, #tpu.memory_space<vmem_shared>> -> memref<80x64xf32, #tpu.memory_space<vmem_shared>>
      tpu.wait_dma2 semaphore(%run_scoped3A_81 : memref<!tpu.dma_semaphore, #tpu.memory_space<semaphore_mem>>) src(%arg7 : memref<80x64xf32, #tpu.memory_space<vmem>>) dst(%dma_wait3A_89 : memref<80x64xf32, #tpu.memory_space<vmem_shared>>)
      tpu.yield
    }) : () -> ()
    %mul3A_16 = arith.constant 625 : i32
    %mul3A_17 = arith.muli %arg1, %mul3A_16 : i32
    %add3A_18 = arith.constant 160 : i32
    %add3A_19 = arith.addi %mul3A_17, %add3A_18 : i32
    "tpu.region"() ({
      %run_scoped3A_81 = tpu.sem_alloc : memref<!tpu.dma_semaphore, #tpu.memory_space<semaphore_mem>>
      %dma_start3A_82 = arith.constant 0 : i32
      %dma_start3A_83 = tpu.memref_slice %arg12[%add3A_19, %dma_start3A_82] : memref<10000x64xf32, #tpu.memory_space<vmem_shared>> -> memref<80x64xf32, #tpu.memory_space<vmem_shared>>
      %dma_start3A_84 = arith.constant 0 : i32
      %dma_start3A_85 = tpu.memref_slice %arg12[%add3A_19, %dma_start3A_84] : memref<10000x64xf32, #tpu.memory_space<vmem_shared>> -> memref<80x64xf32, #tpu.memory_space<vmem_shared>>
      tpu.enqueue_dma source(%arg7 : memref<80x64xf32, #tpu.memory_space<vmem>>) target(%dma_start3A_85 : memref<80x64xf32, #tpu.memory_space<vmem_shared>>) target_semaphore(%run_scoped3A_81 : memref<!tpu.dma_semaphore, #tpu.memory_space<semaphore_mem>>)
      %dma_wait3A_86 = arith.constant 0 : i32
      %dma_wait3A_87 = tpu.memref_slice %arg12[%add3A_19, %dma_wait3A_86] : memref<10000x64xf32, #tpu.memory_space<vmem_shared>> -> memref<80x64xf32, #tpu.memory_space<vmem_shared>>
      %dma_wait3A_88 = arith.constant 0 : i32
      %dma_wait3A_89 = tpu.memref_slice %arg12[%add3A_19, %dma_wait3A_88] : memref<10000x64xf32, #tpu.memory_space<vmem_shared>> -> memref<80x64xf32, #tpu.memory_space<vmem_shared>>
      tpu.wait_dma2 semaphore(%run_scoped3A_81 : memref<!tpu.dma_semaphore, #tpu.memory_space<semaphore_mem>>) src(%arg7 : memref<80x64xf32, #tpu.memory_space<vmem>>) dst(%dma_wait3A_89 : memref<80x64xf32, #tpu.memory_space<vmem_shared>>)
      tpu.yield
    }) : () -> ()
    %mul3A_20 = arith.constant 625 : i32
    %mul3A_21 = arith.muli %arg1, %mul3A_20 : i32
    %add3A_22 = arith.constant 240 : i32
    %add3A_23 = arith.addi %mul3A_21, %add3A_22 : i32
    "tpu.region"() ({
      %run_scoped3A_81 = tpu.sem_alloc : memref<!tpu.dma_semaphore, #tpu.memory_space<semaphore_mem>>
      %dma_start3A_82 = arith.constant 0 : i32
      %dma_start3A_83 = tpu.memref_slice %arg12[%add3A_23, %dma_start3A_82] : memref<10000x64xf32, #tpu.memory_space<vmem_shared>> -> memref<80x64xf32, #tpu.memory_space<vmem_shared>>
      %dma_start3A_84 = arith.constant 0 : i32
      %dma_start3A_85 = tpu.memref_slice %arg12[%add3A_23, %dma_start3A_84] : memref<10000x64xf32, #tpu.memory_space<vmem_shared>> -> memref<80x64xf32, #tpu.memory_space<vmem_shared>>
      tpu.enqueue_dma source(%arg7 : memref<80x64xf32, #tpu.memory_space<vmem>>) target(%dma_start3A_85 : memref<80x64xf32, #tpu.memory_space<vmem_shared>>) target_semaphore(%run_scoped3A_81 : memref<!tpu.dma_semaphore, #tpu.memory_space<semaphore_mem>>)
      %dma_wait3A_86 = arith.constant 0 : i32
      %dma_wait3A_87 = tpu.memref_slice %arg12[%add3A_23, %dma_wait3A_86] : memref<10000x64xf32, #tpu.memory_space<vmem_shared>> -> memref<80x64xf32, #tpu.memory_space<vmem_shared>>
      %dma_wait3A_88 = arith.constant 0 : i32
      %dma_wait3A_89 = tpu.memref_slice %arg12[%add3A_23, %dma_wait3A_88] : memref<10000x64xf32, #tpu.memory_space<vmem_shared>> -> memref<80x64xf32, #tpu.memory_space<vmem_shared>>
      tpu.wait_dma2 semaphore(%run_scoped3A_81 : memref<!tpu.dma_semaphore, #tpu.memory_space<semaphore_mem>>) src(%arg7 : memref<80x64xf32, #tpu.memory_space<vmem>>) dst(%dma_wait3A_89 : memref<80x64xf32, #tpu.memory_space<vmem_shared>>)
      tpu.yield
    }) : () -> ()
    %mul3A_24 = arith.constant 625 : i32
    %mul3A_25 = arith.muli %arg1, %mul3A_24 : i32
    %add3A_26 = arith.constant 320 : i32
    %add3A_27 = arith.addi %mul3A_25, %add3A_26 : i32
    "tpu.region"() ({
      %run_scoped3A_81 = tpu.sem_alloc : memref<!tpu.dma_semaphore, #tpu.memory_space<semaphore_mem>>
      %dma_start3A_82 = arith.constant 0 : i32
      %dma_start3A_83 = tpu.memref_slice %arg12[%add3A_27, %dma_start3A_82] : memref<10000x64xf32, #tpu.memory_space<vmem_shared>> -> memref<80x64xf32, #tpu.memory_space<vmem_shared>>
      %dma_start3A_84 = arith.constant 0 : i32
      %dma_start3A_85 = tpu.memref_slice %arg12[%add3A_27, %dma_start3A_84] : memref<10000x64xf32, #tpu.memory_space<vmem_shared>> -> memref<80x64xf32, #tpu.memory_space<vmem_shared>>
      tpu.enqueue_dma source(%arg7 : memref<80x64xf32, #tpu.memory_space<vmem>>) target(%dma_start3A_85 : memref<80x64xf32, #tpu.memory_space<vmem_shared>>) target_semaphore(%run_scoped3A_81 : memref<!tpu.dma_semaphore, #tpu.memory_space<semaphore_mem>>)
      %dma_wait3A_86 = arith.constant 0 : i32
      %dma_wait3A_87 = tpu.memref_slice %arg12[%add3A_27, %dma_wait3A_86] : memref<10000x64xf32, #tpu.memory_space<vmem_shared>> -> memref<80x64xf32, #tpu.memory_space<vmem_shared>>
      %dma_wait3A_88 = arith.constant 0 : i32
      %dma_wait3A_89 = tpu.memref_slice %arg12[%add3A_27, %dma_wait3A_88] : memref<10000x64xf32, #tpu.memory_space<vmem_shared>> -> memref<80x64xf32, #tpu.memory_space<vmem_shared>>
      tpu.wait_dma2 semaphore(%run_scoped3A_81 : memref<!tpu.dma_semaphore, #tpu.memory_space<semaphore_mem>>) src(%arg7 : memref<80x64xf32, #tpu.memory_space<vmem>>) dst(%dma_wait3A_89 : memref<80x64xf32, #tpu.memory_space<vmem_shared>>)
      tpu.yield
    }) : () -> ()
    %mul3A_28 = arith.constant 625 : i32
    %mul3A_29 = arith.muli %arg1, %mul3A_28 : i32
    %add3A_30 = arith.constant 400 : i32
    %add3A_31 = arith.addi %mul3A_29, %add3A_30 : i32
    "tpu.region"() ({
      %run_scoped3A_81 = tpu.sem_alloc : memref<!tpu.dma_semaphore, #tpu.memory_space<semaphore_mem>>
      %dma_start3A_82 = arith.constant 0 : i32
      %dma_start3A_83 = tpu.memref_slice %arg12[%add3A_31, %dma_start3A_82] : memref<10000x64xf32, #tpu.memory_space<vmem_shared>> -> memref<80x64xf32, #tpu.memory_space<vmem_shared>>
      %dma_start3A_84 = arith.constant 0 : i32
      %dma_start3A_85 = tpu.memref_slice %arg12[%add3A_31, %dma_start3A_84] : memref<10000x64xf32, #tpu.memory_space<vmem_shared>> -> memref<80x64xf32, #tpu.memory_space<vmem_shared>>
      tpu.enqueue_dma source(%arg7 : memref<80x64xf32, #tpu.memory_space<vmem>>) target(%dma_start3A_85 : memref<80x64xf32, #tpu.memory_space<vmem_shared>>) target_semaphore(%run_scoped3A_81 : memref<!tpu.dma_semaphore, #tpu.memory_space<semaphore_mem>>)
      %dma_wait3A_86 = arith.constant 0 : i32
      %dma_wait3A_87 = tpu.memref_slice %arg12[%add3A_31, %dma_wait3A_86] : memref<10000x64xf32, #tpu.memory_space<vmem_shared>> -> memref<80x64xf32, #tpu.memory_space<vmem_shared>>
      %dma_wait3A_88 = arith.constant 0 : i32
      %dma_wait3A_89 = tpu.memref_slice %arg12[%add3A_31, %dma_wait3A_88] : memref<10000x64xf32, #tpu.memory_space<vmem_shared>> -> memref<80x64xf32, #tpu.memory_space<vmem_shared>>
      tpu.wait_dma2 semaphore(%run_scoped3A_81 : memref<!tpu.dma_semaphore, #tpu.memory_space<semaphore_mem>>) src(%arg7 : memref<80x64xf32, #tpu.memory_space<vmem>>) dst(%dma_wait3A_89 : memref<80x64xf32, #tpu.memory_space<vmem_shared>>)
      tpu.yield
    }) : () -> ()
    %mul3A_32 = arith.constant 625 : i32
    %mul3A_33 = arith.muli %arg1, %mul3A_32 : i32
    %add3A_34 = arith.constant 480 : i32
    %add3A_35 = arith.addi %mul3A_33, %add3A_34 : i32
    "tpu.region"() ({
      %run_scoped3A_81 = tpu.sem_alloc : memref<!tpu.dma_semaphore, #tpu.memory_space<semaphore_mem>>
      %dma_start3A_82 = arith.constant 0 : i32
      %dma_start3A_83 = tpu.memref_slice %arg12[%add3A_35, %dma_start3A_82] : memref<10000x64xf32, #tpu.memory_space<vmem_shared>> -> memref<80x64xf32, #tpu.memory_space<vmem_shared>>
      %dma_start3A_84 = arith.constant 0 : i32
      %dma_start3A_85 = tpu.memref_slice %arg12[%add3A_35, %dma_start3A_84] : memref<10000x64xf32, #tpu.memory_space<vmem_shared>> -> memref<80x64xf32, #tpu.memory_space<vmem_shared>>
      tpu.enqueue_dma source(%arg7 : memref<80x64xf32, #tpu.memory_space<vmem>>) target(%dma_start3A_85 : memref<80x64xf32, #tpu.memory_space<vmem_shared>>) target_semaphore(%run_scoped3A_81 : memref<!tpu.dma_semaphore, #tpu.memory_space<semaphore_mem>>)
      %dma_wait3A_86 = arith.constant 0 : i32
      %dma_wait3A_87 = tpu.memref_slice %arg12[%add3A_35, %dma_wait3A_86] : memref<10000x64xf32, #tpu.memory_space<vmem_shared>> -> memref<80x64xf32, #tpu.memory_space<vmem_shared>>
      %dma_wait3A_88 = arith.constant 0 : i32
      %dma_wait3A_89 = tpu.memref_slice %arg12[%add3A_35, %dma_wait3A_88] : memref<10000x64xf32, #tpu.memory_space<vmem_shared>> -> memref<80x64xf32, #tpu.memory_space<vmem_shared>>
      tpu.wait_dma2 semaphore(%run_scoped3A_81 : memref<!tpu.dma_semaphore, #tpu.memory_space<semaphore_mem>>) src(%arg7 : memref<80x64xf32, #tpu.memory_space<vmem>>) dst(%dma_wait3A_89 : memref<80x64xf32, #tpu.memory_space<vmem_shared>>)
      tpu.yield
    }) : () -> ()
    %mul3A_36 = arith.constant 625 : i32
    %mul3A_37 = arith.muli %arg1, %mul3A_36 : i32
    %add3A_38 = arith.constant 560 : i32
    %add3A_39 = arith.addi %mul3A_37, %add3A_38 : i32
    "tpu.region"() ({
      %run_scoped3A_81 = tpu.sem_alloc : memref<!tpu.dma_semaphore, #tpu.memory_space<semaphore_mem>>
      %dma_start3A_82 = arith.constant 0 : i32
      %dma_start3A_83 = arith.constant 0 : i32
      %dma_start3A_84 = tpu.memref_slice %arg7[%dma_start3A_82, %dma_start3A_83] : memref<80x64xf32, #tpu.memory_space<vmem>> -> memref<65x64xf32, #tpu.memory_space<vmem>>
      %dma_start3A_85 = arith.constant 0 : i32
      %dma_start3A_86 = tpu.memref_slice %arg12[%add3A_39, %dma_start3A_85] : memref<10000x64xf32, #tpu.memory_space<vmem_shared>> -> memref<65x64xf32, #tpu.memory_space<vmem_shared>>
      %dma_start3A_87 = arith.constant 0 : i32
      %dma_start3A_88 = tpu.memref_slice %arg12[%add3A_39, %dma_start3A_87] : memref<10000x64xf32, #tpu.memory_space<vmem_shared>> -> memref<65x64xf32, #tpu.memory_space<vmem_shared>>
      %dma_start3A_89 = arith.constant 0 : i32
      %dma_start3A_90 = arith.constant 0 : i32
      %dma_start3A_91 = tpu.memref_slice %arg7[%dma_start3A_89, %dma_start3A_90] : memref<80x64xf32, #tpu.memory_space<vmem>> -> memref<65x64xf32, #tpu.memory_space<vmem>>
      tpu.enqueue_dma source(%dma_start3A_91 : memref<65x64xf32, #tpu.memory_space<vmem>>) target(%dma_start3A_88 : memref<65x64xf32, #tpu.memory_space<vmem_shared>>) target_semaphore(%run_scoped3A_81 : memref<!tpu.dma_semaphore, #tpu.memory_space<semaphore_mem>>)
      %dma_wait3A_92 = arith.constant 0 : i32
      %dma_wait3A_93 = arith.constant 0 : i32
      %dma_wait3A_94 = tpu.memref_slice %arg7[%dma_wait3A_92, %dma_wait3A_93] : memref<80x64xf32, #tpu.memory_space<vmem>> -> memref<65x64xf32, #tpu.memory_space<vmem>>
      %dma_wait3A_95 = arith.constant 0 : i32
      %dma_wait3A_96 = tpu.memref_slice %arg12[%add3A_39, %dma_wait3A_95] : memref<10000x64xf32, #tpu.memory_space<vmem_shared>> -> memref<65x64xf32, #tpu.memory_space<vmem_shared>>
      %dma_wait3A_97 = arith.constant 0 : i32
      %dma_wait3A_98 = tpu.memref_slice %arg12[%add3A_39, %dma_wait3A_97] : memref<10000x64xf32, #tpu.memory_space<vmem_shared>> -> memref<65x64xf32, #tpu.memory_space<vmem_shared>>
      %dma_wait3A_99 = arith.constant 0 : i32
      %dma_wait3A_100 = arith.constant 0 : i32
      %dma_wait3A_101 = tpu.memref_slice %arg7[%dma_wait3A_99, %dma_wait3A_100] : memref<80x64xf32, #tpu.memory_space<vmem>> -> memref<65x64xf32, #tpu.memory_space<vmem>>
      tpu.wait_dma2 semaphore(%run_scoped3A_81 : memref<!tpu.dma_semaphore, #tpu.memory_space<semaphore_mem>>) src(%dma_wait3A_101 : memref<65x64xf32, #tpu.memory_space<vmem>>) dst(%dma_wait3A_98 : memref<65x64xf32, #tpu.memory_space<vmem_shared>>)
      tpu.yield
    }) : () -> ()
    %run_scoped3A = arith.constant 0 : i32
    "tpu.region"() ({
      %run_scoped3A_81 = tpu.sem_alloc : memref<!tpu.dma_semaphore, #tpu.memory_space<semaphore_mem>>
      %dma_start3A_82 = arith.constant 0 : i32
      %dma_start3A_83 = arith.constant 0 : i32
      %dma_start3A_84 = tpu.memref_slice %arg3[%run_scoped3A, %arg1, %dma_start3A_82, %dma_start3A_83] : memref<2x16x250x80xi32, #tpu.memory_space<hbm>> -> memref<1x1x250x80xi32, #tpu.memory_space<hbm>>
      %dma_start3A_85 = tpu.memref_squeeze %dma_start3A_84 : memref<1x1x250x80xi32, #tpu.memory_space<hbm>> -> memref<250x80xi32, #tpu.memory_space<hbm>>
      %dma_start3A_86 = arith.constant 0 : i32
      %dma_start3A_87 = arith.constant 0 : i32
      %dma_start3A_88 = tpu.memref_slice %arg3[%run_scoped3A, %arg1, %dma_start3A_86, %dma_start3A_87] : memref<2x16x250x80xi32, #tpu.memory_space<hbm>> -> memref<1x1x250x80xi32, #tpu.memory_space<hbm>>
      %dma_start3A_89 = tpu.memref_squeeze %dma_start3A_88 : memref<1x1x250x80xi32, #tpu.memory_space<hbm>> -> memref<250x80xi32, #tpu.memory_space<hbm>>
      tpu.enqueue_dma source(%dma_start3A_89 : memref<250x80xi32, #tpu.memory_space<hbm>>) target(%arg5 : memref<250x80xi32, #tpu.memory_space<vmem>>) target_semaphore(%run_scoped3A_81 : memref<!tpu.dma_semaphore, #tpu.memory_space<semaphore_mem>>)
      %dma_wait3A_90 = arith.constant 0 : i32
      %dma_wait3A_91 = arith.constant 0 : i32
      %dma_wait3A_92 = tpu.memref_slice %arg3[%run_scoped3A, %arg1, %dma_wait3A_90, %dma_wait3A_91] : memref<2x16x250x80xi32, #tpu.memory_space<hbm>> -> memref<1x1x250x80xi32, #tpu.memory_space<hbm>>
      %dma_wait3A_93 = tpu.memref_squeeze %dma_wait3A_92 : memref<1x1x250x80xi32, #tpu.memory_space<hbm>> -> memref<250x80xi32, #tpu.memory_space<hbm>>
      %dma_wait3A_94 = arith.constant 0 : i32
      %dma_wait3A_95 = arith.constant 0 : i32
      %dma_wait3A_96 = tpu.memref_slice %arg3[%run_scoped3A, %arg1, %dma_wait3A_94, %dma_wait3A_95] : memref<2x16x250x80xi32, #tpu.memory_space<hbm>> -> memref<1x1x250x80xi32, #tpu.memory_space<hbm>>
      %dma_wait3A_97 = tpu.memref_squeeze %dma_wait3A_96 : memref<1x1x250x80xi32, #tpu.memory_space<hbm>> -> memref<250x80xi32, #tpu.memory_space<hbm>>
      tpu.wait_dma2 semaphore(%run_scoped3A_81 : memref<!tpu.dma_semaphore, #tpu.memory_space<semaphore_mem>>) src(%dma_wait3A_97 : memref<250x80xi32, #tpu.memory_space<hbm>>) dst(%arg5 : memref<250x80xi32, #tpu.memory_space<vmem>>)
      tpu.yield
    }) : () -> ()
    %run_scoped3A_40 = arith.constant 1 : i32
    "tpu.region"() ({
      %run_scoped3A_81 = tpu.sem_alloc : memref<!tpu.dma_semaphore, #tpu.memory_space<semaphore_mem>>
      %dma_start3A_82 = arith.constant 0 : i32
      %dma_start3A_83 = arith.constant 0 : i32
      %dma_start3A_84 = tpu.memref_slice %arg3[%run_scoped3A_40, %arg1, %dma_start3A_82, %dma_start3A_83] : memref<2x16x250x80xi32, #tpu.memory_space<hbm>> -> memref<1x1x250x80xi32, #tpu.memory_space<hbm>>
      %dma_start3A_85 = tpu.memref_squeeze %dma_start3A_84 : memref<1x1x250x80xi32, #tpu.memory_space<hbm>> -> memref<250x80xi32, #tpu.memory_space<hbm>>
      %dma_start3A_86 = arith.constant 0 : i32
      %dma_start3A_87 = arith.constant 0 : i32
      %dma_start3A_88 = tpu.memref_slice %arg3[%run_scoped3A_40, %arg1, %dma_start3A_86, %dma_start3A_87] : memref<2x16x250x80xi32, #tpu.memory_space<hbm>> -> memref<1x1x250x80xi32, #tpu.memory_space<hbm>>
      %dma_start3A_89 = tpu.memref_squeeze %dma_start3A_88 : memref<1x1x250x80xi32, #tpu.memory_space<hbm>> -> memref<250x80xi32, #tpu.memory_space<hbm>>
      tpu.enqueue_dma source(%dma_start3A_89 : memref<250x80xi32, #tpu.memory_space<hbm>>) target(%arg6 : memref<250x80xi32, #tpu.memory_space<vmem>>) target_semaphore(%run_scoped3A_81 : memref<!tpu.dma_semaphore, #tpu.memory_space<semaphore_mem>>)
      %dma_wait3A_90 = arith.constant 0 : i32
      %dma_wait3A_91 = arith.constant 0 : i32
      %dma_wait3A_92 = tpu.memref_slice %arg3[%run_scoped3A_40, %arg1, %dma_wait3A_90, %dma_wait3A_91] : memref<2x16x250x80xi32, #tpu.memory_space<hbm>> -> memref<1x1x250x80xi32, #tpu.memory_space<hbm>>
      %dma_wait3A_93 = tpu.memref_squeeze %dma_wait3A_92 : memref<1x1x250x80xi32, #tpu.memory_space<hbm>> -> memref<250x80xi32, #tpu.memory_space<hbm>>
      %dma_wait3A_94 = arith.constant 0 : i32
      %dma_wait3A_95 = arith.constant 0 : i32
      %dma_wait3A_96 = tpu.memref_slice %arg3[%run_scoped3A_40, %arg1, %dma_wait3A_94, %dma_wait3A_95] : memref<2x16x250x80xi32, #tpu.memory_space<hbm>> -> memref<1x1x250x80xi32, #tpu.memory_space<hbm>>
      %dma_wait3A_97 = tpu.memref_squeeze %dma_wait3A_96 : memref<1x1x250x80xi32, #tpu.memory_space<hbm>> -> memref<250x80xi32, #tpu.memory_space<hbm>>
      tpu.wait_dma2 semaphore(%run_scoped3A_81 : memref<!tpu.dma_semaphore, #tpu.memory_space<semaphore_mem>>) src(%dma_wait3A_97 : memref<250x80xi32, #tpu.memory_space<hbm>>) dst(%arg6 : memref<250x80xi32, #tpu.memory_space<vmem>>)
      tpu.yield
    }) : () -> ()
    %barrier3A = arith.constant 0 : index
    tpu.barrier barrier_id(%barrier3A)
    %dma_start3A = arith.constant 0 : i32
    %dma_start3A_41 = arith.constant 0 : i32
    %dma_start3A_42 = tpu.memref_slice %arg5[%dma_start3A, %dma_start3A_41] : memref<250x80xi32, #tpu.memory_space<vmem>> -> memref<1x80xi32, #tpu.memory_space<vmem>>
    %dma_start3A_43 = tpu.memref_squeeze %dma_start3A_42 : memref<1x80xi32, #tpu.memory_space<vmem>> -> memref<80xi32, #tpu.memory_space<vmem>>
    %dma_start3A_44 = arith.constant 0 : i32
    %dma_start3A_45 = arith.constant 0 : i32
    %dma_start3A_46 = tpu.memref_slice %arg11[%dma_start3A_44, %dma_start3A_45] : memref<10000x64xf32, #tpu.memory_space<vmem_shared>> -> memref<10000x64xf32, #tpu.memory_space<vmem_shared>>
    tpu.enqueue_indirect_dma source(%dma_start3A_46 : memref<10000x64xf32, #tpu.memory_space<vmem_shared>>) target(%arg7 : memref<80x64xf32, #tpu.memory_space<vmem>>) offsets(%dma_start3A_43 : memref<80xi32, #tpu.memory_space<vmem>>) semaphore(%arg9 : memref<!tpu.dma_semaphore, #tpu.memory_space<semaphore_mem>>)
    %scan3A_47 = arith.constant 0 : i32
    %scan3A_48 = arith.constant 0 : i32
    %scan3A_49 = arith.constant 124 : i32
    %scan3A_50 = arith.addi %scan3A_48, %scan3A_49 : i32
    %scan3A_51 = arith.constant 1 : i32
    %scan3A_52 = scf.for %scan3A_81 = %scan3A_48 to %scan3A_50 step %scan3A_51 iter_args(%scan3A_82 = %scan3A_47) -> (i32)  : i32 {
      %mul3A_83 = arith.constant 2 : i32
      %mul3A_84 = arith.muli %mul3A_83, %scan3A_81 : i32
      %add3A_85 = arith.constant 1 : i32
      %add3A_86 = arith.addi %mul3A_84, %add3A_85 : i32
      %dma_start3A_87 = arith.constant 0 : i32
      %dma_start3A_88 = tpu.memref_slice %arg5[%add3A_86, %dma_start3A_87] : memref<250x80xi32, #tpu.memory_space<vmem>> -> memref<1x80xi32, #tpu.memory_space<vmem>>
      %dma_start3A_89 = tpu.memref_squeeze %dma_start3A_88 : memref<1x80xi32, #tpu.memory_space<vmem>> -> memref<80xi32, #tpu.memory_space<vmem>>
      %dma_start3A_90 = arith.constant 0 : i32
      %dma_start3A_91 = arith.constant 0 : i32
      %dma_start3A_92 = tpu.memref_slice %arg11[%dma_start3A_90, %dma_start3A_91] : memref<10000x64xf32, #tpu.memory_space<vmem_shared>> -> memref<10000x64xf32, #tpu.memory_space<vmem_shared>>
      tpu.enqueue_indirect_dma source(%dma_start3A_92 : memref<10000x64xf32, #tpu.memory_space<vmem_shared>>) target(%arg8 : memref<80x64xf32, #tpu.memory_space<vmem>>) offsets(%dma_start3A_89 : memref<80xi32, #tpu.memory_space<vmem>>) semaphore(%arg10 : memref<!tpu.dma_semaphore, #tpu.memory_space<semaphore_mem>>)
      %dma_wait3A_93 = arith.constant 0 : i32
      %dma_wait3A_94 = tpu.memref_slice %arg5[%mul3A_84, %dma_wait3A_93] : memref<250x80xi32, #tpu.memory_space<vmem>> -> memref<1x80xi32, #tpu.memory_space<vmem>>
      %dma_wait3A_95 = tpu.memref_squeeze %dma_wait3A_94 : memref<1x80xi32, #tpu.memory_space<vmem>> -> memref<80xi32, #tpu.memory_space<vmem>>
      %dma_wait3A_96 = arith.constant 0 : i32
      %dma_wait3A_97 = arith.constant 0 : i32
      %dma_wait3A_98 = tpu.memref_slice %arg11[%dma_wait3A_96, %dma_wait3A_97] : memref<10000x64xf32, #tpu.memory_space<vmem_shared>> -> memref<10000x64xf32, #tpu.memory_space<vmem_shared>>
      tpu.wait_indirect_dma semaphore(%arg9 : memref<!tpu.dma_semaphore, #tpu.memory_space<semaphore_mem>>) src(%dma_wait3A_98 : memref<10000x64xf32, #tpu.memory_space<vmem_shared>>) dst(%arg7 : memref<80x64xf32, #tpu.memory_space<vmem>>)
      "tpu.region"() ({
        %run_scoped3A_116 = tpu.sem_alloc : memref<!tpu.dma_semaphore, #tpu.memory_space<semaphore_mem>>
        %dma_start3A_117 = arith.constant 0 : i32
        %dma_start3A_118 = tpu.memref_slice %arg6[%mul3A_84, %dma_start3A_117] : memref<250x80xi32, #tpu.memory_space<vmem>> -> memref<1x80xi32, #tpu.memory_space<vmem>>
        %dma_start3A_119 = tpu.memref_squeeze %dma_start3A_118 : memref<1x80xi32, #tpu.memory_space<vmem>> -> memref<80xi32, #tpu.memory_space<vmem>>
        %dma_start3A_120 = arith.constant 0 : i32
        %dma_start3A_121 = arith.constant 0 : i32
        %dma_start3A_122 = tpu.memref_slice %arg12[%dma_start3A_120, %dma_start3A_121] : memref<10000x64xf32, #tpu.memory_space<vmem_shared>> -> memref<10000x64xf32, #tpu.memory_space<vmem_shared>>
        tpu.enqueue_indirect_dma source(%arg7 : memref<80x64xf32, #tpu.memory_space<vmem>>) target(%dma_start3A_122 : memref<10000x64xf32, #tpu.memory_space<vmem_shared>>) offsets(%dma_start3A_119 : memref<80xi32, #tpu.memory_space<vmem>>) semaphore(%run_scoped3A_116 : memref<!tpu.dma_semaphore, #tpu.memory_space<semaphore_mem>>) {add = true}
        %dma_wait3A_123 = arith.constant 0 : i32
        %dma_wait3A_124 = tpu.memref_slice %arg6[%mul3A_84, %dma_wait3A_123] : memref<250x80xi32, #tpu.memory_space<vmem>> -> memref<1x80xi32, #tpu.memory_space<vmem>>
        %dma_wait3A_125 = tpu.memref_squeeze %dma_wait3A_124 : memref<1x80xi32, #tpu.memory_space<vmem>> -> memref<80xi32, #tpu.memory_space<vmem>>
        %dma_wait3A_126 = arith.constant 0 : i32
        %dma_wait3A_127 = arith.constant 0 : i32
        %dma_wait3A_128 = tpu.memref_slice %arg12[%dma_wait3A_126, %dma_wait3A_127] : memref<10000x64xf32, #tpu.memory_space<vmem_shared>> -> memref<10000x64xf32, #tpu.memory_space<vmem_shared>>
        tpu.wait_indirect_dma semaphore(%run_scoped3A_116 : memref<!tpu.dma_semaphore, #tpu.memory_space<semaphore_mem>>) src(%arg7 : memref<80x64xf32, #tpu.memory_space<vmem>>) dst(%dma_wait3A_128 : memref<10000x64xf32, #tpu.memory_space<vmem_shared>>)
        tpu.yield
      }) : () -> ()
      %add3A_99 = arith.constant 2 : i32
      %add3A_100 = arith.addi %mul3A_84, %add3A_99 : i32
      %dma_start3A_101 = arith.constant 0 : i32
      %dma_start3A_102 = tpu.memref_slice %arg5[%add3A_100, %dma_start3A_101] : memref<250x80xi32, #tpu.memory_space<vmem>> -> memref<1x80xi32, #tpu.memory_space<vmem>>
      %dma_start3A_103 = tpu.memref_squeeze %dma_start3A_102 : memref<1x80xi32, #tpu.memory_space<vmem>> -> memref<80xi32, #tpu.memory_space<vmem>>
      %dma_start3A_104 = arith.constant 0 : i32
      %dma_start3A_105 = arith.constant 0 : i32
      %dma_start3A_106 = tpu.memref_slice %arg11[%dma_start3A_104, %dma_start3A_105] : memref<10000x64xf32, #tpu.memory_space<vmem_shared>> -> memref<10000x64xf32, #tpu.memory_space<vmem_shared>>
      tpu.enqueue_indirect_dma source(%dma_start3A_106 : memref<10000x64xf32, #tpu.memory_space<vmem_shared>>) target(%arg7 : memref<80x64xf32, #tpu.memory_space<vmem>>) offsets(%dma_start3A_103 : memref<80xi32, #tpu.memory_space<vmem>>) semaphore(%arg9 : memref<!tpu.dma_semaphore, #tpu.memory_space<semaphore_mem>>)
      %add3A_107 = arith.constant 1 : i32
      %add3A_108 = arith.addi %mul3A_84, %add3A_107 : i32
      %dma_wait3A_109 = arith.constant 0 : i32
      %dma_wait3A_110 = tpu.memref_slice %arg5[%add3A_108, %dma_wait3A_109] : memref<250x80xi32, #tpu.memory_space<vmem>> -> memref<1x80xi32, #tpu.memory_space<vmem>>
      %dma_wait3A_111 = tpu.memref_squeeze %dma_wait3A_110 : memref<1x80xi32, #tpu.memory_space<vmem>> -> memref<80xi32, #tpu.memory_space<vmem>>
      %dma_wait3A_112 = arith.constant 0 : i32
      %dma_wait3A_113 = arith.constant 0 : i32
      %dma_wait3A_114 = tpu.memref_slice %arg11[%dma_wait3A_112, %dma_wait3A_113] : memref<10000x64xf32, #tpu.memory_space<vmem_shared>> -> memref<10000x64xf32, #tpu.memory_space<vmem_shared>>
      tpu.wait_indirect_dma semaphore(%arg10 : memref<!tpu.dma_semaphore, #tpu.memory_space<semaphore_mem>>) src(%dma_wait3A_114 : memref<10000x64xf32, #tpu.memory_space<vmem_shared>>) dst(%arg8 : memref<80x64xf32, #tpu.memory_space<vmem>>)
      "tpu.region"() ({
        %run_scoped3A_116 = tpu.sem_alloc : memref<!tpu.dma_semaphore, #tpu.memory_space<semaphore_mem>>
        %dma_start3A_117 = arith.constant 0 : i32
        %dma_start3A_118 = tpu.memref_slice %arg6[%add3A_108, %dma_start3A_117] : memref<250x80xi32, #tpu.memory_space<vmem>> -> memref<1x80xi32, #tpu.memory_space<vmem>>
        %dma_start3A_119 = tpu.memref_squeeze %dma_start3A_118 : memref<1x80xi32, #tpu.memory_space<vmem>> -> memref<80xi32, #tpu.memory_space<vmem>>
        %dma_start3A_120 = arith.constant 0 : i32
        %dma_start3A_121 = arith.constant 0 : i32
        %dma_start3A_122 = tpu.memref_slice %arg12[%dma_start3A_120, %dma_start3A_121] : memref<10000x64xf32, #tpu.memory_space<vmem_shared>> -> memref<10000x64xf32, #tpu.memory_space<vmem_shared>>
        tpu.enqueue_indirect_dma source(%arg8 : memref<80x64xf32, #tpu.memory_space<vmem>>) target(%dma_start3A_122 : memref<10000x64xf32, #tpu.memory_space<vmem_shared>>) offsets(%dma_start3A_119 : memref<80xi32, #tpu.memory_space<vmem>>) semaphore(%run_scoped3A_116 : memref<!tpu.dma_semaphore, #tpu.memory_space<semaphore_mem>>) {add = true}
        %dma_wait3A_123 = arith.constant 0 : i32
        %dma_wait3A_124 = tpu.memref_slice %arg6[%add3A_108, %dma_wait3A_123] : memref<250x80xi32, #tpu.memory_space<vmem>> -> memref<1x80xi32, #tpu.memory_space<vmem>>
        %dma_wait3A_125 = tpu.memref_squeeze %dma_wait3A_124 : memref<1x80xi32, #tpu.memory_space<vmem>> -> memref<80xi32, #tpu.memory_space<vmem>>
        %dma_wait3A_126 = arith.constant 0 : i32
        %dma_wait3A_127 = arith.constant 0 : i32
        %dma_wait3A_128 = tpu.memref_slice %arg12[%dma_wait3A_126, %dma_wait3A_127] : memref<10000x64xf32, #tpu.memory_space<vmem_shared>> -> memref<10000x64xf32, #tpu.memory_space<vmem_shared>>
        tpu.wait_indirect_dma semaphore(%run_scoped3A_116 : memref<!tpu.dma_semaphore, #tpu.memory_space<semaphore_mem>>) src(%arg8 : memref<80x64xf32, #tpu.memory_space<vmem>>) dst(%dma_wait3A_128 : memref<10000x64xf32, #tpu.memory_space<vmem_shared>>)
        tpu.yield
      }) : () -> ()
      %scan3A_115 = arith.constant 0 : i32
      scf.yield %scan3A_115 : i32
    }
    %scan3A_53 = arith.constant 124 : i32
    %dma_start3A_54 = arith.constant 249 : i32
    %dma_start3A_55 = arith.constant 0 : i32
    %dma_start3A_56 = tpu.memref_slice %arg5[%dma_start3A_54, %dma_start3A_55] : memref<250x80xi32, #tpu.memory_space<vmem>> -> memref<1x80xi32, #tpu.memory_space<vmem>>
    %dma_start3A_57 = tpu.memref_squeeze %dma_start3A_56 : memref<1x80xi32, #tpu.memory_space<vmem>> -> memref<80xi32, #tpu.memory_space<vmem>>
    %dma_start3A_58 = arith.constant 0 : i32
    %dma_start3A_59 = arith.constant 0 : i32
    %dma_start3A_60 = tpu.memref_slice %arg11[%dma_start3A_58, %dma_start3A_59] : memref<10000x64xf32, #tpu.memory_space<vmem_shared>> -> memref<10000x64xf32, #tpu.memory_space<vmem_shared>>
    tpu.enqueue_indirect_dma source(%dma_start3A_60 : memref<10000x64xf32, #tpu.memory_space<vmem_shared>>) target(%arg8 : memref<80x64xf32, #tpu.memory_space<vmem>>) offsets(%dma_start3A_57 : memref<80xi32, #tpu.memory_space<vmem>>) semaphore(%arg10 : memref<!tpu.dma_semaphore, #tpu.memory_space<semaphore_mem>>)
    %dma_wait3A = arith.constant 248 : i32
    %dma_wait3A_61 = arith.constant 0 : i32
    %dma_wait3A_62 = tpu.memref_slice %arg5[%dma_wait3A, %dma_wait3A_61] : memref<250x80xi32, #tpu.memory_space<vmem>> -> memref<1x80xi32, #tpu.memory_space<vmem>>
    %dma_wait3A_63 = tpu.memref_squeeze %dma_wait3A_62 : memref<1x80xi32, #tpu.memory_space<vmem>> -> memref<80xi32, #tpu.memory_space<vmem>>
    %dma_wait3A_64 = arith.constant 0 : i32
    %dma_wait3A_65 = arith.constant 0 : i32
    %dma_wait3A_66 = tpu.memref_slice %arg11[%dma_wait3A_64, %dma_wait3A_65] : memref<10000x64xf32, #tpu.memory_space<vmem_shared>> -> memref<10000x64xf32, #tpu.memory_space<vmem_shared>>
    tpu.wait_indirect_dma semaphore(%arg9 : memref<!tpu.dma_semaphore, #tpu.memory_space<semaphore_mem>>) src(%dma_wait3A_66 : memref<10000x64xf32, #tpu.memory_space<vmem_shared>>) dst(%arg7 : memref<80x64xf32, #tpu.memory_space<vmem>>)
    %run_scoped3A_67 = arith.constant 248 : i32
    "tpu.region"() ({
      %run_scoped3A_81 = tpu.sem_alloc : memref<!tpu.dma_semaphore, #tpu.memory_space<semaphore_mem>>
      %dma_start3A_82 = arith.constant 0 : i32
      %dma_start3A_83 = tpu.memref_slice %arg6[%run_scoped3A_67, %dma_start3A_82] : memref<250x80xi32, #tpu.memory_space<vmem>> -> memref<1x80xi32, #tpu.memory_space<vmem>>
      %dma_start3A_84 = tpu.memref_squeeze %dma_start3A_83 : memref<1x80xi32, #tpu.memory_space<vmem>> -> memref<80xi32, #tpu.memory_space<vmem>>
      %dma_start3A_85 = arith.constant 0 : i32
      %dma_start3A_86 = arith.constant 0 : i32
      %dma_start3A_87 = tpu.memref_slice %arg12[%dma_start3A_85, %dma_start3A_86] : memref<10000x64xf32, #tpu.memory_space<vmem_shared>> -> memref<10000x64xf32, #tpu.memory_space<vmem_shared>>
      tpu.enqueue_indirect_dma source(%arg7 : memref<80x64xf32, #tpu.memory_space<vmem>>) target(%dma_start3A_87 : memref<10000x64xf32, #tpu.memory_space<vmem_shared>>) offsets(%dma_start3A_84 : memref<80xi32, #tpu.memory_space<vmem>>) semaphore(%run_scoped3A_81 : memref<!tpu.dma_semaphore, #tpu.memory_space<semaphore_mem>>) {add = true}
      %dma_wait3A_88 = arith.constant 0 : i32
      %dma_wait3A_89 = tpu.memref_slice %arg6[%run_scoped3A_67, %dma_wait3A_88] : memref<250x80xi32, #tpu.memory_space<vmem>> -> memref<1x80xi32, #tpu.memory_space<vmem>>
      %dma_wait3A_90 = tpu.memref_squeeze %dma_wait3A_89 : memref<1x80xi32, #tpu.memory_space<vmem>> -> memref<80xi32, #tpu.memory_space<vmem>>
      %dma_wait3A_91 = arith.constant 0 : i32
      %dma_wait3A_92 = arith.constant 0 : i32
      %dma_wait3A_93 = tpu.memref_slice %arg12[%dma_wait3A_91, %dma_wait3A_92] : memref<10000x64xf32, #tpu.memory_space<vmem_shared>> -> memref<10000x64xf32, #tpu.memory_space<vmem_shared>>
      tpu.wait_indirect_dma semaphore(%run_scoped3A_81 : memref<!tpu.dma_semaphore, #tpu.memory_space<semaphore_mem>>) src(%arg7 : memref<80x64xf32, #tpu.memory_space<vmem>>) dst(%dma_wait3A_93 : memref<10000x64xf32, #tpu.memory_space<vmem_shared>>)
      tpu.yield
    }) : () -> ()
    %dma_wait3A_68 = arith.constant 249 : i32
    %dma_wait3A_69 = arith.constant 0 : i32
    %dma_wait3A_70 = tpu.memref_slice %arg5[%dma_wait3A_68, %dma_wait3A_69] : memref<250x80xi32, #tpu.memory_space<vmem>> -> memref<1x80xi32, #tpu.memory_space<vmem>>
    %dma_wait3A_71 = tpu.memref_squeeze %dma_wait3A_70 : memref<1x80xi32, #tpu.memory_space<vmem>> -> memref<80xi32, #tpu.memory_space<vmem>>
    %dma_wait3A_72 = arith.constant 0 : i32
    %dma_wait3A_73 = arith.constant 0 : i32
    %dma_wait3A_74 = tpu.memref_slice %arg11[%dma_wait3A_72, %dma_wait3A_73] : memref<10000x64xf32, #tpu.memory_space<vmem_shared>> -> memref<10000x64xf32, #tpu.memory_space<vmem_shared>>
    tpu.wait_indirect_dma semaphore(%arg10 : memref<!tpu.dma_semaphore, #tpu.memory_space<semaphore_mem>>) src(%dma_wait3A_74 : memref<10000x64xf32, #tpu.memory_space<vmem_shared>>) dst(%arg8 : memref<80x64xf32, #tpu.memory_space<vmem>>)
    %run_scoped3A_75 = arith.constant 249 : i32
    "tpu.region"() ({
      %run_scoped3A_81 = tpu.sem_alloc : memref<!tpu.dma_semaphore, #tpu.memory_space<semaphore_mem>>
      %dma_start3A_82 = arith.constant 0 : i32
      %dma_start3A_83 = tpu.memref_slice %arg6[%run_scoped3A_75, %dma_start3A_82] : memref<250x80xi32, #tpu.memory_space<vmem>> -> memref<1x80xi32, #tpu.memory_space<vmem>>
      %dma_start3A_84 = tpu.memref_squeeze %dma_start3A_83 : memref<1x80xi32, #tpu.memory_space<vmem>> -> memref<80xi32, #tpu.memory_space<vmem>>
      %dma_start3A_85 = arith.constant 0 : i32
      %dma_start3A_86 = arith.constant 0 : i32
      %dma_start3A_87 = tpu.memref_slice %arg12[%dma_start3A_85, %dma_start3A_86] : memref<10000x64xf32, #tpu.memory_space<vmem_shared>> -> memref<10000x64xf32, #tpu.memory_space<vmem_shared>>
      tpu.enqueue_indirect_dma source(%arg8 : memref<80x64xf32, #tpu.memory_space<vmem>>) target(%dma_start3A_87 : memref<10000x64xf32, #tpu.memory_space<vmem_shared>>) offsets(%dma_start3A_84 : memref<80xi32, #tpu.memory_space<vmem>>) semaphore(%run_scoped3A_81 : memref<!tpu.dma_semaphore, #tpu.memory_space<semaphore_mem>>) {add = true}
      %dma_wait3A_88 = arith.constant 0 : i32
      %dma_wait3A_89 = tpu.memref_slice %arg6[%run_scoped3A_75, %dma_wait3A_88] : memref<250x80xi32, #tpu.memory_space<vmem>> -> memref<1x80xi32, #tpu.memory_space<vmem>>
      %dma_wait3A_90 = tpu.memref_squeeze %dma_wait3A_89 : memref<1x80xi32, #tpu.memory_space<vmem>> -> memref<80xi32, #tpu.memory_space<vmem>>
      %dma_wait3A_91 = arith.constant 0 : i32
      %dma_wait3A_92 = arith.constant 0 : i32
      %dma_wait3A_93 = tpu.memref_slice %arg12[%dma_wait3A_91, %dma_wait3A_92] : memref<10000x64xf32, #tpu.memory_space<vmem_shared>> -> memref<10000x64xf32, #tpu.memory_space<vmem_shared>>
      tpu.wait_indirect_dma semaphore(%run_scoped3A_81 : memref<!tpu.dma_semaphore, #tpu.memory_space<semaphore_mem>>) src(%arg8 : memref<80x64xf32, #tpu.memory_space<vmem>>) dst(%dma_wait3A_93 : memref<10000x64xf32, #tpu.memory_space<vmem_shared>>)
      tpu.yield
    }) : () -> ()
    %barrier3A_76 = arith.constant 0 : index
    tpu.barrier barrier_id(%barrier3A_76)
    %mul3A_77 = arith.constant 625 : i32
    %mul3A_78 = arith.muli %arg1, %mul3A_77 : i32
    %mul3A_79 = arith.constant 625 : i32
    %mul3A_80 = arith.muli %arg1, %mul3A_79 : i32
    "tpu.region"() ({
      %run_scoped3A_81 = tpu.sem_alloc : memref<!tpu.dma_semaphore, #tpu.memory_space<semaphore_mem>>
      %dma_start3A_82 = arith.constant 0 : i32
      %dma_start3A_83 = tpu.memref_slice %arg4[%arg0, %mul3A_80, %dma_start3A_82] : memref<2x10000x64xf32, #tpu.memory_space<hbm>> -> memref<1x625x64xf32, #tpu.memory_space<hbm>>
      %dma_start3A_84 = tpu.memref_squeeze %dma_start3A_83 : memref<1x625x64xf32, #tpu.memory_space<hbm>> -> memref<625x64xf32, #tpu.memory_space<hbm>>
      %dma_start3A_85 = arith.constant 0 : i32
      %dma_start3A_86 = tpu.memref_slice %arg12[%mul3A_78, %dma_start3A_85] : memref<10000x64xf32, #tpu.memory_space<vmem_shared>> -> memref<625x64xf32, #tpu.memory_space<vmem_shared>>
      tpu.enqueue_dma source(%dma_start3A_86 : memref<625x64xf32, #tpu.memory_space<vmem_shared>>) target(%dma_start3A_84 : memref<625x64xf32, #tpu.memory_space<hbm>>) target_semaphore(%run_scoped3A_81 : memref<!tpu.dma_semaphore, #tpu.memory_space<semaphore_mem>>)
      %dma_wait3A_87 = arith.constant 0 : i32
      %dma_wait3A_88 = tpu.memref_slice %arg4[%arg0, %mul3A_80, %dma_wait3A_87] : memref<2x10000x64xf32, #tpu.memory_space<hbm>> -> memref<1x625x64xf32, #tpu.memory_space<hbm>>
      %dma_wait3A_89 = tpu.memref_squeeze %dma_wait3A_88 : memref<1x625x64xf32, #tpu.memory_space<hbm>> -> memref<625x64xf32, #tpu.memory_space<hbm>>
      %dma_wait3A_90 = arith.constant 0 : i32
      %dma_wait3A_91 = tpu.memref_slice %arg12[%mul3A_78, %dma_wait3A_90] : memref<10000x64xf32, #tpu.memory_space<vmem_shared>> -> memref<625x64xf32, #tpu.memory_space<vmem_shared>>
      tpu.wait_dma2 semaphore(%run_scoped3A_81 : memref<!tpu.dma_semaphore, #tpu.memory_space<semaphore_mem>>) src(%dma_wait3A_91 : memref<625x64xf32, #tpu.memory_space<vmem_shared>>) dst(%dma_wait3A_89 : memref<625x64xf32, #tpu.memory_space<hbm>>)
      tpu.yield
    }) : () -> ()
    return
  }
}

#map = affine_map<(d0, d1) -> (0, 0, 0, 0)>
#map1 = affine_map<(d0, d1) -> (0, 0)>
module attributes {stable_mosaic.version = 14 : i64} {
  func.func @_deg_pass(%arg0: i32, %arg1: i32, %arg2: memref<2x32x125x80xi32, #tpu.memory_space<hbm>>, %arg3: memref<2x10240xf32, #tpu.memory_space<hbm>>, %arg4: memref<125x80xi32, #tpu.memory_space<vmem>>, %arg5: memref<80xf32, #tpu.memory_space<vmem>>, %arg6: memref<640xf32, #tpu.memory_space<vmem>>, %arg7: memref<10240xf32, #tpu.memory_space<vmem_shared>>) attributes {dimension_semantics = [#tpu.dimension_semantics<core_parallel>, #tpu.dimension_semantics<subcore_parallel>], iteration_bounds = array<i64: 2, 16>, scalar_prefetch = 0 : i64, scratch_operands = 4 : i64, tpu.core_type = #tpu.core_type<sc_vector_subcore>, window_params = [{transform_indices = #map}, {transform_indices = #map1}]} {
    %mul3A = arith.constant 16 : i32
    %mul3A_0 = arith.muli %arg0, %mul3A : i32
    %add3A = arith.addi %mul3A_0, %arg1 : i32
    %scan3A = arith.constant 0 : i32
    %scan3A_1 = arith.constant 0 : i32
    %scan3A_2 = arith.constant 40 : i32
    %scan3A_3 = arith.addi %scan3A_1, %scan3A_2 : i32
    %scan3A_4 = arith.constant 1 : i32
    %scan3A_5 = scf.for %scan3A_49 = %scan3A_1 to %scan3A_3 step %scan3A_4 iter_args(%scan3A_50 = %scan3A) -> (i32)  : i32 {
      %broadcast_in_dim3A_51 = arith.constant 0.000000e+00 : f32
      %broadcast_in_dim3A_52 = vector.broadcast %broadcast_in_dim3A_51 : f32 to vector<16xf32>
      %mul3A_53 = arith.constant 16 : i32
      %mul3A_54 = arith.muli %scan3A_49, %mul3A_53 : i32
      %swap3A_55 = arith.index_cast %mul3A_54 : i32 to index
      %swap3A_56 = tpu.vector_load %arg6[%swap3A_55] {strides = array<i32>} : memref<640xf32, #tpu.memory_space<vmem>>, vector<16xf32>,
      %swap3A_57 = vector.shape_cast %swap3A_56 : vector<16xf32> to vector<16xf32>
      %swap3A_58 = vector.shape_cast %broadcast_in_dim3A_52 : vector<16xf32> to vector<16xf32>
      tpu.vector_store %arg6[%swap3A_55], %swap3A_58 {strides = array<i32>} : memref<640xf32, #tpu.memory_space<vmem>>, vector<16xf32>,
      %scan3A_59 = arith.constant 0 : i32
      scf.yield %scan3A_59 : i32
    }
    %scan3A_6 = arith.constant 40 : i32
    %broadcast_in_dim3A = arith.constant 1.000000e+00 : f32
    %broadcast_in_dim3A_7 = vector.broadcast %broadcast_in_dim3A : f32 to vector<16xf32>
    %swap3A = arith.constant 0 : index
    %swap3A_8 = tpu.vector_load %arg5[%swap3A] {strides = array<i32>} : memref<80xf32, #tpu.memory_space<vmem>>, vector<16xf32>,
    %swap3A_9 = vector.shape_cast %swap3A_8 : vector<16xf32> to vector<16xf32>
    %swap3A_10 = vector.shape_cast %broadcast_in_dim3A_7 : vector<16xf32> to vector<16xf32>
    tpu.vector_store %arg5[%swap3A], %swap3A_10 {strides = array<i32>} : memref<80xf32, #tpu.memory_space<vmem>>, vector<16xf32>,
    %broadcast_in_dim3A_11 = arith.constant 1.000000e+00 : f32
    %broadcast_in_dim3A_12 = vector.broadcast %broadcast_in_dim3A_11 : f32 to vector<16xf32>
    %swap3A_13 = arith.constant 16 : index
    %swap3A_14 = tpu.vector_load %arg5[%swap3A_13] {strides = array<i32>} : memref<80xf32, #tpu.memory_space<vmem>>, vector<16xf32>,
    %swap3A_15 = vector.shape_cast %swap3A_14 : vector<16xf32> to vector<16xf32>
    %swap3A_16 = vector.shape_cast %broadcast_in_dim3A_12 : vector<16xf32> to vector<16xf32>
    tpu.vector_store %arg5[%swap3A_13], %swap3A_16 {strides = array<i32>} : memref<80xf32, #tpu.memory_space<vmem>>, vector<16xf32>,
    %broadcast_in_dim3A_17 = arith.constant 1.000000e+00 : f32
    %broadcast_in_dim3A_18 = vector.broadcast %broadcast_in_dim3A_17 : f32 to vector<16xf32>
    %swap3A_19 = arith.constant 32 : index
    %swap3A_20 = tpu.vector_load %arg5[%swap3A_19] {strides = array<i32>} : memref<80xf32, #tpu.memory_space<vmem>>, vector<16xf32>,
    %swap3A_21 = vector.shape_cast %swap3A_20 : vector<16xf32> to vector<16xf32>
    %swap3A_22 = vector.shape_cast %broadcast_in_dim3A_18 : vector<16xf32> to vector<16xf32>
    tpu.vector_store %arg5[%swap3A_19], %swap3A_22 {strides = array<i32>} : memref<80xf32, #tpu.memory_space<vmem>>, vector<16xf32>,
    %broadcast_in_dim3A_23 = arith.constant 1.000000e+00 : f32
    %broadcast_in_dim3A_24 = vector.broadcast %broadcast_in_dim3A_23 : f32 to vector<16xf32>
    %swap3A_25 = arith.constant 48 : index
    %swap3A_26 = tpu.vector_load %arg5[%swap3A_25] {strides = array<i32>} : memref<80xf32, #tpu.memory_space<vmem>>, vector<16xf32>,
    %swap3A_27 = vector.shape_cast %swap3A_26 : vector<16xf32> to vector<16xf32>
    %swap3A_28 = vector.shape_cast %broadcast_in_dim3A_24 : vector<16xf32> to vector<16xf32>
    tpu.vector_store %arg5[%swap3A_25], %swap3A_28 {strides = array<i32>} : memref<80xf32, #tpu.memory_space<vmem>>, vector<16xf32>,
    %broadcast_in_dim3A_29 = arith.constant 1.000000e+00 : f32
    %broadcast_in_dim3A_30 = vector.broadcast %broadcast_in_dim3A_29 : f32 to vector<16xf32>
    %swap3A_31 = arith.constant 64 : index
    %swap3A_32 = tpu.vector_load %arg5[%swap3A_31] {strides = array<i32>} : memref<80xf32, #tpu.memory_space<vmem>>, vector<16xf32>,
    %swap3A_33 = vector.shape_cast %swap3A_32 : vector<16xf32> to vector<16xf32>
    %swap3A_34 = vector.shape_cast %broadcast_in_dim3A_30 : vector<16xf32> to vector<16xf32>
    tpu.vector_store %arg5[%swap3A_31], %swap3A_34 {strides = array<i32>} : memref<80xf32, #tpu.memory_space<vmem>>, vector<16xf32>,
    %mul3A_35 = arith.constant 640 : i32
    %mul3A_36 = arith.muli %arg1, %mul3A_35 : i32
    "tpu.region"() ({
      %run_scoped3A_49 = tpu.sem_alloc : memref<!tpu.dma_semaphore, #tpu.memory_space<semaphore_mem>>
      %dma_start3A = tpu.memref_slice %arg7[%mul3A_36] : memref<10240xf32, #tpu.memory_space<vmem_shared>> -> memref<640xf32, #tpu.memory_space<vmem_shared>>
      %dma_start3A_50 = tpu.memref_slice %arg7[%mul3A_36] : memref<10240xf32, #tpu.memory_space<vmem_shared>> -> memref<640xf32, #tpu.memory_space<vmem_shared>>
      tpu.enqueue_dma source(%arg6 : memref<640xf32, #tpu.memory_space<vmem>>) target(%dma_start3A_50 : memref<640xf32, #tpu.memory_space<vmem_shared>>) target_semaphore(%run_scoped3A_49 : memref<!tpu.dma_semaphore, #tpu.memory_space<semaphore_mem>>)
      %dma_wait3A = tpu.memref_slice %arg7[%mul3A_36] : memref<10240xf32, #tpu.memory_space<vmem_shared>> -> memref<640xf32, #tpu.memory_space<vmem_shared>>
      %dma_wait3A_51 = tpu.memref_slice %arg7[%mul3A_36] : memref<10240xf32, #tpu.memory_space<vmem_shared>> -> memref<640xf32, #tpu.memory_space<vmem_shared>>
      tpu.wait_dma2 semaphore(%run_scoped3A_49 : memref<!tpu.dma_semaphore, #tpu.memory_space<semaphore_mem>>) src(%arg6 : memref<640xf32, #tpu.memory_space<vmem>>) dst(%dma_wait3A_51 : memref<640xf32, #tpu.memory_space<vmem_shared>>)
      tpu.yield
    }) : () -> ()
    %barrier3A = arith.constant 0 : index
    tpu.barrier barrier_id(%barrier3A)
    %run_scoped3A = arith.constant 1 : i32
    "tpu.region"() ({
      %run_scoped3A_49 = tpu.sem_alloc : memref<!tpu.dma_semaphore, #tpu.memory_space<semaphore_mem>>
      %dma_start3A = arith.constant 0 : i32
      %dma_start3A_50 = arith.constant 0 : i32
      %dma_start3A_51 = tpu.memref_slice %arg2[%run_scoped3A, %add3A, %dma_start3A, %dma_start3A_50] : memref<2x32x125x80xi32, #tpu.memory_space<hbm>> -> memref<1x1x125x80xi32, #tpu.memory_space<hbm>>
      %dma_start3A_52 = tpu.memref_squeeze %dma_start3A_51 : memref<1x1x125x80xi32, #tpu.memory_space<hbm>> -> memref<125x80xi32, #tpu.memory_space<hbm>>
      %dma_start3A_53 = arith.constant 0 : i32
      %dma_start3A_54 = arith.constant 0 : i32
      %dma_start3A_55 = tpu.memref_slice %arg2[%run_scoped3A, %add3A, %dma_start3A_53, %dma_start3A_54] : memref<2x32x125x80xi32, #tpu.memory_space<hbm>> -> memref<1x1x125x80xi32, #tpu.memory_space<hbm>>
      %dma_start3A_56 = tpu.memref_squeeze %dma_start3A_55 : memref<1x1x125x80xi32, #tpu.memory_space<hbm>> -> memref<125x80xi32, #tpu.memory_space<hbm>>
      tpu.enqueue_dma source(%dma_start3A_56 : memref<125x80xi32, #tpu.memory_space<hbm>>) target(%arg4 : memref<125x80xi32, #tpu.memory_space<vmem>>) target_semaphore(%run_scoped3A_49 : memref<!tpu.dma_semaphore, #tpu.memory_space<semaphore_mem>>)
      %dma_wait3A = arith.constant 0 : i32
      %dma_wait3A_57 = arith.constant 0 : i32
      %dma_wait3A_58 = tpu.memref_slice %arg2[%run_scoped3A, %add3A, %dma_wait3A, %dma_wait3A_57] : memref<2x32x125x80xi32, #tpu.memory_space<hbm>> -> memref<1x1x125x80xi32, #tpu.memory_space<hbm>>
      %dma_wait3A_59 = tpu.memref_squeeze %dma_wait3A_58 : memref<1x1x125x80xi32, #tpu.memory_space<hbm>> -> memref<125x80xi32, #tpu.memory_space<hbm>>
      %dma_wait3A_60 = arith.constant 0 : i32
      %dma_wait3A_61 = arith.constant 0 : i32
      %dma_wait3A_62 = tpu.memref_slice %arg2[%run_scoped3A, %add3A, %dma_wait3A_60, %dma_wait3A_61] : memref<2x32x125x80xi32, #tpu.memory_space<hbm>> -> memref<1x1x125x80xi32, #tpu.memory_space<hbm>>
      %dma_wait3A_63 = tpu.memref_squeeze %dma_wait3A_62 : memref<1x1x125x80xi32, #tpu.memory_space<hbm>> -> memref<125x80xi32, #tpu.memory_space<hbm>>
      tpu.wait_dma2 semaphore(%run_scoped3A_49 : memref<!tpu.dma_semaphore, #tpu.memory_space<semaphore_mem>>) src(%dma_wait3A_63 : memref<125x80xi32, #tpu.memory_space<hbm>>) dst(%arg4 : memref<125x80xi32, #tpu.memory_space<vmem>>)
      tpu.yield
    }) : () -> ()
    %scan3A_37 = arith.constant 0 : i32
    %scan3A_38 = arith.constant 0 : i32
    %scan3A_39 = arith.constant 125 : i32
    %scan3A_40 = arith.addi %scan3A_38, %scan3A_39 : i32
    %scan3A_41 = arith.constant 1 : i32
    %scan3A_42 = scf.for %scan3A_49 = %scan3A_38 to %scan3A_40 step %scan3A_41 iter_args(%scan3A_50 = %scan3A_37) -> (i32)  : i32 {
      "tpu.region"() ({
        %run_scoped3A_52 = tpu.sem_alloc : memref<!tpu.dma_semaphore, #tpu.memory_space<semaphore_mem>>
        %dma_start3A = arith.constant 0 : i32
        %dma_start3A_53 = tpu.memref_slice %arg4[%scan3A_49, %dma_start3A] : memref<125x80xi32, #tpu.memory_space<vmem>> -> memref<1x80xi32, #tpu.memory_space<vmem>>
        %dma_start3A_54 = tpu.memref_squeeze %dma_start3A_53 : memref<1x80xi32, #tpu.memory_space<vmem>> -> memref<80xi32, #tpu.memory_space<vmem>>
        %dma_start3A_55 = arith.constant 0 : i32
        %dma_start3A_56 = tpu.memref_slice %arg7[%dma_start3A_55] : memref<10240xf32, #tpu.memory_space<vmem_shared>> -> memref<10240xf32, #tpu.memory_space<vmem_shared>>
        tpu.enqueue_indirect_dma source(%arg5 : memref<80xf32, #tpu.memory_space<vmem>>) target(%dma_start3A_56 : memref<10240xf32, #tpu.memory_space<vmem_shared>>) offsets(%dma_start3A_54 : memref<80xi32, #tpu.memory_space<vmem>>) semaphore(%run_scoped3A_52 : memref<!tpu.dma_semaphore, #tpu.memory_space<semaphore_mem>>) {add = true}
        %dma_wait3A = arith.constant 0 : i32
        %dma_wait3A_57 = tpu.memref_slice %arg4[%scan3A_49, %dma_wait3A] : memref<125x80xi32, #tpu.memory_space<vmem>> -> memref<1x80xi32, #tpu.memory_space<vmem>>
        %dma_wait3A_58 = tpu.memref_squeeze %dma_wait3A_57 : memref<1x80xi32, #tpu.memory_space<vmem>> -> memref<80xi32, #tpu.memory_space<vmem>>
        %dma_wait3A_59 = arith.constant 0 : i32
        %dma_wait3A_60 = tpu.memref_slice %arg7[%dma_wait3A_59] : memref<10240xf32, #tpu.memory_space<vmem_shared>> -> memref<10240xf32, #tpu.memory_space<vmem_shared>>
        tpu.wait_indirect_dma semaphore(%run_scoped3A_52 : memref<!tpu.dma_semaphore, #tpu.memory_space<semaphore_mem>>) src(%arg5 : memref<80xf32, #tpu.memory_space<vmem>>) dst(%dma_wait3A_60 : memref<10240xf32, #tpu.memory_space<vmem_shared>>)
        tpu.yield
      }) : () -> ()
      %scan3A_51 = arith.constant 0 : i32
      scf.yield %scan3A_51 : i32
    }
    %scan3A_43 = arith.constant 125 : i32
    %barrier3A_44 = arith.constant 0 : index
    tpu.barrier barrier_id(%barrier3A_44)
    %mul3A_45 = arith.constant 640 : i32
    %mul3A_46 = arith.muli %arg1, %mul3A_45 : i32
    %mul3A_47 = arith.constant 640 : i32
    %mul3A_48 = arith.muli %arg1, %mul3A_47 : i32
    "tpu.region"() ({
      %run_scoped3A_49 = tpu.sem_alloc : memref<!tpu.dma_semaphore, #tpu.memory_space<semaphore_mem>>
      %dma_start3A = tpu.memref_slice %arg3[%arg0, %mul3A_48] : memref<2x10240xf32, #tpu.memory_space<hbm>> -> memref<1x640xf32, #tpu.memory_space<hbm>>
      %dma_start3A_50 = tpu.memref_squeeze %dma_start3A : memref<1x640xf32, #tpu.memory_space<hbm>> -> memref<640xf32, #tpu.memory_space<hbm>>
      %dma_start3A_51 = tpu.memref_slice %arg7[%mul3A_46] : memref<10240xf32, #tpu.memory_space<vmem_shared>> -> memref<640xf32, #tpu.memory_space<vmem_shared>>
      tpu.enqueue_dma source(%dma_start3A_51 : memref<640xf32, #tpu.memory_space<vmem_shared>>) target(%dma_start3A_50 : memref<640xf32, #tpu.memory_space<hbm>>) target_semaphore(%run_scoped3A_49 : memref<!tpu.dma_semaphore, #tpu.memory_space<semaphore_mem>>)
      %dma_wait3A = tpu.memref_slice %arg3[%arg0, %mul3A_48] : memref<2x10240xf32, #tpu.memory_space<hbm>> -> memref<1x640xf32, #tpu.memory_space<hbm>>
      %dma_wait3A_52 = tpu.memref_squeeze %dma_wait3A : memref<1x640xf32, #tpu.memory_space<hbm>> -> memref<640xf32, #tpu.memory_space<hbm>>
      %dma_wait3A_53 = tpu.memref_slice %arg7[%mul3A_46] : memref<10240xf32, #tpu.memory_space<vmem_shared>> -> memref<640xf32, #tpu.memory_space<vmem_shared>>
      tpu.wait_dma2 semaphore(%run_scoped3A_49 : memref<!tpu.dma_semaphore, #tpu.memory_space<semaphore_mem>>) src(%dma_wait3A_53 : memref<640xf32, #tpu.memory_space<vmem_shared>>) dst(%dma_wait3A_52 : memref<640xf32, #tpu.memory_space<hbm>>)
      tpu.yield
    }) : () -> ()
    return
  }
}

#map = affine_map<(d0, d1) -> (0, 0, 0)>
#map1 = affine_map<(d0, d1) -> (0, 0, 0, 0)>
module attributes {stable_mosaic.version = 14 : i64} {
  func.func @_sc_scatter(%arg0: i32, %arg1: i32, %arg2: memref<2x10000x64xf32, #tpu.memory_space<hbm>>, %arg3: memref<2x16x250x80xi32, #tpu.memory_space<hbm>>, %arg4: memref<2x10000x64xf32, #tpu.memory_space<hbm>>, %arg5: memref<250x80xi32, #tpu.memory_space<vmem>>, %arg6: memref<250x80xi32, #tpu.memory_space<vmem>>, %arg7: memref<80x64xf32, #tpu.memory_space<vmem>>, %arg8: memref<80x64xf32, #tpu.memory_space<vmem>>, %arg9: memref<!tpu.dma_semaphore, #tpu.memory_space<semaphore_mem>>, %arg10: memref<!tpu.dma_semaphore, #tpu.memory_space<semaphore_mem>>, %arg11: memref<10000x64xf32, #tpu.memory_space<vmem_shared>>, %arg12: memref<10000x64xf32, #tpu.memory_space<vmem_shared>>) attributes {dimension_semantics = [#tpu.dimension_semantics<core_parallel>, #tpu.dimension_semantics<subcore_parallel>], iteration_bounds = array<i64: 2, 16>, scalar_prefetch = 0 : i64, scratch_operands = 8 : i64, tpu.core_type = #tpu.core_type<sc_vector_subcore>, window_params = [{transform_indices = #map}, {transform_indices = #map1}, {transform_indices = #map}]} {
    %mul3A = arith.constant 625 : i32
    %mul3A_0 = arith.muli %arg1, %mul3A : i32
    %mul3A_1 = arith.constant 625 : i32
    %mul3A_2 = arith.muli %arg1, %mul3A_1 : i32
    "tpu.region"() ({
      %run_scoped3A_81 = tpu.sem_alloc : memref<!tpu.dma_semaphore, #tpu.memory_space<semaphore_mem>>
      %dma_start3A_82 = arith.constant 0 : i32
      %dma_start3A_83 = tpu.memref_slice %arg11[%mul3A_2, %dma_start3A_82] : memref<10000x64xf32, #tpu.memory_space<vmem_shared>> -> memref<625x64xf32, #tpu.memory_space<vmem_shared>>
      %dma_start3A_84 = arith.constant 0 : i32
      %dma_start3A_85 = tpu.memref_slice %arg2[%arg0, %mul3A_0, %dma_start3A_84] : memref<2x10000x64xf32, #tpu.memory_space<hbm>> -> memref<1x625x64xf32, #tpu.memory_space<hbm>>
      %dma_start3A_86 = tpu.memref_squeeze %dma_start3A_85 : memref<1x625x64xf32, #tpu.memory_space<hbm>> -> memref<625x64xf32, #tpu.memory_space<hbm>>
      tpu.enqueue_dma source(%dma_start3A_86 : memref<625x64xf32, #tpu.memory_space<hbm>>) target(%dma_start3A_83 : memref<625x64xf32, #tpu.memory_space<vmem_shared>>) target_semaphore(%run_scoped3A_81 : memref<!tpu.dma_semaphore, #tpu.memory_space<semaphore_mem>>)
      %dma_wait3A_87 = arith.constant 0 : i32
      %dma_wait3A_88 = tpu.memref_slice %arg11[%mul3A_2, %dma_wait3A_87] : memref<10000x64xf32, #tpu.memory_space<vmem_shared>> -> memref<625x64xf32, #tpu.memory_space<vmem_shared>>
      %dma_wait3A_89 = arith.constant 0 : i32
      %dma_wait3A_90 = tpu.memref_slice %arg2[%arg0, %mul3A_0, %dma_wait3A_89] : memref<2x10000x64xf32, #tpu.memory_space<hbm>> -> memref<1x625x64xf32, #tpu.memory_space<hbm>>
      %dma_wait3A_91 = tpu.memref_squeeze %dma_wait3A_90 : memref<1x625x64xf32, #tpu.memory_space<hbm>> -> memref<625x64xf32, #tpu.memory_space<hbm>>
      tpu.wait_dma2 semaphore(%run_scoped3A_81 : memref<!tpu.dma_semaphore, #tpu.memory_space<semaphore_mem>>) src(%dma_wait3A_91 : memref<625x64xf32, #tpu.memory_space<hbm>>) dst(%dma_wait3A_88 : memref<625x64xf32, #tpu.memory_space<vmem_shared>>)
      tpu.yield
    }) : () -> ()
    %scan3A = arith.constant 0 : i32
    %scan3A_3 = arith.constant 0 : i32
    %scan3A_4 = arith.constant 80 : i32
    %scan3A_5 = arith.addi %scan3A_3, %scan3A_4 : i32
    %scan3A_6 = arith.constant 1 : i32
    %scan3A_7 = scf.for %scan3A_81 = %scan3A_3 to %scan3A_5 step %scan3A_6 iter_args(%scan3A_82 = %scan3A) -> (i32)  : i32 {
      %broadcast_in_dim3A = arith.constant 0.000000e+00 : f32
      %broadcast_in_dim3A_83 = vector.broadcast %broadcast_in_dim3A : f32 to vector<16xf32>
      %swap3A = arith.index_cast %scan3A_81 : i32 to index
      %swap3A_84 = arith.constant 0 : index
      %swap3A_85 = tpu.vector_load %arg7[%swap3A, %swap3A_84] {strides = array<i32>} : memref<80x64xf32, #tpu.memory_space<vmem>>, vector<1x16xf32>,
      %swap3A_86 = vector.shape_cast %swap3A_85 : vector<1x16xf32> to vector<16xf32>
      %swap3A_87 = vector.shape_cast %broadcast_in_dim3A_83 : vector<16xf32> to vector<1x16xf32>
      tpu.vector_store %arg7[%swap3A, %swap3A_84], %swap3A_87 {strides = array<i32>} : memref<80x64xf32, #tpu.memory_space<vmem>>, vector<1x16xf32>,
      %broadcast_in_dim3A_88 = arith.constant 0.000000e+00 : f32
      %broadcast_in_dim3A_89 = vector.broadcast %broadcast_in_dim3A_88 : f32 to vector<16xf32>
      %swap3A_90 = arith.index_cast %scan3A_81 : i32 to index
      %swap3A_91 = arith.constant 16 : index
      %swap3A_92 = tpu.vector_load %arg7[%swap3A_90, %swap3A_91] {strides = array<i32>} : memref<80x64xf32, #tpu.memory_space<vmem>>, vector<1x16xf32>,
      %swap3A_93 = vector.shape_cast %swap3A_92 : vector<1x16xf32> to vector<16xf32>
      %swap3A_94 = vector.shape_cast %broadcast_in_dim3A_89 : vector<16xf32> to vector<1x16xf32>
      tpu.vector_store %arg7[%swap3A_90, %swap3A_91], %swap3A_94 {strides = array<i32>} : memref<80x64xf32, #tpu.memory_space<vmem>>, vector<1x16xf32>,
      %broadcast_in_dim3A_95 = arith.constant 0.000000e+00 : f32
      %broadcast_in_dim3A_96 = vector.broadcast %broadcast_in_dim3A_95 : f32 to vector<16xf32>
      %swap3A_97 = arith.index_cast %scan3A_81 : i32 to index
      %swap3A_98 = arith.constant 32 : index
      %swap3A_99 = tpu.vector_load %arg7[%swap3A_97, %swap3A_98] {strides = array<i32>} : memref<80x64xf32, #tpu.memory_space<vmem>>, vector<1x16xf32>,
      %swap3A_100 = vector.shape_cast %swap3A_99 : vector<1x16xf32> to vector<16xf32>
      %swap3A_101 = vector.shape_cast %broadcast_in_dim3A_96 : vector<16xf32> to vector<1x16xf32>
      tpu.vector_store %arg7[%swap3A_97, %swap3A_98], %swap3A_101 {strides = array<i32>} : memref<80x64xf32, #tpu.memory_space<vmem>>, vector<1x16xf32>,
      %broadcast_in_dim3A_102 = arith.constant 0.000000e+00 : f32
      %broadcast_in_dim3A_103 = vector.broadcast %broadcast_in_dim3A_102 : f32 to vector<16xf32>
      %swap3A_104 = arith.index_cast %scan3A_81 : i32 to index
      %swap3A_105 = arith.constant 48 : index
      %swap3A_106 = tpu.vector_load %arg7[%swap3A_104, %swap3A_105] {strides = array<i32>} : memref<80x64xf32, #tpu.memory_space<vmem>>, vector<1x16xf32>,
      %swap3A_107 = vector.shape_cast %swap3A_106 : vector<1x16xf32> to vector<16xf32>
      %swap3A_108 = vector.shape_cast %broadcast_in_dim3A_103 : vector<16xf32> to vector<1x16xf32>
      tpu.vector_store %arg7[%swap3A_104, %swap3A_105], %swap3A_108 {strides = array<i32>} : memref<80x64xf32, #tpu.memory_space<vmem>>, vector<1x16xf32>,
      %scan3A_109 = arith.constant 0 : i32
      scf.yield %scan3A_109 : i32
    }
    %scan3A_8 = arith.constant 80 : i32
    %mul3A_9 = arith.constant 625 : i32
    %mul3A_10 = arith.muli %arg1, %mul3A_9 : i32
    %add3A = arith.constant 0 : i32
    %add3A_11 = arith.addi %mul3A_10, %add3A : i32
    "tpu.region"() ({
      %run_scoped3A_81 = tpu.sem_alloc : memref<!tpu.dma_semaphore, #tpu.memory_space<semaphore_mem>>
      %dma_start3A_82 = arith.constant 0 : i32
      %dma_start3A_83 = tpu.memref_slice %arg12[%add3A_11, %dma_start3A_82] : memref<10000x64xf32, #tpu.memory_space<vmem_shared>> -> memref<80x64xf32, #tpu.memory_space<vmem_shared>>
      %dma_start3A_84 = arith.constant 0 : i32
      %dma_start3A_85 = tpu.memref_slice %arg12[%add3A_11, %dma_start3A_84] : memref<10000x64xf32, #tpu.memory_space<vmem_shared>> -> memref<80x64xf32, #tpu.memory_space<vmem_shared>>
      tpu.enqueue_dma source(%arg7 : memref<80x64xf32, #tpu.memory_space<vmem>>) target(%dma_start3A_85 : memref<80x64xf32, #tpu.memory_space<vmem_shared>>) target_semaphore(%run_scoped3A_81 : memref<!tpu.dma_semaphore, #tpu.memory_space<semaphore_mem>>)
      %dma_wait3A_86 = arith.constant 0 : i32
      %dma_wait3A_87 = tpu.memref_slice %arg12[%add3A_11, %dma_wait3A_86] : memref<10000x64xf32, #tpu.memory_space<vmem_shared>> -> memref<80x64xf32, #tpu.memory_space<vmem_shared>>
      %dma_wait3A_88 = arith.constant 0 : i32
      %dma_wait3A_89 = tpu.memref_slice %arg12[%add3A_11, %dma_wait3A_88] : memref<10000x64xf32, #tpu.memory_space<vmem_shared>> -> memref<80x64xf32, #tpu.memory_space<vmem_shared>>
      tpu.wait_dma2 semaphore(%run_scoped3A_81 : memref<!tpu.dma_semaphore, #tpu.memory_space<semaphore_mem>>) src(%arg7 : memref<80x64xf32, #tpu.memory_space<vmem>>) dst(%dma_wait3A_89 : memref<80x64xf32, #tpu.memory_space<vmem_shared>>)
      tpu.yield
    }) : () -> ()
    %mul3A_12 = arith.constant 625 : i32
    %mul3A_13 = arith.muli %arg1, %mul3A_12 : i32
    %add3A_14 = arith.constant 80 : i32
    %add3A_15 = arith.addi %mul3A_13, %add3A_14 : i32
    "tpu.region"() ({
      %run_scoped3A_81 = tpu.sem_alloc : memref<!tpu.dma_semaphore, #tpu.memory_space<semaphore_mem>>
      %dma_start3A_82 = arith.constant 0 : i32
      %dma_start3A_83 = tpu.memref_slice %arg12[%add3A_15, %dma_start3A_82] : memref<10000x64xf32, #tpu.memory_space<vmem_shared>> -> memref<80x64xf32, #tpu.memory_space<vmem_shared>>
      %dma_start3A_84 = arith.constant 0 : i32
      %dma_start3A_85 = tpu.memref_slice %arg12[%add3A_15, %dma_start3A_84] : memref<10000x64xf32, #tpu.memory_space<vmem_shared>> -> memref<80x64xf32, #tpu.memory_space<vmem_shared>>
      tpu.enqueue_dma source(%arg7 : memref<80x64xf32, #tpu.memory_space<vmem>>) target(%dma_start3A_85 : memref<80x64xf32, #tpu.memory_space<vmem_shared>>) target_semaphore(%run_scoped3A_81 : memref<!tpu.dma_semaphore, #tpu.memory_space<semaphore_mem>>)
      %dma_wait3A_86 = arith.constant 0 : i32
      %dma_wait3A_87 = tpu.memref_slice %arg12[%add3A_15, %dma_wait3A_86] : memref<10000x64xf32, #tpu.memory_space<vmem_shared>> -> memref<80x64xf32, #tpu.memory_space<vmem_shared>>
      %dma_wait3A_88 = arith.constant 0 : i32
      %dma_wait3A_89 = tpu.memref_slice %arg12[%add3A_15, %dma_wait3A_88] : memref<10000x64xf32, #tpu.memory_space<vmem_shared>> -> memref<80x64xf32, #tpu.memory_space<vmem_shared>>
      tpu.wait_dma2 semaphore(%run_scoped3A_81 : memref<!tpu.dma_semaphore, #tpu.memory_space<semaphore_mem>>) src(%arg7 : memref<80x64xf32, #tpu.memory_space<vmem>>) dst(%dma_wait3A_89 : memref<80x64xf32, #tpu.memory_space<vmem_shared>>)
      tpu.yield
    }) : () -> ()
    %mul3A_16 = arith.constant 625 : i32
    %mul3A_17 = arith.muli %arg1, %mul3A_16 : i32
    %add3A_18 = arith.constant 160 : i32
    %add3A_19 = arith.addi %mul3A_17, %add3A_18 : i32
    "tpu.region"() ({
      %run_scoped3A_81 = tpu.sem_alloc : memref<!tpu.dma_semaphore, #tpu.memory_space<semaphore_mem>>
      %dma_start3A_82 = arith.constant 0 : i32
      %dma_start3A_83 = tpu.memref_slice %arg12[%add3A_19, %dma_start3A_82] : memref<10000x64xf32, #tpu.memory_space<vmem_shared>> -> memref<80x64xf32, #tpu.memory_space<vmem_shared>>
      %dma_start3A_84 = arith.constant 0 : i32
      %dma_start3A_85 = tpu.memref_slice %arg12[%add3A_19, %dma_start3A_84] : memref<10000x64xf32, #tpu.memory_space<vmem_shared>> -> memref<80x64xf32, #tpu.memory_space<vmem_shared>>
      tpu.enqueue_dma source(%arg7 : memref<80x64xf32, #tpu.memory_space<vmem>>) target(%dma_start3A_85 : memref<80x64xf32, #tpu.memory_space<vmem_shared>>) target_semaphore(%run_scoped3A_81 : memref<!tpu.dma_semaphore, #tpu.memory_space<semaphore_mem>>)
      %dma_wait3A_86 = arith.constant 0 : i32
      %dma_wait3A_87 = tpu.memref_slice %arg12[%add3A_19, %dma_wait3A_86] : memref<10000x64xf32, #tpu.memory_space<vmem_shared>> -> memref<80x64xf32, #tpu.memory_space<vmem_shared>>
      %dma_wait3A_88 = arith.constant 0 : i32
      %dma_wait3A_89 = tpu.memref_slice %arg12[%add3A_19, %dma_wait3A_88] : memref<10000x64xf32, #tpu.memory_space<vmem_shared>> -> memref<80x64xf32, #tpu.memory_space<vmem_shared>>
      tpu.wait_dma2 semaphore(%run_scoped3A_81 : memref<!tpu.dma_semaphore, #tpu.memory_space<semaphore_mem>>) src(%arg7 : memref<80x64xf32, #tpu.memory_space<vmem>>) dst(%dma_wait3A_89 : memref<80x64xf32, #tpu.memory_space<vmem_shared>>)
      tpu.yield
    }) : () -> ()
    %mul3A_20 = arith.constant 625 : i32
    %mul3A_21 = arith.muli %arg1, %mul3A_20 : i32
    %add3A_22 = arith.constant 240 : i32
    %add3A_23 = arith.addi %mul3A_21, %add3A_22 : i32
    "tpu.region"() ({
      %run_scoped3A_81 = tpu.sem_alloc : memref<!tpu.dma_semaphore, #tpu.memory_space<semaphore_mem>>
      %dma_start3A_82 = arith.constant 0 : i32
      %dma_start3A_83 = tpu.memref_slice %arg12[%add3A_23, %dma_start3A_82] : memref<10000x64xf32, #tpu.memory_space<vmem_shared>> -> memref<80x64xf32, #tpu.memory_space<vmem_shared>>
      %dma_start3A_84 = arith.constant 0 : i32
      %dma_start3A_85 = tpu.memref_slice %arg12[%add3A_23, %dma_start3A_84] : memref<10000x64xf32, #tpu.memory_space<vmem_shared>> -> memref<80x64xf32, #tpu.memory_space<vmem_shared>>
      tpu.enqueue_dma source(%arg7 : memref<80x64xf32, #tpu.memory_space<vmem>>) target(%dma_start3A_85 : memref<80x64xf32, #tpu.memory_space<vmem_shared>>) target_semaphore(%run_scoped3A_81 : memref<!tpu.dma_semaphore, #tpu.memory_space<semaphore_mem>>)
      %dma_wait3A_86 = arith.constant 0 : i32
      %dma_wait3A_87 = tpu.memref_slice %arg12[%add3A_23, %dma_wait3A_86] : memref<10000x64xf32, #tpu.memory_space<vmem_shared>> -> memref<80x64xf32, #tpu.memory_space<vmem_shared>>
      %dma_wait3A_88 = arith.constant 0 : i32
      %dma_wait3A_89 = tpu.memref_slice %arg12[%add3A_23, %dma_wait3A_88] : memref<10000x64xf32, #tpu.memory_space<vmem_shared>> -> memref<80x64xf32, #tpu.memory_space<vmem_shared>>
      tpu.wait_dma2 semaphore(%run_scoped3A_81 : memref<!tpu.dma_semaphore, #tpu.memory_space<semaphore_mem>>) src(%arg7 : memref<80x64xf32, #tpu.memory_space<vmem>>) dst(%dma_wait3A_89 : memref<80x64xf32, #tpu.memory_space<vmem_shared>>)
      tpu.yield
    }) : () -> ()
    %mul3A_24 = arith.constant 625 : i32
    %mul3A_25 = arith.muli %arg1, %mul3A_24 : i32
    %add3A_26 = arith.constant 320 : i32
    %add3A_27 = arith.addi %mul3A_25, %add3A_26 : i32
    "tpu.region"() ({
      %run_scoped3A_81 = tpu.sem_alloc : memref<!tpu.dma_semaphore, #tpu.memory_space<semaphore_mem>>
      %dma_start3A_82 = arith.constant 0 : i32
      %dma_start3A_83 = tpu.memref_slice %arg12[%add3A_27, %dma_start3A_82] : memref<10000x64xf32, #tpu.memory_space<vmem_shared>> -> memref<80x64xf32, #tpu.memory_space<vmem_shared>>
      %dma_start3A_84 = arith.constant 0 : i32
      %dma_start3A_85 = tpu.memref_slice %arg12[%add3A_27, %dma_start3A_84] : memref<10000x64xf32, #tpu.memory_space<vmem_shared>> -> memref<80x64xf32, #tpu.memory_space<vmem_shared>>
      tpu.enqueue_dma source(%arg7 : memref<80x64xf32, #tpu.memory_space<vmem>>) target(%dma_start3A_85 : memref<80x64xf32, #tpu.memory_space<vmem_shared>>) target_semaphore(%run_scoped3A_81 : memref<!tpu.dma_semaphore, #tpu.memory_space<semaphore_mem>>)
      %dma_wait3A_86 = arith.constant 0 : i32
      %dma_wait3A_87 = tpu.memref_slice %arg12[%add3A_27, %dma_wait3A_86] : memref<10000x64xf32, #tpu.memory_space<vmem_shared>> -> memref<80x64xf32, #tpu.memory_space<vmem_shared>>
      %dma_wait3A_88 = arith.constant 0 : i32
      %dma_wait3A_89 = tpu.memref_slice %arg12[%add3A_27, %dma_wait3A_88] : memref<10000x64xf32, #tpu.memory_space<vmem_shared>> -> memref<80x64xf32, #tpu.memory_space<vmem_shared>>
      tpu.wait_dma2 semaphore(%run_scoped3A_81 : memref<!tpu.dma_semaphore, #tpu.memory_space<semaphore_mem>>) src(%arg7 : memref<80x64xf32, #tpu.memory_space<vmem>>) dst(%dma_wait3A_89 : memref<80x64xf32, #tpu.memory_space<vmem_shared>>)
      tpu.yield
    }) : () -> ()
    %mul3A_28 = arith.constant 625 : i32
    %mul3A_29 = arith.muli %arg1, %mul3A_28 : i32
    %add3A_30 = arith.constant 400 : i32
    %add3A_31 = arith.addi %mul3A_29, %add3A_30 : i32
    "tpu.region"() ({
      %run_scoped3A_81 = tpu.sem_alloc : memref<!tpu.dma_semaphore, #tpu.memory_space<semaphore_mem>>
      %dma_start3A_82 = arith.constant 0 : i32
      %dma_start3A_83 = tpu.memref_slice %arg12[%add3A_31, %dma_start3A_82] : memref<10000x64xf32, #tpu.memory_space<vmem_shared>> -> memref<80x64xf32, #tpu.memory_space<vmem_shared>>
      %dma_start3A_84 = arith.constant 0 : i32
      %dma_start3A_85 = tpu.memref_slice %arg12[%add3A_31, %dma_start3A_84] : memref<10000x64xf32, #tpu.memory_space<vmem_shared>> -> memref<80x64xf32, #tpu.memory_space<vmem_shared>>
      tpu.enqueue_dma source(%arg7 : memref<80x64xf32, #tpu.memory_space<vmem>>) target(%dma_start3A_85 : memref<80x64xf32, #tpu.memory_space<vmem_shared>>) target_semaphore(%run_scoped3A_81 : memref<!tpu.dma_semaphore, #tpu.memory_space<semaphore_mem>>)
      %dma_wait3A_86 = arith.constant 0 : i32
      %dma_wait3A_87 = tpu.memref_slice %arg12[%add3A_31, %dma_wait3A_86] : memref<10000x64xf32, #tpu.memory_space<vmem_shared>> -> memref<80x64xf32, #tpu.memory_space<vmem_shared>>
      %dma_wait3A_88 = arith.constant 0 : i32
      %dma_wait3A_89 = tpu.memref_slice %arg12[%add3A_31, %dma_wait3A_88] : memref<10000x64xf32, #tpu.memory_space<vmem_shared>> -> memref<80x64xf32, #tpu.memory_space<vmem_shared>>
      tpu.wait_dma2 semaphore(%run_scoped3A_81 : memref<!tpu.dma_semaphore, #tpu.memory_space<semaphore_mem>>) src(%arg7 : memref<80x64xf32, #tpu.memory_space<vmem>>) dst(%dma_wait3A_89 : memref<80x64xf32, #tpu.memory_space<vmem_shared>>)
      tpu.yield
    }) : () -> ()
    %mul3A_32 = arith.constant 625 : i32
    %mul3A_33 = arith.muli %arg1, %mul3A_32 : i32
    %add3A_34 = arith.constant 480 : i32
    %add3A_35 = arith.addi %mul3A_33, %add3A_34 : i32
    "tpu.region"() ({
      %run_scoped3A_81 = tpu.sem_alloc : memref<!tpu.dma_semaphore, #tpu.memory_space<semaphore_mem>>
      %dma_start3A_82 = arith.constant 0 : i32
      %dma_start3A_83 = tpu.memref_slice %arg12[%add3A_35, %dma_start3A_82] : memref<10000x64xf32, #tpu.memory_space<vmem_shared>> -> memref<80x64xf32, #tpu.memory_space<vmem_shared>>
      %dma_start3A_84 = arith.constant 0 : i32
      %dma_start3A_85 = tpu.memref_slice %arg12[%add3A_35, %dma_start3A_84] : memref<10000x64xf32, #tpu.memory_space<vmem_shared>> -> memref<80x64xf32, #tpu.memory_space<vmem_shared>>
      tpu.enqueue_dma source(%arg7 : memref<80x64xf32, #tpu.memory_space<vmem>>) target(%dma_start3A_85 : memref<80x64xf32, #tpu.memory_space<vmem_shared>>) target_semaphore(%run_scoped3A_81 : memref<!tpu.dma_semaphore, #tpu.memory_space<semaphore_mem>>)
      %dma_wait3A_86 = arith.constant 0 : i32
      %dma_wait3A_87 = tpu.memref_slice %arg12[%add3A_35, %dma_wait3A_86] : memref<10000x64xf32, #tpu.memory_space<vmem_shared>> -> memref<80x64xf32, #tpu.memory_space<vmem_shared>>
      %dma_wait3A_88 = arith.constant 0 : i32
      %dma_wait3A_89 = tpu.memref_slice %arg12[%add3A_35, %dma_wait3A_88] : memref<10000x64xf32, #tpu.memory_space<vmem_shared>> -> memref<80x64xf32, #tpu.memory_space<vmem_shared>>
      tpu.wait_dma2 semaphore(%run_scoped3A_81 : memref<!tpu.dma_semaphore, #tpu.memory_space<semaphore_mem>>) src(%arg7 : memref<80x64xf32, #tpu.memory_space<vmem>>) dst(%dma_wait3A_89 : memref<80x64xf32, #tpu.memory_space<vmem_shared>>)
      tpu.yield
    }) : () -> ()
    %mul3A_36 = arith.constant 625 : i32
    %mul3A_37 = arith.muli %arg1, %mul3A_36 : i32
    %add3A_38 = arith.constant 560 : i32
    %add3A_39 = arith.addi %mul3A_37, %add3A_38 : i32
    "tpu.region"() ({
      %run_scoped3A_81 = tpu.sem_alloc : memref<!tpu.dma_semaphore, #tpu.memory_space<semaphore_mem>>
      %dma_start3A_82 = arith.constant 0 : i32
      %dma_start3A_83 = arith.constant 0 : i32
      %dma_start3A_84 = tpu.memref_slice %arg7[%dma_start3A_82, %dma_start3A_83] : memref<80x64xf32, #tpu.memory_space<vmem>> -> memref<65x64xf32, #tpu.memory_space<vmem>>
      %dma_start3A_85 = arith.constant 0 : i32
      %dma_start3A_86 = tpu.memref_slice %arg12[%add3A_39, %dma_start3A_85] : memref<10000x64xf32, #tpu.memory_space<vmem_shared>> -> memref<65x64xf32, #tpu.memory_space<vmem_shared>>
      %dma_start3A_87 = arith.constant 0 : i32
      %dma_start3A_88 = tpu.memref_slice %arg12[%add3A_39, %dma_start3A_87] : memref<10000x64xf32, #tpu.memory_space<vmem_shared>> -> memref<65x64xf32, #tpu.memory_space<vmem_shared>>
      %dma_start3A_89 = arith.constant 0 : i32
      %dma_start3A_90 = arith.constant 0 : i32
      %dma_start3A_91 = tpu.memref_slice %arg7[%dma_start3A_89, %dma_start3A_90] : memref<80x64xf32, #tpu.memory_space<vmem>> -> memref<65x64xf32, #tpu.memory_space<vmem>>
      tpu.enqueue_dma source(%dma_start3A_91 : memref<65x64xf32, #tpu.memory_space<vmem>>) target(%dma_start3A_88 : memref<65x64xf32, #tpu.memory_space<vmem_shared>>) target_semaphore(%run_scoped3A_81 : memref<!tpu.dma_semaphore, #tpu.memory_space<semaphore_mem>>)
      %dma_wait3A_92 = arith.constant 0 : i32
      %dma_wait3A_93 = arith.constant 0 : i32
      %dma_wait3A_94 = tpu.memref_slice %arg7[%dma_wait3A_92, %dma_wait3A_93] : memref<80x64xf32, #tpu.memory_space<vmem>> -> memref<65x64xf32, #tpu.memory_space<vmem>>
      %dma_wait3A_95 = arith.constant 0 : i32
      %dma_wait3A_96 = tpu.memref_slice %arg12[%add3A_39, %dma_wait3A_95] : memref<10000x64xf32, #tpu.memory_space<vmem_shared>> -> memref<65x64xf32, #tpu.memory_space<vmem_shared>>
      %dma_wait3A_97 = arith.constant 0 : i32
      %dma_wait3A_98 = tpu.memref_slice %arg12[%add3A_39, %dma_wait3A_97] : memref<10000x64xf32, #tpu.memory_space<vmem_shared>> -> memref<65x64xf32, #tpu.memory_space<vmem_shared>>
      %dma_wait3A_99 = arith.constant 0 : i32
      %dma_wait3A_100 = arith.constant 0 : i32
      %dma_wait3A_101 = tpu.memref_slice %arg7[%dma_wait3A_99, %dma_wait3A_100] : memref<80x64xf32, #tpu.memory_space<vmem>> -> memref<65x64xf32, #tpu.memory_space<vmem>>
      tpu.wait_dma2 semaphore(%run_scoped3A_81 : memref<!tpu.dma_semaphore, #tpu.memory_space<semaphore_mem>>) src(%dma_wait3A_101 : memref<65x64xf32, #tpu.memory_space<vmem>>) dst(%dma_wait3A_98 : memref<65x64xf32, #tpu.memory_space<vmem_shared>>)
      tpu.yield
    }) : () -> ()
    %run_scoped3A = arith.constant 0 : i32
    "tpu.region"() ({
      %run_scoped3A_81 = tpu.sem_alloc : memref<!tpu.dma_semaphore, #tpu.memory_space<semaphore_mem>>
      %dma_start3A_82 = arith.constant 0 : i32
      %dma_start3A_83 = arith.constant 0 : i32
      %dma_start3A_84 = tpu.memref_slice %arg3[%run_scoped3A, %arg1, %dma_start3A_82, %dma_start3A_83] : memref<2x16x250x80xi32, #tpu.memory_space<hbm>> -> memref<1x1x250x80xi32, #tpu.memory_space<hbm>>
      %dma_start3A_85 = tpu.memref_squeeze %dma_start3A_84 : memref<1x1x250x80xi32, #tpu.memory_space<hbm>> -> memref<250x80xi32, #tpu.memory_space<hbm>>
      %dma_start3A_86 = arith.constant 0 : i32
      %dma_start3A_87 = arith.constant 0 : i32
      %dma_start3A_88 = tpu.memref_slice %arg3[%run_scoped3A, %arg1, %dma_start3A_86, %dma_start3A_87] : memref<2x16x250x80xi32, #tpu.memory_space<hbm>> -> memref<1x1x250x80xi32, #tpu.memory_space<hbm>>
      %dma_start3A_89 = tpu.memref_squeeze %dma_start3A_88 : memref<1x1x250x80xi32, #tpu.memory_space<hbm>> -> memref<250x80xi32, #tpu.memory_space<hbm>>
      tpu.enqueue_dma source(%dma_start3A_89 : memref<250x80xi32, #tpu.memory_space<hbm>>) target(%arg5 : memref<250x80xi32, #tpu.memory_space<vmem>>) target_semaphore(%run_scoped3A_81 : memref<!tpu.dma_semaphore, #tpu.memory_space<semaphore_mem>>)
      %dma_wait3A_90 = arith.constant 0 : i32
      %dma_wait3A_91 = arith.constant 0 : i32
      %dma_wait3A_92 = tpu.memref_slice %arg3[%run_scoped3A, %arg1, %dma_wait3A_90, %dma_wait3A_91] : memref<2x16x250x80xi32, #tpu.memory_space<hbm>> -> memref<1x1x250x80xi32, #tpu.memory_space<hbm>>
      %dma_wait3A_93 = tpu.memref_squeeze %dma_wait3A_92 : memref<1x1x250x80xi32, #tpu.memory_space<hbm>> -> memref<250x80xi32, #tpu.memory_space<hbm>>
      %dma_wait3A_94 = arith.constant 0 : i32
      %dma_wait3A_95 = arith.constant 0 : i32
      %dma_wait3A_96 = tpu.memref_slice %arg3[%run_scoped3A, %arg1, %dma_wait3A_94, %dma_wait3A_95] : memref<2x16x250x80xi32, #tpu.memory_space<hbm>> -> memref<1x1x250x80xi32, #tpu.memory_space<hbm>>
      %dma_wait3A_97 = tpu.memref_squeeze %dma_wait3A_96 : memref<1x1x250x80xi32, #tpu.memory_space<hbm>> -> memref<250x80xi32, #tpu.memory_space<hbm>>
      tpu.wait_dma2 semaphore(%run_scoped3A_81 : memref<!tpu.dma_semaphore, #tpu.memory_space<semaphore_mem>>) src(%dma_wait3A_97 : memref<250x80xi32, #tpu.memory_space<hbm>>) dst(%arg5 : memref<250x80xi32, #tpu.memory_space<vmem>>)
      tpu.yield
    }) : () -> ()
    %run_scoped3A_40 = arith.constant 1 : i32
    "tpu.region"() ({
      %run_scoped3A_81 = tpu.sem_alloc : memref<!tpu.dma_semaphore, #tpu.memory_space<semaphore_mem>>
      %dma_start3A_82 = arith.constant 0 : i32
      %dma_start3A_83 = arith.constant 0 : i32
      %dma_start3A_84 = tpu.memref_slice %arg3[%run_scoped3A_40, %arg1, %dma_start3A_82, %dma_start3A_83] : memref<2x16x250x80xi32, #tpu.memory_space<hbm>> -> memref<1x1x250x80xi32, #tpu.memory_space<hbm>>
      %dma_start3A_85 = tpu.memref_squeeze %dma_start3A_84 : memref<1x1x250x80xi32, #tpu.memory_space<hbm>> -> memref<250x80xi32, #tpu.memory_space<hbm>>
      %dma_start3A_86 = arith.constant 0 : i32
      %dma_start3A_87 = arith.constant 0 : i32
      %dma_start3A_88 = tpu.memref_slice %arg3[%run_scoped3A_40, %arg1, %dma_start3A_86, %dma_start3A_87] : memref<2x16x250x80xi32, #tpu.memory_space<hbm>> -> memref<1x1x250x80xi32, #tpu.memory_space<hbm>>
      %dma_start3A_89 = tpu.memref_squeeze %dma_start3A_88 : memref<1x1x250x80xi32, #tpu.memory_space<hbm>> -> memref<250x80xi32, #tpu.memory_space<hbm>>
      tpu.enqueue_dma source(%dma_start3A_89 : memref<250x80xi32, #tpu.memory_space<hbm>>) target(%arg6 : memref<250x80xi32, #tpu.memory_space<vmem>>) target_semaphore(%run_scoped3A_81 : memref<!tpu.dma_semaphore, #tpu.memory_space<semaphore_mem>>)
      %dma_wait3A_90 = arith.constant 0 : i32
      %dma_wait3A_91 = arith.constant 0 : i32
      %dma_wait3A_92 = tpu.memref_slice %arg3[%run_scoped3A_40, %arg1, %dma_wait3A_90, %dma_wait3A_91] : memref<2x16x250x80xi32, #tpu.memory_space<hbm>> -> memref<1x1x250x80xi32, #tpu.memory_space<hbm>>
      %dma_wait3A_93 = tpu.memref_squeeze %dma_wait3A_92 : memref<1x1x250x80xi32, #tpu.memory_space<hbm>> -> memref<250x80xi32, #tpu.memory_space<hbm>>
      %dma_wait3A_94 = arith.constant 0 : i32
      %dma_wait3A_95 = arith.constant 0 : i32
      %dma_wait3A_96 = tpu.memref_slice %arg3[%run_scoped3A_40, %arg1, %dma_wait3A_94, %dma_wait3A_95] : memref<2x16x250x80xi32, #tpu.memory_space<hbm>> -> memref<1x1x250x80xi32, #tpu.memory_space<hbm>>
      %dma_wait3A_97 = tpu.memref_squeeze %dma_wait3A_96 : memref<1x1x250x80xi32, #tpu.memory_space<hbm>> -> memref<250x80xi32, #tpu.memory_space<hbm>>
      tpu.wait_dma2 semaphore(%run_scoped3A_81 : memref<!tpu.dma_semaphore, #tpu.memory_space<semaphore_mem>>) src(%dma_wait3A_97 : memref<250x80xi32, #tpu.memory_space<hbm>>) dst(%arg6 : memref<250x80xi32, #tpu.memory_space<vmem>>)
      tpu.yield
    }) : () -> ()
    %barrier3A = arith.constant 0 : index
    tpu.barrier barrier_id(%barrier3A)
    %dma_start3A = arith.constant 0 : i32
    %dma_start3A_41 = arith.constant 0 : i32
    %dma_start3A_42 = tpu.memref_slice %arg5[%dma_start3A, %dma_start3A_41] : memref<250x80xi32, #tpu.memory_space<vmem>> -> memref<1x80xi32, #tpu.memory_space<vmem>>
    %dma_start3A_43 = tpu.memref_squeeze %dma_start3A_42 : memref<1x80xi32, #tpu.memory_space<vmem>> -> memref<80xi32, #tpu.memory_space<vmem>>
    %dma_start3A_44 = arith.constant 0 : i32
    %dma_start3A_45 = arith.constant 0 : i32
    %dma_start3A_46 = tpu.memref_slice %arg11[%dma_start3A_44, %dma_start3A_45] : memref<10000x64xf32, #tpu.memory_space<vmem_shared>> -> memref<10000x64xf32, #tpu.memory_space<vmem_shared>>
    tpu.enqueue_indirect_dma source(%dma_start3A_46 : memref<10000x64xf32, #tpu.memory_space<vmem_shared>>) target(%arg7 : memref<80x64xf32, #tpu.memory_space<vmem>>) offsets(%dma_start3A_43 : memref<80xi32, #tpu.memory_space<vmem>>) semaphore(%arg9 : memref<!tpu.dma_semaphore, #tpu.memory_space<semaphore_mem>>)
    %scan3A_47 = arith.constant 0 : i32
    %scan3A_48 = arith.constant 0 : i32
    %scan3A_49 = arith.constant 124 : i32
    %scan3A_50 = arith.addi %scan3A_48, %scan3A_49 : i32
    %scan3A_51 = arith.constant 1 : i32
    %scan3A_52 = scf.for %scan3A_81 = %scan3A_48 to %scan3A_50 step %scan3A_51 iter_args(%scan3A_82 = %scan3A_47) -> (i32)  : i32 {
      %mul3A_83 = arith.constant 2 : i32
      %mul3A_84 = arith.muli %mul3A_83, %scan3A_81 : i32
      %add3A_85 = arith.constant 1 : i32
      %add3A_86 = arith.addi %mul3A_84, %add3A_85 : i32
      %dma_start3A_87 = arith.constant 0 : i32
      %dma_start3A_88 = tpu.memref_slice %arg5[%add3A_86, %dma_start3A_87] : memref<250x80xi32, #tpu.memory_space<vmem>> -> memref<1x80xi32, #tpu.memory_space<vmem>>
      %dma_start3A_89 = tpu.memref_squeeze %dma_start3A_88 : memref<1x80xi32, #tpu.memory_space<vmem>> -> memref<80xi32, #tpu.memory_space<vmem>>
      %dma_start3A_90 = arith.constant 0 : i32
      %dma_start3A_91 = arith.constant 0 : i32
      %dma_start3A_92 = tpu.memref_slice %arg11[%dma_start3A_90, %dma_start3A_91] : memref<10000x64xf32, #tpu.memory_space<vmem_shared>> -> memref<10000x64xf32, #tpu.memory_space<vmem_shared>>
      tpu.enqueue_indirect_dma source(%dma_start3A_92 : memref<10000x64xf32, #tpu.memory_space<vmem_shared>>) target(%arg8 : memref<80x64xf32, #tpu.memory_space<vmem>>) offsets(%dma_start3A_89 : memref<80xi32, #tpu.memory_space<vmem>>) semaphore(%arg10 : memref<!tpu.dma_semaphore, #tpu.memory_space<semaphore_mem>>)
      %dma_wait3A_93 = arith.constant 0 : i32
      %dma_wait3A_94 = tpu.memref_slice %arg5[%mul3A_84, %dma_wait3A_93] : memref<250x80xi32, #tpu.memory_space<vmem>> -> memref<1x80xi32, #tpu.memory_space<vmem>>
      %dma_wait3A_95 = tpu.memref_squeeze %dma_wait3A_94 : memref<1x80xi32, #tpu.memory_space<vmem>> -> memref<80xi32, #tpu.memory_space<vmem>>
      %dma_wait3A_96 = arith.constant 0 : i32
      %dma_wait3A_97 = arith.constant 0 : i32
      %dma_wait3A_98 = tpu.memref_slice %arg11[%dma_wait3A_96, %dma_wait3A_97] : memref<10000x64xf32, #tpu.memory_space<vmem_shared>> -> memref<10000x64xf32, #tpu.memory_space<vmem_shared>>
      tpu.wait_indirect_dma semaphore(%arg9 : memref<!tpu.dma_semaphore, #tpu.memory_space<semaphore_mem>>) src(%dma_wait3A_98 : memref<10000x64xf32, #tpu.memory_space<vmem_shared>>) dst(%arg7 : memref<80x64xf32, #tpu.memory_space<vmem>>)
      "tpu.region"() ({
        %run_scoped3A_116 = tpu.sem_alloc : memref<!tpu.dma_semaphore, #tpu.memory_space<semaphore_mem>>
        %dma_start3A_117 = arith.constant 0 : i32
        %dma_start3A_118 = tpu.memref_slice %arg6[%mul3A_84, %dma_start3A_117] : memref<250x80xi32, #tpu.memory_space<vmem>> -> memref<1x80xi32, #tpu.memory_space<vmem>>
        %dma_start3A_119 = tpu.memref_squeeze %dma_start3A_118 : memref<1x80xi32, #tpu.memory_space<vmem>> -> memref<80xi32, #tpu.memory_space<vmem>>
        %dma_start3A_120 = arith.constant 0 : i32
        %dma_start3A_121 = arith.constant 0 : i32
        %dma_start3A_122 = tpu.memref_slice %arg12[%dma_start3A_120, %dma_start3A_121] : memref<10000x64xf32, #tpu.memory_space<vmem_shared>> -> memref<10000x64xf32, #tpu.memory_space<vmem_shared>>
        tpu.enqueue_indirect_dma source(%arg7 : memref<80x64xf32, #tpu.memory_space<vmem>>) target(%dma_start3A_122 : memref<10000x64xf32, #tpu.memory_space<vmem_shared>>) offsets(%dma_start3A_119 : memref<80xi32, #tpu.memory_space<vmem>>) semaphore(%run_scoped3A_116 : memref<!tpu.dma_semaphore, #tpu.memory_space<semaphore_mem>>) {add = true}
        %dma_wait3A_123 = arith.constant 0 : i32
        %dma_wait3A_124 = tpu.memref_slice %arg6[%mul3A_84, %dma_wait3A_123] : memref<250x80xi32, #tpu.memory_space<vmem>> -> memref<1x80xi32, #tpu.memory_space<vmem>>
        %dma_wait3A_125 = tpu.memref_squeeze %dma_wait3A_124 : memref<1x80xi32, #tpu.memory_space<vmem>> -> memref<80xi32, #tpu.memory_space<vmem>>
        %dma_wait3A_126 = arith.constant 0 : i32
        %dma_wait3A_127 = arith.constant 0 : i32
        %dma_wait3A_128 = tpu.memref_slice %arg12[%dma_wait3A_126, %dma_wait3A_127] : memref<10000x64xf32, #tpu.memory_space<vmem_shared>> -> memref<10000x64xf32, #tpu.memory_space<vmem_shared>>
        tpu.wait_indirect_dma semaphore(%run_scoped3A_116 : memref<!tpu.dma_semaphore, #tpu.memory_space<semaphore_mem>>) src(%arg7 : memref<80x64xf32, #tpu.memory_space<vmem>>) dst(%dma_wait3A_128 : memref<10000x64xf32, #tpu.memory_space<vmem_shared>>)
        tpu.yield
      }) : () -> ()
      %add3A_99 = arith.constant 2 : i32
      %add3A_100 = arith.addi %mul3A_84, %add3A_99 : i32
      %dma_start3A_101 = arith.constant 0 : i32
      %dma_start3A_102 = tpu.memref_slice %arg5[%add3A_100, %dma_start3A_101] : memref<250x80xi32, #tpu.memory_space<vmem>> -> memref<1x80xi32, #tpu.memory_space<vmem>>
      %dma_start3A_103 = tpu.memref_squeeze %dma_start3A_102 : memref<1x80xi32, #tpu.memory_space<vmem>> -> memref<80xi32, #tpu.memory_space<vmem>>
      %dma_start3A_104 = arith.constant 0 : i32
      %dma_start3A_105 = arith.constant 0 : i32
      %dma_start3A_106 = tpu.memref_slice %arg11[%dma_start3A_104, %dma_start3A_105] : memref<10000x64xf32, #tpu.memory_space<vmem_shared>> -> memref<10000x64xf32, #tpu.memory_space<vmem_shared>>
      tpu.enqueue_indirect_dma source(%dma_start3A_106 : memref<10000x64xf32, #tpu.memory_space<vmem_shared>>) target(%arg7 : memref<80x64xf32, #tpu.memory_space<vmem>>) offsets(%dma_start3A_103 : memref<80xi32, #tpu.memory_space<vmem>>) semaphore(%arg9 : memref<!tpu.dma_semaphore, #tpu.memory_space<semaphore_mem>>)
      %add3A_107 = arith.constant 1 : i32
      %add3A_108 = arith.addi %mul3A_84, %add3A_107 : i32
      %dma_wait3A_109 = arith.constant 0 : i32
      %dma_wait3A_110 = tpu.memref_slice %arg5[%add3A_108, %dma_wait3A_109] : memref<250x80xi32, #tpu.memory_space<vmem>> -> memref<1x80xi32, #tpu.memory_space<vmem>>
      %dma_wait3A_111 = tpu.memref_squeeze %dma_wait3A_110 : memref<1x80xi32, #tpu.memory_space<vmem>> -> memref<80xi32, #tpu.memory_space<vmem>>
      %dma_wait3A_112 = arith.constant 0 : i32
      %dma_wait3A_113 = arith.constant 0 : i32
      %dma_wait3A_114 = tpu.memref_slice %arg11[%dma_wait3A_112, %dma_wait3A_113] : memref<10000x64xf32, #tpu.memory_space<vmem_shared>> -> memref<10000x64xf32, #tpu.memory_space<vmem_shared>>
      tpu.wait_indirect_dma semaphore(%arg10 : memref<!tpu.dma_semaphore, #tpu.memory_space<semaphore_mem>>) src(%dma_wait3A_114 : memref<10000x64xf32, #tpu.memory_space<vmem_shared>>) dst(%arg8 : memref<80x64xf32, #tpu.memory_space<vmem>>)
      "tpu.region"() ({
        %run_scoped3A_116 = tpu.sem_alloc : memref<!tpu.dma_semaphore, #tpu.memory_space<semaphore_mem>>
        %dma_start3A_117 = arith.constant 0 : i32
        %dma_start3A_118 = tpu.memref_slice %arg6[%add3A_108, %dma_start3A_117] : memref<250x80xi32, #tpu.memory_space<vmem>> -> memref<1x80xi32, #tpu.memory_space<vmem>>
        %dma_start3A_119 = tpu.memref_squeeze %dma_start3A_118 : memref<1x80xi32, #tpu.memory_space<vmem>> -> memref<80xi32, #tpu.memory_space<vmem>>
        %dma_start3A_120 = arith.constant 0 : i32
        %dma_start3A_121 = arith.constant 0 : i32
        %dma_start3A_122 = tpu.memref_slice %arg12[%dma_start3A_120, %dma_start3A_121] : memref<10000x64xf32, #tpu.memory_space<vmem_shared>> -> memref<10000x64xf32, #tpu.memory_space<vmem_shared>>
        tpu.enqueue_indirect_dma source(%arg8 : memref<80x64xf32, #tpu.memory_space<vmem>>) target(%dma_start3A_122 : memref<10000x64xf32, #tpu.memory_space<vmem_shared>>) offsets(%dma_start3A_119 : memref<80xi32, #tpu.memory_space<vmem>>) semaphore(%run_scoped3A_116 : memref<!tpu.dma_semaphore, #tpu.memory_space<semaphore_mem>>) {add = true}
        %dma_wait3A_123 = arith.constant 0 : i32
        %dma_wait3A_124 = tpu.memref_slice %arg6[%add3A_108, %dma_wait3A_123] : memref<250x80xi32, #tpu.memory_space<vmem>> -> memref<1x80xi32, #tpu.memory_space<vmem>>
        %dma_wait3A_125 = tpu.memref_squeeze %dma_wait3A_124 : memref<1x80xi32, #tpu.memory_space<vmem>> -> memref<80xi32, #tpu.memory_space<vmem>>
        %dma_wait3A_126 = arith.constant 0 : i32
        %dma_wait3A_127 = arith.constant 0 : i32
        %dma_wait3A_128 = tpu.memref_slice %arg12[%dma_wait3A_126, %dma_wait3A_127] : memref<10000x64xf32, #tpu.memory_space<vmem_shared>> -> memref<10000x64xf32, #tpu.memory_space<vmem_shared>>
        tpu.wait_indirect_dma semaphore(%run_scoped3A_116 : memref<!tpu.dma_semaphore, #tpu.memory_space<semaphore_mem>>) src(%arg8 : memref<80x64xf32, #tpu.memory_space<vmem>>) dst(%dma_wait3A_128 : memref<10000x64xf32, #tpu.memory_space<vmem_shared>>)
        tpu.yield
      }) : () -> ()
      %scan3A_115 = arith.constant 0 : i32
      scf.yield %scan3A_115 : i32
    }
    %scan3A_53 = arith.constant 124 : i32
    %dma_start3A_54 = arith.constant 249 : i32
    %dma_start3A_55 = arith.constant 0 : i32
    %dma_start3A_56 = tpu.memref_slice %arg5[%dma_start3A_54, %dma_start3A_55] : memref<250x80xi32, #tpu.memory_space<vmem>> -> memref<1x80xi32, #tpu.memory_space<vmem>>
    %dma_start3A_57 = tpu.memref_squeeze %dma_start3A_56 : memref<1x80xi32, #tpu.memory_space<vmem>> -> memref<80xi32, #tpu.memory_space<vmem>>
    %dma_start3A_58 = arith.constant 0 : i32
    %dma_start3A_59 = arith.constant 0 : i32
    %dma_start3A_60 = tpu.memref_slice %arg11[%dma_start3A_58, %dma_start3A_59] : memref<10000x64xf32, #tpu.memory_space<vmem_shared>> -> memref<10000x64xf32, #tpu.memory_space<vmem_shared>>
    tpu.enqueue_indirect_dma source(%dma_start3A_60 : memref<10000x64xf32, #tpu.memory_space<vmem_shared>>) target(%arg8 : memref<80x64xf32, #tpu.memory_space<vmem>>) offsets(%dma_start3A_57 : memref<80xi32, #tpu.memory_space<vmem>>) semaphore(%arg10 : memref<!tpu.dma_semaphore, #tpu.memory_space<semaphore_mem>>)
    %dma_wait3A = arith.constant 248 : i32
    %dma_wait3A_61 = arith.constant 0 : i32
    %dma_wait3A_62 = tpu.memref_slice %arg5[%dma_wait3A, %dma_wait3A_61] : memref<250x80xi32, #tpu.memory_space<vmem>> -> memref<1x80xi32, #tpu.memory_space<vmem>>
    %dma_wait3A_63 = tpu.memref_squeeze %dma_wait3A_62 : memref<1x80xi32, #tpu.memory_space<vmem>> -> memref<80xi32, #tpu.memory_space<vmem>>
    %dma_wait3A_64 = arith.constant 0 : i32
    %dma_wait3A_65 = arith.constant 0 : i32
    %dma_wait3A_66 = tpu.memref_slice %arg11[%dma_wait3A_64, %dma_wait3A_65] : memref<10000x64xf32, #tpu.memory_space<vmem_shared>> -> memref<10000x64xf32, #tpu.memory_space<vmem_shared>>
    tpu.wait_indirect_dma semaphore(%arg9 : memref<!tpu.dma_semaphore, #tpu.memory_space<semaphore_mem>>) src(%dma_wait3A_66 : memref<10000x64xf32, #tpu.memory_space<vmem_shared>>) dst(%arg7 : memref<80x64xf32, #tpu.memory_space<vmem>>)
    %run_scoped3A_67 = arith.constant 248 : i32
    "tpu.region"() ({
      %run_scoped3A_81 = tpu.sem_alloc : memref<!tpu.dma_semaphore, #tpu.memory_space<semaphore_mem>>
      %dma_start3A_82 = arith.constant 0 : i32
      %dma_start3A_83 = tpu.memref_slice %arg6[%run_scoped3A_67, %dma_start3A_82] : memref<250x80xi32, #tpu.memory_space<vmem>> -> memref<1x80xi32, #tpu.memory_space<vmem>>
      %dma_start3A_84 = tpu.memref_squeeze %dma_start3A_83 : memref<1x80xi32, #tpu.memory_space<vmem>> -> memref<80xi32, #tpu.memory_space<vmem>>
      %dma_start3A_85 = arith.constant 0 : i32
      %dma_start3A_86 = arith.constant 0 : i32
      %dma_start3A_87 = tpu.memref_slice %arg12[%dma_start3A_85, %dma_start3A_86] : memref<10000x64xf32, #tpu.memory_space<vmem_shared>> -> memref<10000x64xf32, #tpu.memory_space<vmem_shared>>
      tpu.enqueue_indirect_dma source(%arg7 : memref<80x64xf32, #tpu.memory_space<vmem>>) target(%dma_start3A_87 : memref<10000x64xf32, #tpu.memory_space<vmem_shared>>) offsets(%dma_start3A_84 : memref<80xi32, #tpu.memory_space<vmem>>) semaphore(%run_scoped3A_81 : memref<!tpu.dma_semaphore, #tpu.memory_space<semaphore_mem>>) {add = true}
      %dma_wait3A_88 = arith.constant 0 : i32
      %dma_wait3A_89 = tpu.memref_slice %arg6[%run_scoped3A_67, %dma_wait3A_88] : memref<250x80xi32, #tpu.memory_space<vmem>> -> memref<1x80xi32, #tpu.memory_space<vmem>>
      %dma_wait3A_90 = tpu.memref_squeeze %dma_wait3A_89 : memref<1x80xi32, #tpu.memory_space<vmem>> -> memref<80xi32, #tpu.memory_space<vmem>>
      %dma_wait3A_91 = arith.constant 0 : i32
      %dma_wait3A_92 = arith.constant 0 : i32
      %dma_wait3A_93 = tpu.memref_slice %arg12[%dma_wait3A_91, %dma_wait3A_92] : memref<10000x64xf32, #tpu.memory_space<vmem_shared>> -> memref<10000x64xf32, #tpu.memory_space<vmem_shared>>
      tpu.wait_indirect_dma semaphore(%run_scoped3A_81 : memref<!tpu.dma_semaphore, #tpu.memory_space<semaphore_mem>>) src(%arg7 : memref<80x64xf32, #tpu.memory_space<vmem>>) dst(%dma_wait3A_93 : memref<10000x64xf32, #tpu.memory_space<vmem_shared>>)
      tpu.yield
    }) : () -> ()
    %dma_wait3A_68 = arith.constant 249 : i32
    %dma_wait3A_69 = arith.constant 0 : i32
    %dma_wait3A_70 = tpu.memref_slice %arg5[%dma_wait3A_68, %dma_wait3A_69] : memref<250x80xi32, #tpu.memory_space<vmem>> -> memref<1x80xi32, #tpu.memory_space<vmem>>
    %dma_wait3A_71 = tpu.memref_squeeze %dma_wait3A_70 : memref<1x80xi32, #tpu.memory_space<vmem>> -> memref<80xi32, #tpu.memory_space<vmem>>
    %dma_wait3A_72 = arith.constant 0 : i32
    %dma_wait3A_73 = arith.constant 0 : i32
    %dma_wait3A_74 = tpu.memref_slice %arg11[%dma_wait3A_72, %dma_wait3A_73] : memref<10000x64xf32, #tpu.memory_space<vmem_shared>> -> memref<10000x64xf32, #tpu.memory_space<vmem_shared>>
    tpu.wait_indirect_dma semaphore(%arg10 : memref<!tpu.dma_semaphore, #tpu.memory_space<semaphore_mem>>) src(%dma_wait3A_74 : memref<10000x64xf32, #tpu.memory_space<vmem_shared>>) dst(%arg8 : memref<80x64xf32, #tpu.memory_space<vmem>>)
    %run_scoped3A_75 = arith.constant 249 : i32
    "tpu.region"() ({
      %run_scoped3A_81 = tpu.sem_alloc : memref<!tpu.dma_semaphore, #tpu.memory_space<semaphore_mem>>
      %dma_start3A_82 = arith.constant 0 : i32
      %dma_start3A_83 = tpu.memref_slice %arg6[%run_scoped3A_75, %dma_start3A_82] : memref<250x80xi32, #tpu.memory_space<vmem>> -> memref<1x80xi32, #tpu.memory_space<vmem>>
      %dma_start3A_84 = tpu.memref_squeeze %dma_start3A_83 : memref<1x80xi32, #tpu.memory_space<vmem>> -> memref<80xi32, #tpu.memory_space<vmem>>
      %dma_start3A_85 = arith.constant 0 : i32
      %dma_start3A_86 = arith.constant 0 : i32
      %dma_start3A_87 = tpu.memref_slice %arg12[%dma_start3A_85, %dma_start3A_86] : memref<10000x64xf32, #tpu.memory_space<vmem_shared>> -> memref<10000x64xf32, #tpu.memory_space<vmem_shared>>
      tpu.enqueue_indirect_dma source(%arg8 : memref<80x64xf32, #tpu.memory_space<vmem>>) target(%dma_start3A_87 : memref<10000x64xf32, #tpu.memory_space<vmem_shared>>) offsets(%dma_start3A_84 : memref<80xi32, #tpu.memory_space<vmem>>) semaphore(%run_scoped3A_81 : memref<!tpu.dma_semaphore, #tpu.memory_space<semaphore_mem>>) {add = true}
      %dma_wait3A_88 = arith.constant 0 : i32
      %dma_wait3A_89 = tpu.memref_slice %arg6[%run_scoped3A_75, %dma_wait3A_88] : memref<250x80xi32, #tpu.memory_space<vmem>> -> memref<1x80xi32, #tpu.memory_space<vmem>>
      %dma_wait3A_90 = tpu.memref_squeeze %dma_wait3A_89 : memref<1x80xi32, #tpu.memory_space<vmem>> -> memref<80xi32, #tpu.memory_space<vmem>>
      %dma_wait3A_91 = arith.constant 0 : i32
      %dma_wait3A_92 = arith.constant 0 : i32
      %dma_wait3A_93 = tpu.memref_slice %arg12[%dma_wait3A_91, %dma_wait3A_92] : memref<10000x64xf32, #tpu.memory_space<vmem_shared>> -> memref<10000x64xf32, #tpu.memory_space<vmem_shared>>
      tpu.wait_indirect_dma semaphore(%run_scoped3A_81 : memref<!tpu.dma_semaphore, #tpu.memory_space<semaphore_mem>>) src(%arg8 : memref<80x64xf32, #tpu.memory_space<vmem>>) dst(%dma_wait3A_93 : memref<10000x64xf32, #tpu.memory_space<vmem_shared>>)
      tpu.yield
    }) : () -> ()
    %barrier3A_76 = arith.constant 0 : index
    tpu.barrier barrier_id(%barrier3A_76)
    %mul3A_77 = arith.constant 625 : i32
    %mul3A_78 = arith.muli %arg1, %mul3A_77 : i32
    %mul3A_79 = arith.constant 625 : i32
    %mul3A_80 = arith.muli %arg1, %mul3A_79 : i32
    "tpu.region"() ({
      %run_scoped3A_81 = tpu.sem_alloc : memref<!tpu.dma_semaphore, #tpu.memory_space<semaphore_mem>>
      %dma_start3A_82 = arith.constant 0 : i32
      %dma_start3A_83 = tpu.memref_slice %arg4[%arg0, %mul3A_80, %dma_start3A_82] : memref<2x10000x64xf32, #tpu.memory_space<hbm>> -> memref<1x625x64xf32, #tpu.memory_space<hbm>>
      %dma_start3A_84 = tpu.memref_squeeze %dma_start3A_83 : memref<1x625x64xf32, #tpu.memory_space<hbm>> -> memref<625x64xf32, #tpu.memory_space<hbm>>
      %dma_start3A_85 = arith.constant 0 : i32
      %dma_start3A_86 = tpu.memref_slice %arg12[%mul3A_78, %dma_start3A_85] : memref<10000x64xf32, #tpu.memory_space<vmem_shared>> -> memref<625x64xf32, #tpu.memory_space<vmem_shared>>
      tpu.enqueue_dma source(%dma_start3A_86 : memref<625x64xf32, #tpu.memory_space<vmem_shared>>) target(%dma_start3A_84 : memref<625x64xf32, #tpu.memory_space<hbm>>) target_semaphore(%run_scoped3A_81 : memref<!tpu.dma_semaphore, #tpu.memory_space<semaphore_mem>>)
      %dma_wait3A_87 = arith.constant 0 : i32
      %dma_wait3A_88 = tpu.memref_slice %arg4[%arg0, %mul3A_80, %dma_wait3A_87] : memref<2x10000x64xf32, #tpu.memory_space<hbm>> -> memref<1x625x64xf32, #tpu.memory_space<hbm>>
      %dma_wait3A_89 = tpu.memref_squeeze %dma_wait3A_88 : memref<1x625x64xf32, #tpu.memory_space<hbm>> -> memref<625x64xf32, #tpu.memory_space<hbm>>
      %dma_wait3A_90 = arith.constant 0 : i32
      %dma_wait3A_91 = tpu.memref_slice %arg12[%mul3A_78, %dma_wait3A_90] : memref<10000x64xf32, #tpu.memory_space<vmem_shared>> -> memref<625x64xf32, #tpu.memory_space<vmem_shared>>
      tpu.wait_dma2 semaphore(%run_scoped3A_81 : memref<!tpu.dma_semaphore, #tpu.memory_space<semaphore_mem>>) src(%dma_wait3A_91 : memref<625x64xf32, #tpu.memory_space<vmem_shared>>) dst(%dma_wait3A_89 : memref<625x64xf32, #tpu.memory_space<hbm>>)
      tpu.yield
    }) : () -> ()
    return
  }
}

#map = affine_map<(d0, d1) -> (0, 0, 0)>
#map1 = affine_map<(d0, d1) -> (0, 0, 0, 0)>
module attributes {stable_mosaic.version = 14 : i64} {
  func.func @_sc_scatter(%arg0: i32, %arg1: i32, %arg2: memref<2x10000x64xf32, #tpu.memory_space<hbm>>, %arg3: memref<2x16x250x80xi32, #tpu.memory_space<hbm>>, %arg4: memref<2x10000x64xf32, #tpu.memory_space<hbm>>, %arg5: memref<250x80xi32, #tpu.memory_space<vmem>>, %arg6: memref<250x80xi32, #tpu.memory_space<vmem>>, %arg7: memref<80x64xf32, #tpu.memory_space<vmem>>, %arg8: memref<80x64xf32, #tpu.memory_space<vmem>>, %arg9: memref<!tpu.dma_semaphore, #tpu.memory_space<semaphore_mem>>, %arg10: memref<!tpu.dma_semaphore, #tpu.memory_space<semaphore_mem>>, %arg11: memref<10000x64xf32, #tpu.memory_space<vmem_shared>>, %arg12: memref<10000x64xf32, #tpu.memory_space<vmem_shared>>) attributes {dimension_semantics = [#tpu.dimension_semantics<core_parallel>, #tpu.dimension_semantics<subcore_parallel>], iteration_bounds = array<i64: 2, 16>, scalar_prefetch = 0 : i64, scratch_operands = 8 : i64, tpu.core_type = #tpu.core_type<sc_vector_subcore>, window_params = [{transform_indices = #map}, {transform_indices = #map1}, {transform_indices = #map}]} {
    %mul3A = arith.constant 625 : i32
    %mul3A_0 = arith.muli %arg1, %mul3A : i32
    %mul3A_1 = arith.constant 625 : i32
    %mul3A_2 = arith.muli %arg1, %mul3A_1 : i32
    "tpu.region"() ({
      %run_scoped3A_81 = tpu.sem_alloc : memref<!tpu.dma_semaphore, #tpu.memory_space<semaphore_mem>>
      %dma_start3A_82 = arith.constant 0 : i32
      %dma_start3A_83 = tpu.memref_slice %arg11[%mul3A_2, %dma_start3A_82] : memref<10000x64xf32, #tpu.memory_space<vmem_shared>> -> memref<625x64xf32, #tpu.memory_space<vmem_shared>>
      %dma_start3A_84 = arith.constant 0 : i32
      %dma_start3A_85 = tpu.memref_slice %arg2[%arg0, %mul3A_0, %dma_start3A_84] : memref<2x10000x64xf32, #tpu.memory_space<hbm>> -> memref<1x625x64xf32, #tpu.memory_space<hbm>>
      %dma_start3A_86 = tpu.memref_squeeze %dma_start3A_85 : memref<1x625x64xf32, #tpu.memory_space<hbm>> -> memref<625x64xf32, #tpu.memory_space<hbm>>
      tpu.enqueue_dma source(%dma_start3A_86 : memref<625x64xf32, #tpu.memory_space<hbm>>) target(%dma_start3A_83 : memref<625x64xf32, #tpu.memory_space<vmem_shared>>) target_semaphore(%run_scoped3A_81 : memref<!tpu.dma_semaphore, #tpu.memory_space<semaphore_mem>>)
      %dma_wait3A_87 = arith.constant 0 : i32
      %dma_wait3A_88 = tpu.memref_slice %arg11[%mul3A_2, %dma_wait3A_87] : memref<10000x64xf32, #tpu.memory_space<vmem_shared>> -> memref<625x64xf32, #tpu.memory_space<vmem_shared>>
      %dma_wait3A_89 = arith.constant 0 : i32
      %dma_wait3A_90 = tpu.memref_slice %arg2[%arg0, %mul3A_0, %dma_wait3A_89] : memref<2x10000x64xf32, #tpu.memory_space<hbm>> -> memref<1x625x64xf32, #tpu.memory_space<hbm>>
      %dma_wait3A_91 = tpu.memref_squeeze %dma_wait3A_90 : memref<1x625x64xf32, #tpu.memory_space<hbm>> -> memref<625x64xf32, #tpu.memory_space<hbm>>
      tpu.wait_dma2 semaphore(%run_scoped3A_81 : memref<!tpu.dma_semaphore, #tpu.memory_space<semaphore_mem>>) src(%dma_wait3A_91 : memref<625x64xf32, #tpu.memory_space<hbm>>) dst(%dma_wait3A_88 : memref<625x64xf32, #tpu.memory_space<vmem_shared>>)
      tpu.yield
    }) : () -> ()
    %scan3A = arith.constant 0 : i32
    %scan3A_3 = arith.constant 0 : i32
    %scan3A_4 = arith.constant 80 : i32
    %scan3A_5 = arith.addi %scan3A_3, %scan3A_4 : i32
    %scan3A_6 = arith.constant 1 : i32
    %scan3A_7 = scf.for %scan3A_81 = %scan3A_3 to %scan3A_5 step %scan3A_6 iter_args(%scan3A_82 = %scan3A) -> (i32)  : i32 {
      %broadcast_in_dim3A = arith.constant 0.000000e+00 : f32
      %broadcast_in_dim3A_83 = vector.broadcast %broadcast_in_dim3A : f32 to vector<16xf32>
      %swap3A = arith.index_cast %scan3A_81 : i32 to index
      %swap3A_84 = arith.constant 0 : index
      %swap3A_85 = tpu.vector_load %arg7[%swap3A, %swap3A_84] {strides = array<i32>} : memref<80x64xf32, #tpu.memory_space<vmem>>, vector<1x16xf32>,
      %swap3A_86 = vector.shape_cast %swap3A_85 : vector<1x16xf32> to vector<16xf32>
      %swap3A_87 = vector.shape_cast %broadcast_in_dim3A_83 : vector<16xf32> to vector<1x16xf32>
      tpu.vector_store %arg7[%swap3A, %swap3A_84], %swap3A_87 {strides = array<i32>} : memref<80x64xf32, #tpu.memory_space<vmem>>, vector<1x16xf32>,
      %broadcast_in_dim3A_88 = arith.constant 0.000000e+00 : f32
      %broadcast_in_dim3A_89 = vector.broadcast %broadcast_in_dim3A_88 : f32 to vector<16xf32>
      %swap3A_90 = arith.index_cast %scan3A_81 : i32 to index
      %swap3A_91 = arith.constant 16 : index
      %swap3A_92 = tpu.vector_load %arg7[%swap3A_90, %swap3A_91] {strides = array<i32>} : memref<80x64xf32, #tpu.memory_space<vmem>>, vector<1x16xf32>,
      %swap3A_93 = vector.shape_cast %swap3A_92 : vector<1x16xf32> to vector<16xf32>
      %swap3A_94 = vector.shape_cast %broadcast_in_dim3A_89 : vector<16xf32> to vector<1x16xf32>
      tpu.vector_store %arg7[%swap3A_90, %swap3A_91], %swap3A_94 {strides = array<i32>} : memref<80x64xf32, #tpu.memory_space<vmem>>, vector<1x16xf32>,
      %broadcast_in_dim3A_95 = arith.constant 0.000000e+00 : f32
      %broadcast_in_dim3A_96 = vector.broadcast %broadcast_in_dim3A_95 : f32 to vector<16xf32>
      %swap3A_97 = arith.index_cast %scan3A_81 : i32 to index
      %swap3A_98 = arith.constant 32 : index
      %swap3A_99 = tpu.vector_load %arg7[%swap3A_97, %swap3A_98] {strides = array<i32>} : memref<80x64xf32, #tpu.memory_space<vmem>>, vector<1x16xf32>,
      %swap3A_100 = vector.shape_cast %swap3A_99 : vector<1x16xf32> to vector<16xf32>
      %swap3A_101 = vector.shape_cast %broadcast_in_dim3A_96 : vector<16xf32> to vector<1x16xf32>
      tpu.vector_store %arg7[%swap3A_97, %swap3A_98], %swap3A_101 {strides = array<i32>} : memref<80x64xf32, #tpu.memory_space<vmem>>, vector<1x16xf32>,
      %broadcast_in_dim3A_102 = arith.constant 0.000000e+00 : f32
      %broadcast_in_dim3A_103 = vector.broadcast %broadcast_in_dim3A_102 : f32 to vector<16xf32>
      %swap3A_104 = arith.index_cast %scan3A_81 : i32 to index
      %swap3A_105 = arith.constant 48 : index
      %swap3A_106 = tpu.vector_load %arg7[%swap3A_104, %swap3A_105] {strides = array<i32>} : memref<80x64xf32, #tpu.memory_space<vmem>>, vector<1x16xf32>,
      %swap3A_107 = vector.shape_cast %swap3A_106 : vector<1x16xf32> to vector<16xf32>
      %swap3A_108 = vector.shape_cast %broadcast_in_dim3A_103 : vector<16xf32> to vector<1x16xf32>
      tpu.vector_store %arg7[%swap3A_104, %swap3A_105], %swap3A_108 {strides = array<i32>} : memref<80x64xf32, #tpu.memory_space<vmem>>, vector<1x16xf32>,
      %scan3A_109 = arith.constant 0 : i32
      scf.yield %scan3A_109 : i32
    }
    %scan3A_8 = arith.constant 80 : i32
    %mul3A_9 = arith.constant 625 : i32
    %mul3A_10 = arith.muli %arg1, %mul3A_9 : i32
    %add3A = arith.constant 0 : i32
    %add3A_11 = arith.addi %mul3A_10, %add3A : i32
    "tpu.region"() ({
      %run_scoped3A_81 = tpu.sem_alloc : memref<!tpu.dma_semaphore, #tpu.memory_space<semaphore_mem>>
      %dma_start3A_82 = arith.constant 0 : i32
      %dma_start3A_83 = tpu.memref_slice %arg12[%add3A_11, %dma_start3A_82] : memref<10000x64xf32, #tpu.memory_space<vmem_shared>> -> memref<80x64xf32, #tpu.memory_space<vmem_shared>>
      %dma_start3A_84 = arith.constant 0 : i32
      %dma_start3A_85 = tpu.memref_slice %arg12[%add3A_11, %dma_start3A_84] : memref<10000x64xf32, #tpu.memory_space<vmem_shared>> -> memref<80x64xf32, #tpu.memory_space<vmem_shared>>
      tpu.enqueue_dma source(%arg7 : memref<80x64xf32, #tpu.memory_space<vmem>>) target(%dma_start3A_85 : memref<80x64xf32, #tpu.memory_space<vmem_shared>>) target_semaphore(%run_scoped3A_81 : memref<!tpu.dma_semaphore, #tpu.memory_space<semaphore_mem>>)
      %dma_wait3A_86 = arith.constant 0 : i32
      %dma_wait3A_87 = tpu.memref_slice %arg12[%add3A_11, %dma_wait3A_86] : memref<10000x64xf32, #tpu.memory_space<vmem_shared>> -> memref<80x64xf32, #tpu.memory_space<vmem_shared>>
      %dma_wait3A_88 = arith.constant 0 : i32
      %dma_wait3A_89 = tpu.memref_slice %arg12[%add3A_11, %dma_wait3A_88] : memref<10000x64xf32, #tpu.memory_space<vmem_shared>> -> memref<80x64xf32, #tpu.memory_space<vmem_shared>>
      tpu.wait_dma2 semaphore(%run_scoped3A_81 : memref<!tpu.dma_semaphore, #tpu.memory_space<semaphore_mem>>) src(%arg7 : memref<80x64xf32, #tpu.memory_space<vmem>>) dst(%dma_wait3A_89 : memref<80x64xf32, #tpu.memory_space<vmem_shared>>)
      tpu.yield
    }) : () -> ()
    %mul3A_12 = arith.constant 625 : i32
    %mul3A_13 = arith.muli %arg1, %mul3A_12 : i32
    %add3A_14 = arith.constant 80 : i32
    %add3A_15 = arith.addi %mul3A_13, %add3A_14 : i32
    "tpu.region"() ({
      %run_scoped3A_81 = tpu.sem_alloc : memref<!tpu.dma_semaphore, #tpu.memory_space<semaphore_mem>>
      %dma_start3A_82 = arith.constant 0 : i32
      %dma_start3A_83 = tpu.memref_slice %arg12[%add3A_15, %dma_start3A_82] : memref<10000x64xf32, #tpu.memory_space<vmem_shared>> -> memref<80x64xf32, #tpu.memory_space<vmem_shared>>
      %dma_start3A_84 = arith.constant 0 : i32
      %dma_start3A_85 = tpu.memref_slice %arg12[%add3A_15, %dma_start3A_84] : memref<10000x64xf32, #tpu.memory_space<vmem_shared>> -> memref<80x64xf32, #tpu.memory_space<vmem_shared>>
      tpu.enqueue_dma source(%arg7 : memref<80x64xf32, #tpu.memory_space<vmem>>) target(%dma_start3A_85 : memref<80x64xf32, #tpu.memory_space<vmem_shared>>) target_semaphore(%run_scoped3A_81 : memref<!tpu.dma_semaphore, #tpu.memory_space<semaphore_mem>>)
      %dma_wait3A_86 = arith.constant 0 : i32
      %dma_wait3A_87 = tpu.memref_slice %arg12[%add3A_15, %dma_wait3A_86] : memref<10000x64xf32, #tpu.memory_space<vmem_shared>> -> memref<80x64xf32, #tpu.memory_space<vmem_shared>>
      %dma_wait3A_88 = arith.constant 0 : i32
      %dma_wait3A_89 = tpu.memref_slice %arg12[%add3A_15, %dma_wait3A_88] : memref<10000x64xf32, #tpu.memory_space<vmem_shared>> -> memref<80x64xf32, #tpu.memory_space<vmem_shared>>
      tpu.wait_dma2 semaphore(%run_scoped3A_81 : memref<!tpu.dma_semaphore, #tpu.memory_space<semaphore_mem>>) src(%arg7 : memref<80x64xf32, #tpu.memory_space<vmem>>) dst(%dma_wait3A_89 : memref<80x64xf32, #tpu.memory_space<vmem_shared>>)
      tpu.yield
    }) : () -> ()
    %mul3A_16 = arith.constant 625 : i32
    %mul3A_17 = arith.muli %arg1, %mul3A_16 : i32
    %add3A_18 = arith.constant 160 : i32
    %add3A_19 = arith.addi %mul3A_17, %add3A_18 : i32
    "tpu.region"() ({
      %run_scoped3A_81 = tpu.sem_alloc : memref<!tpu.dma_semaphore, #tpu.memory_space<semaphore_mem>>
      %dma_start3A_82 = arith.constant 0 : i32
      %dma_start3A_83 = tpu.memref_slice %arg12[%add3A_19, %dma_start3A_82] : memref<10000x64xf32, #tpu.memory_space<vmem_shared>> -> memref<80x64xf32, #tpu.memory_space<vmem_shared>>
      %dma_start3A_84 = arith.constant 0 : i32
      %dma_start3A_85 = tpu.memref_slice %arg12[%add3A_19, %dma_start3A_84] : memref<10000x64xf32, #tpu.memory_space<vmem_shared>> -> memref<80x64xf32, #tpu.memory_space<vmem_shared>>
      tpu.enqueue_dma source(%arg7 : memref<80x64xf32, #tpu.memory_space<vmem>>) target(%dma_start3A_85 : memref<80x64xf32, #tpu.memory_space<vmem_shared>>) target_semaphore(%run_scoped3A_81 : memref<!tpu.dma_semaphore, #tpu.memory_space<semaphore_mem>>)
      %dma_wait3A_86 = arith.constant 0 : i32
      %dma_wait3A_87 = tpu.memref_slice %arg12[%add3A_19, %dma_wait3A_86] : memref<10000x64xf32, #tpu.memory_space<vmem_shared>> -> memref<80x64xf32, #tpu.memory_space<vmem_shared>>
      %dma_wait3A_88 = arith.constant 0 : i32
      %dma_wait3A_89 = tpu.memref_slice %arg12[%add3A_19, %dma_wait3A_88] : memref<10000x64xf32, #tpu.memory_space<vmem_shared>> -> memref<80x64xf32, #tpu.memory_space<vmem_shared>>
      tpu.wait_dma2 semaphore(%run_scoped3A_81 : memref<!tpu.dma_semaphore, #tpu.memory_space<semaphore_mem>>) src(%arg7 : memref<80x64xf32, #tpu.memory_space<vmem>>) dst(%dma_wait3A_89 : memref<80x64xf32, #tpu.memory_space<vmem_shared>>)
      tpu.yield
    }) : () -> ()
    %mul3A_20 = arith.constant 625 : i32
    %mul3A_21 = arith.muli %arg1, %mul3A_20 : i32
    %add3A_22 = arith.constant 240 : i32
    %add3A_23 = arith.addi %mul3A_21, %add3A_22 : i32
    "tpu.region"() ({
      %run_scoped3A_81 = tpu.sem_alloc : memref<!tpu.dma_semaphore, #tpu.memory_space<semaphore_mem>>
      %dma_start3A_82 = arith.constant 0 : i32
      %dma_start3A_83 = tpu.memref_slice %arg12[%add3A_23, %dma_start3A_82] : memref<10000x64xf32, #tpu.memory_space<vmem_shared>> -> memref<80x64xf32, #tpu.memory_space<vmem_shared>>
      %dma_start3A_84 = arith.constant 0 : i32
      %dma_start3A_85 = tpu.memref_slice %arg12[%add3A_23, %dma_start3A_84] : memref<10000x64xf32, #tpu.memory_space<vmem_shared>> -> memref<80x64xf32, #tpu.memory_space<vmem_shared>>
      tpu.enqueue_dma source(%arg7 : memref<80x64xf32, #tpu.memory_space<vmem>>) target(%dma_start3A_85 : memref<80x64xf32, #tpu.memory_space<vmem_shared>>) target_semaphore(%run_scoped3A_81 : memref<!tpu.dma_semaphore, #tpu.memory_space<semaphore_mem>>)
      %dma_wait3A_86 = arith.constant 0 : i32
      %dma_wait3A_87 = tpu.memref_slice %arg12[%add3A_23, %dma_wait3A_86] : memref<10000x64xf32, #tpu.memory_space<vmem_shared>> -> memref<80x64xf32, #tpu.memory_space<vmem_shared>>
      %dma_wait3A_88 = arith.constant 0 : i32
      %dma_wait3A_89 = tpu.memref_slice %arg12[%add3A_23, %dma_wait3A_88] : memref<10000x64xf32, #tpu.memory_space<vmem_shared>> -> memref<80x64xf32, #tpu.memory_space<vmem_shared>>
      tpu.wait_dma2 semaphore(%run_scoped3A_81 : memref<!tpu.dma_semaphore, #tpu.memory_space<semaphore_mem>>) src(%arg7 : memref<80x64xf32, #tpu.memory_space<vmem>>) dst(%dma_wait3A_89 : memref<80x64xf32, #tpu.memory_space<vmem_shared>>)
      tpu.yield
    }) : () -> ()
    %mul3A_24 = arith.constant 625 : i32
    %mul3A_25 = arith.muli %arg1, %mul3A_24 : i32
    %add3A_26 = arith.constant 320 : i32
    %add3A_27 = arith.addi %mul3A_25, %add3A_26 : i32
    "tpu.region"() ({
      %run_scoped3A_81 = tpu.sem_alloc : memref<!tpu.dma_semaphore, #tpu.memory_space<semaphore_mem>>
      %dma_start3A_82 = arith.constant 0 : i32
      %dma_start3A_83 = tpu.memref_slice %arg12[%add3A_27, %dma_start3A_82] : memref<10000x64xf32, #tpu.memory_space<vmem_shared>> -> memref<80x64xf32, #tpu.memory_space<vmem_shared>>
      %dma_start3A_84 = arith.constant 0 : i32
      %dma_start3A_85 = tpu.memref_slice %arg12[%add3A_27, %dma_start3A_84] : memref<10000x64xf32, #tpu.memory_space<vmem_shared>> -> memref<80x64xf32, #tpu.memory_space<vmem_shared>>
      tpu.enqueue_dma source(%arg7 : memref<80x64xf32, #tpu.memory_space<vmem>>) target(%dma_start3A_85 : memref<80x64xf32, #tpu.memory_space<vmem_shared>>) target_semaphore(%run_scoped3A_81 : memref<!tpu.dma_semaphore, #tpu.memory_space<semaphore_mem>>)
      %dma_wait3A_86 = arith.constant 0 : i32
      %dma_wait3A_87 = tpu.memref_slice %arg12[%add3A_27, %dma_wait3A_86] : memref<10000x64xf32, #tpu.memory_space<vmem_shared>> -> memref<80x64xf32, #tpu.memory_space<vmem_shared>>
      %dma_wait3A_88 = arith.constant 0 : i32
      %dma_wait3A_89 = tpu.memref_slice %arg12[%add3A_27, %dma_wait3A_88] : memref<10000x64xf32, #tpu.memory_space<vmem_shared>> -> memref<80x64xf32, #tpu.memory_space<vmem_shared>>
      tpu.wait_dma2 semaphore(%run_scoped3A_81 : memref<!tpu.dma_semaphore, #tpu.memory_space<semaphore_mem>>) src(%arg7 : memref<80x64xf32, #tpu.memory_space<vmem>>) dst(%dma_wait3A_89 : memref<80x64xf32, #tpu.memory_space<vmem_shared>>)
      tpu.yield
    }) : () -> ()
    %mul3A_28 = arith.constant 625 : i32
    %mul3A_29 = arith.muli %arg1, %mul3A_28 : i32
    %add3A_30 = arith.constant 400 : i32
    %add3A_31 = arith.addi %mul3A_29, %add3A_30 : i32
    "tpu.region"() ({
      %run_scoped3A_81 = tpu.sem_alloc : memref<!tpu.dma_semaphore, #tpu.memory_space<semaphore_mem>>
      %dma_start3A_82 = arith.constant 0 : i32
      %dma_start3A_83 = tpu.memref_slice %arg12[%add3A_31, %dma_start3A_82] : memref<10000x64xf32, #tpu.memory_space<vmem_shared>> -> memref<80x64xf32, #tpu.memory_space<vmem_shared>>
      %dma_start3A_84 = arith.constant 0 : i32
      %dma_start3A_85 = tpu.memref_slice %arg12[%add3A_31, %dma_start3A_84] : memref<10000x64xf32, #tpu.memory_space<vmem_shared>> -> memref<80x64xf32, #tpu.memory_space<vmem_shared>>
      tpu.enqueue_dma source(%arg7 : memref<80x64xf32, #tpu.memory_space<vmem>>) target(%dma_start3A_85 : memref<80x64xf32, #tpu.memory_space<vmem_shared>>) target_semaphore(%run_scoped3A_81 : memref<!tpu.dma_semaphore, #tpu.memory_space<semaphore_mem>>)
      %dma_wait3A_86 = arith.constant 0 : i32
      %dma_wait3A_87 = tpu.memref_slice %arg12[%add3A_31, %dma_wait3A_86] : memref<10000x64xf32, #tpu.memory_space<vmem_shared>> -> memref<80x64xf32, #tpu.memory_space<vmem_shared>>
      %dma_wait3A_88 = arith.constant 0 : i32
      %dma_wait3A_89 = tpu.memref_slice %arg12[%add3A_31, %dma_wait3A_88] : memref<10000x64xf32, #tpu.memory_space<vmem_shared>> -> memref<80x64xf32, #tpu.memory_space<vmem_shared>>
      tpu.wait_dma2 semaphore(%run_scoped3A_81 : memref<!tpu.dma_semaphore, #tpu.memory_space<semaphore_mem>>) src(%arg7 : memref<80x64xf32, #tpu.memory_space<vmem>>) dst(%dma_wait3A_89 : memref<80x64xf32, #tpu.memory_space<vmem_shared>>)
      tpu.yield
    }) : () -> ()
    %mul3A_32 = arith.constant 625 : i32
    %mul3A_33 = arith.muli %arg1, %mul3A_32 : i32
    %add3A_34 = arith.constant 480 : i32
    %add3A_35 = arith.addi %mul3A_33, %add3A_34 : i32
    "tpu.region"() ({
      %run_scoped3A_81 = tpu.sem_alloc : memref<!tpu.dma_semaphore, #tpu.memory_space<semaphore_mem>>
      %dma_start3A_82 = arith.constant 0 : i32
      %dma_start3A_83 = tpu.memref_slice %arg12[%add3A_35, %dma_start3A_82] : memref<10000x64xf32, #tpu.memory_space<vmem_shared>> -> memref<80x64xf32, #tpu.memory_space<vmem_shared>>
      %dma_start3A_84 = arith.constant 0 : i32
      %dma_start3A_85 = tpu.memref_slice %arg12[%add3A_35, %dma_start3A_84] : memref<10000x64xf32, #tpu.memory_space<vmem_shared>> -> memref<80x64xf32, #tpu.memory_space<vmem_shared>>
      tpu.enqueue_dma source(%arg7 : memref<80x64xf32, #tpu.memory_space<vmem>>) target(%dma_start3A_85 : memref<80x64xf32, #tpu.memory_space<vmem_shared>>) target_semaphore(%run_scoped3A_81 : memref<!tpu.dma_semaphore, #tpu.memory_space<semaphore_mem>>)
      %dma_wait3A_86 = arith.constant 0 : i32
      %dma_wait3A_87 = tpu.memref_slice %arg12[%add3A_35, %dma_wait3A_86] : memref<10000x64xf32, #tpu.memory_space<vmem_shared>> -> memref<80x64xf32, #tpu.memory_space<vmem_shared>>
      %dma_wait3A_88 = arith.constant 0 : i32
      %dma_wait3A_89 = tpu.memref_slice %arg12[%add3A_35, %dma_wait3A_88] : memref<10000x64xf32, #tpu.memory_space<vmem_shared>> -> memref<80x64xf32, #tpu.memory_space<vmem_shared>>
      tpu.wait_dma2 semaphore(%run_scoped3A_81 : memref<!tpu.dma_semaphore, #tpu.memory_space<semaphore_mem>>) src(%arg7 : memref<80x64xf32, #tpu.memory_space<vmem>>) dst(%dma_wait3A_89 : memref<80x64xf32, #tpu.memory_space<vmem_shared>>)
      tpu.yield
    }) : () -> ()
    %mul3A_36 = arith.constant 625 : i32
    %mul3A_37 = arith.muli %arg1, %mul3A_36 : i32
    %add3A_38 = arith.constant 560 : i32
    %add3A_39 = arith.addi %mul3A_37, %add3A_38 : i32
    "tpu.region"() ({
      %run_scoped3A_81 = tpu.sem_alloc : memref<!tpu.dma_semaphore, #tpu.memory_space<semaphore_mem>>
      %dma_start3A_82 = arith.constant 0 : i32
      %dma_start3A_83 = arith.constant 0 : i32
      %dma_start3A_84 = tpu.memref_slice %arg7[%dma_start3A_82, %dma_start3A_83] : memref<80x64xf32, #tpu.memory_space<vmem>> -> memref<65x64xf32, #tpu.memory_space<vmem>>
      %dma_start3A_85 = arith.constant 0 : i32
      %dma_start3A_86 = tpu.memref_slice %arg12[%add3A_39, %dma_start3A_85] : memref<10000x64xf32, #tpu.memory_space<vmem_shared>> -> memref<65x64xf32, #tpu.memory_space<vmem_shared>>
      %dma_start3A_87 = arith.constant 0 : i32
      %dma_start3A_88 = tpu.memref_slice %arg12[%add3A_39, %dma_start3A_87] : memref<10000x64xf32, #tpu.memory_space<vmem_shared>> -> memref<65x64xf32, #tpu.memory_space<vmem_shared>>
      %dma_start3A_89 = arith.constant 0 : i32
      %dma_start3A_90 = arith.constant 0 : i32
      %dma_start3A_91 = tpu.memref_slice %arg7[%dma_start3A_89, %dma_start3A_90] : memref<80x64xf32, #tpu.memory_space<vmem>> -> memref<65x64xf32, #tpu.memory_space<vmem>>
      tpu.enqueue_dma source(%dma_start3A_91 : memref<65x64xf32, #tpu.memory_space<vmem>>) target(%dma_start3A_88 : memref<65x64xf32, #tpu.memory_space<vmem_shared>>) target_semaphore(%run_scoped3A_81 : memref<!tpu.dma_semaphore, #tpu.memory_space<semaphore_mem>>)
      %dma_wait3A_92 = arith.constant 0 : i32
      %dma_wait3A_93 = arith.constant 0 : i32
      %dma_wait3A_94 = tpu.memref_slice %arg7[%dma_wait3A_92, %dma_wait3A_93] : memref<80x64xf32, #tpu.memory_space<vmem>> -> memref<65x64xf32, #tpu.memory_space<vmem>>
      %dma_wait3A_95 = arith.constant 0 : i32
      %dma_wait3A_96 = tpu.memref_slice %arg12[%add3A_39, %dma_wait3A_95] : memref<10000x64xf32, #tpu.memory_space<vmem_shared>> -> memref<65x64xf32, #tpu.memory_space<vmem_shared>>
      %dma_wait3A_97 = arith.constant 0 : i32
      %dma_wait3A_98 = tpu.memref_slice %arg12[%add3A_39, %dma_wait3A_97] : memref<10000x64xf32, #tpu.memory_space<vmem_shared>> -> memref<65x64xf32, #tpu.memory_space<vmem_shared>>
      %dma_wait3A_99 = arith.constant 0 : i32
      %dma_wait3A_100 = arith.constant 0 : i32
      %dma_wait3A_101 = tpu.memref_slice %arg7[%dma_wait3A_99, %dma_wait3A_100] : memref<80x64xf32, #tpu.memory_space<vmem>> -> memref<65x64xf32, #tpu.memory_space<vmem>>
      tpu.wait_dma2 semaphore(%run_scoped3A_81 : memref<!tpu.dma_semaphore, #tpu.memory_space<semaphore_mem>>) src(%dma_wait3A_101 : memref<65x64xf32, #tpu.memory_space<vmem>>) dst(%dma_wait3A_98 : memref<65x64xf32, #tpu.memory_space<vmem_shared>>)
      tpu.yield
    }) : () -> ()
    %run_scoped3A = arith.constant 0 : i32
    "tpu.region"() ({
      %run_scoped3A_81 = tpu.sem_alloc : memref<!tpu.dma_semaphore, #tpu.memory_space<semaphore_mem>>
      %dma_start3A_82 = arith.constant 0 : i32
      %dma_start3A_83 = arith.constant 0 : i32
      %dma_start3A_84 = tpu.memref_slice %arg3[%run_scoped3A, %arg1, %dma_start3A_82, %dma_start3A_83] : memref<2x16x250x80xi32, #tpu.memory_space<hbm>> -> memref<1x1x250x80xi32, #tpu.memory_space<hbm>>
      %dma_start3A_85 = tpu.memref_squeeze %dma_start3A_84 : memref<1x1x250x80xi32, #tpu.memory_space<hbm>> -> memref<250x80xi32, #tpu.memory_space<hbm>>
      %dma_start3A_86 = arith.constant 0 : i32
      %dma_start3A_87 = arith.constant 0 : i32
      %dma_start3A_88 = tpu.memref_slice %arg3[%run_scoped3A, %arg1, %dma_start3A_86, %dma_start3A_87] : memref<2x16x250x80xi32, #tpu.memory_space<hbm>> -> memref<1x1x250x80xi32, #tpu.memory_space<hbm>>
      %dma_start3A_89 = tpu.memref_squeeze %dma_start3A_88 : memref<1x1x250x80xi32, #tpu.memory_space<hbm>> -> memref<250x80xi32, #tpu.memory_space<hbm>>
      tpu.enqueue_dma source(%dma_start3A_89 : memref<250x80xi32, #tpu.memory_space<hbm>>) target(%arg5 : memref<250x80xi32, #tpu.memory_space<vmem>>) target_semaphore(%run_scoped3A_81 : memref<!tpu.dma_semaphore, #tpu.memory_space<semaphore_mem>>)
      %dma_wait3A_90 = arith.constant 0 : i32
      %dma_wait3A_91 = arith.constant 0 : i32
      %dma_wait3A_92 = tpu.memref_slice %arg3[%run_scoped3A, %arg1, %dma_wait3A_90, %dma_wait3A_91] : memref<2x16x250x80xi32, #tpu.memory_space<hbm>> -> memref<1x1x250x80xi32, #tpu.memory_space<hbm>>
      %dma_wait3A_93 = tpu.memref_squeeze %dma_wait3A_92 : memref<1x1x250x80xi32, #tpu.memory_space<hbm>> -> memref<250x80xi32, #tpu.memory_space<hbm>>
      %dma_wait3A_94 = arith.constant 0 : i32
      %dma_wait3A_95 = arith.constant 0 : i32
      %dma_wait3A_96 = tpu.memref_slice %arg3[%run_scoped3A, %arg1, %dma_wait3A_94, %dma_wait3A_95] : memref<2x16x250x80xi32, #tpu.memory_space<hbm>> -> memref<1x1x250x80xi32, #tpu.memory_space<hbm>>
      %dma_wait3A_97 = tpu.memref_squeeze %dma_wait3A_96 : memref<1x1x250x80xi32, #tpu.memory_space<hbm>> -> memref<250x80xi32, #tpu.memory_space<hbm>>
      tpu.wait_dma2 semaphore(%run_scoped3A_81 : memref<!tpu.dma_semaphore, #tpu.memory_space<semaphore_mem>>) src(%dma_wait3A_97 : memref<250x80xi32, #tpu.memory_space<hbm>>) dst(%arg5 : memref<250x80xi32, #tpu.memory_space<vmem>>)
      tpu.yield
    }) : () -> ()
    %run_scoped3A_40 = arith.constant 1 : i32
    "tpu.region"() ({
      %run_scoped3A_81 = tpu.sem_alloc : memref<!tpu.dma_semaphore, #tpu.memory_space<semaphore_mem>>
      %dma_start3A_82 = arith.constant 0 : i32
      %dma_start3A_83 = arith.constant 0 : i32
      %dma_start3A_84 = tpu.memref_slice %arg3[%run_scoped3A_40, %arg1, %dma_start3A_82, %dma_start3A_83] : memref<2x16x250x80xi32, #tpu.memory_space<hbm>> -> memref<1x1x250x80xi32, #tpu.memory_space<hbm>>
      %dma_start3A_85 = tpu.memref_squeeze %dma_start3A_84 : memref<1x1x250x80xi32, #tpu.memory_space<hbm>> -> memref<250x80xi32, #tpu.memory_space<hbm>>
      %dma_start3A_86 = arith.constant 0 : i32
      %dma_start3A_87 = arith.constant 0 : i32
      %dma_start3A_88 = tpu.memref_slice %arg3[%run_scoped3A_40, %arg1, %dma_start3A_86, %dma_start3A_87] : memref<2x16x250x80xi32, #tpu.memory_space<hbm>> -> memref<1x1x250x80xi32, #tpu.memory_space<hbm>>
      %dma_start3A_89 = tpu.memref_squeeze %dma_start3A_88 : memref<1x1x250x80xi32, #tpu.memory_space<hbm>> -> memref<250x80xi32, #tpu.memory_space<hbm>>
      tpu.enqueue_dma source(%dma_start3A_89 : memref<250x80xi32, #tpu.memory_space<hbm>>) target(%arg6 : memref<250x80xi32, #tpu.memory_space<vmem>>) target_semaphore(%run_scoped3A_81 : memref<!tpu.dma_semaphore, #tpu.memory_space<semaphore_mem>>)
      %dma_wait3A_90 = arith.constant 0 : i32
      %dma_wait3A_91 = arith.constant 0 : i32
      %dma_wait3A_92 = tpu.memref_slice %arg3[%run_scoped3A_40, %arg1, %dma_wait3A_90, %dma_wait3A_91] : memref<2x16x250x80xi32, #tpu.memory_space<hbm>> -> memref<1x1x250x80xi32, #tpu.memory_space<hbm>>
      %dma_wait3A_93 = tpu.memref_squeeze %dma_wait3A_92 : memref<1x1x250x80xi32, #tpu.memory_space<hbm>> -> memref<250x80xi32, #tpu.memory_space<hbm>>
      %dma_wait3A_94 = arith.constant 0 : i32
      %dma_wait3A_95 = arith.constant 0 : i32
      %dma_wait3A_96 = tpu.memref_slice %arg3[%run_scoped3A_40, %arg1, %dma_wait3A_94, %dma_wait3A_95] : memref<2x16x250x80xi32, #tpu.memory_space<hbm>> -> memref<1x1x250x80xi32, #tpu.memory_space<hbm>>
      %dma_wait3A_97 = tpu.memref_squeeze %dma_wait3A_96 : memref<1x1x250x80xi32, #tpu.memory_space<hbm>> -> memref<250x80xi32, #tpu.memory_space<hbm>>
      tpu.wait_dma2 semaphore(%run_scoped3A_81 : memref<!tpu.dma_semaphore, #tpu.memory_space<semaphore_mem>>) src(%dma_wait3A_97 : memref<250x80xi32, #tpu.memory_space<hbm>>) dst(%arg6 : memref<250x80xi32, #tpu.memory_space<vmem>>)
      tpu.yield
    }) : () -> ()
    %barrier3A = arith.constant 0 : index
    tpu.barrier barrier_id(%barrier3A)
    %dma_start3A = arith.constant 0 : i32
    %dma_start3A_41 = arith.constant 0 : i32
    %dma_start3A_42 = tpu.memref_slice %arg5[%dma_start3A, %dma_start3A_41] : memref<250x80xi32, #tpu.memory_space<vmem>> -> memref<1x80xi32, #tpu.memory_space<vmem>>
    %dma_start3A_43 = tpu.memref_squeeze %dma_start3A_42 : memref<1x80xi32, #tpu.memory_space<vmem>> -> memref<80xi32, #tpu.memory_space<vmem>>
    %dma_start3A_44 = arith.constant 0 : i32
    %dma_start3A_45 = arith.constant 0 : i32
    %dma_start3A_46 = tpu.memref_slice %arg11[%dma_start3A_44, %dma_start3A_45] : memref<10000x64xf32, #tpu.memory_space<vmem_shared>> -> memref<10000x64xf32, #tpu.memory_space<vmem_shared>>
    tpu.enqueue_indirect_dma source(%dma_start3A_46 : memref<10000x64xf32, #tpu.memory_space<vmem_shared>>) target(%arg7 : memref<80x64xf32, #tpu.memory_space<vmem>>) offsets(%dma_start3A_43 : memref<80xi32, #tpu.memory_space<vmem>>) semaphore(%arg9 : memref<!tpu.dma_semaphore, #tpu.memory_space<semaphore_mem>>)
    %scan3A_47 = arith.constant 0 : i32
    %scan3A_48 = arith.constant 0 : i32
    %scan3A_49 = arith.constant 124 : i32
    %scan3A_50 = arith.addi %scan3A_48, %scan3A_49 : i32
    %scan3A_51 = arith.constant 1 : i32
    %scan3A_52 = scf.for %scan3A_81 = %scan3A_48 to %scan3A_50 step %scan3A_51 iter_args(%scan3A_82 = %scan3A_47) -> (i32)  : i32 {
      %mul3A_83 = arith.constant 2 : i32
      %mul3A_84 = arith.muli %mul3A_83, %scan3A_81 : i32
      %add3A_85 = arith.constant 1 : i32
      %add3A_86 = arith.addi %mul3A_84, %add3A_85 : i32
      %dma_start3A_87 = arith.constant 0 : i32
      %dma_start3A_88 = tpu.memref_slice %arg5[%add3A_86, %dma_start3A_87] : memref<250x80xi32, #tpu.memory_space<vmem>> -> memref<1x80xi32, #tpu.memory_space<vmem>>
      %dma_start3A_89 = tpu.memref_squeeze %dma_start3A_88 : memref<1x80xi32, #tpu.memory_space<vmem>> -> memref<80xi32, #tpu.memory_space<vmem>>
      %dma_start3A_90 = arith.constant 0 : i32
      %dma_start3A_91 = arith.constant 0 : i32
      %dma_start3A_92 = tpu.memref_slice %arg11[%dma_start3A_90, %dma_start3A_91] : memref<10000x64xf32, #tpu.memory_space<vmem_shared>> -> memref<10000x64xf32, #tpu.memory_space<vmem_shared>>
      tpu.enqueue_indirect_dma source(%dma_start3A_92 : memref<10000x64xf32, #tpu.memory_space<vmem_shared>>) target(%arg8 : memref<80x64xf32, #tpu.memory_space<vmem>>) offsets(%dma_start3A_89 : memref<80xi32, #tpu.memory_space<vmem>>) semaphore(%arg10 : memref<!tpu.dma_semaphore, #tpu.memory_space<semaphore_mem>>)
      %dma_wait3A_93 = arith.constant 0 : i32
      %dma_wait3A_94 = tpu.memref_slice %arg5[%mul3A_84, %dma_wait3A_93] : memref<250x80xi32, #tpu.memory_space<vmem>> -> memref<1x80xi32, #tpu.memory_space<vmem>>
      %dma_wait3A_95 = tpu.memref_squeeze %dma_wait3A_94 : memref<1x80xi32, #tpu.memory_space<vmem>> -> memref<80xi32, #tpu.memory_space<vmem>>
      %dma_wait3A_96 = arith.constant 0 : i32
      %dma_wait3A_97 = arith.constant 0 : i32
      %dma_wait3A_98 = tpu.memref_slice %arg11[%dma_wait3A_96, %dma_wait3A_97] : memref<10000x64xf32, #tpu.memory_space<vmem_shared>> -> memref<10000x64xf32, #tpu.memory_space<vmem_shared>>
      tpu.wait_indirect_dma semaphore(%arg9 : memref<!tpu.dma_semaphore, #tpu.memory_space<semaphore_mem>>) src(%dma_wait3A_98 : memref<10000x64xf32, #tpu.memory_space<vmem_shared>>) dst(%arg7 : memref<80x64xf32, #tpu.memory_space<vmem>>)
      "tpu.region"() ({
        %run_scoped3A_116 = tpu.sem_alloc : memref<!tpu.dma_semaphore, #tpu.memory_space<semaphore_mem>>
        %dma_start3A_117 = arith.constant 0 : i32
        %dma_start3A_118 = tpu.memref_slice %arg6[%mul3A_84, %dma_start3A_117] : memref<250x80xi32, #tpu.memory_space<vmem>> -> memref<1x80xi32, #tpu.memory_space<vmem>>
        %dma_start3A_119 = tpu.memref_squeeze %dma_start3A_118 : memref<1x80xi32, #tpu.memory_space<vmem>> -> memref<80xi32, #tpu.memory_space<vmem>>
        %dma_start3A_120 = arith.constant 0 : i32
        %dma_start3A_121 = arith.constant 0 : i32
        %dma_start3A_122 = tpu.memref_slice %arg12[%dma_start3A_120, %dma_start3A_121] : memref<10000x64xf32, #tpu.memory_space<vmem_shared>> -> memref<10000x64xf32, #tpu.memory_space<vmem_shared>>
        tpu.enqueue_indirect_dma source(%arg7 : memref<80x64xf32, #tpu.memory_space<vmem>>) target(%dma_start3A_122 : memref<10000x64xf32, #tpu.memory_space<vmem_shared>>) offsets(%dma_start3A_119 : memref<80xi32, #tpu.memory_space<vmem>>) semaphore(%run_scoped3A_116 : memref<!tpu.dma_semaphore, #tpu.memory_space<semaphore_mem>>) {add = true}
        %dma_wait3A_123 = arith.constant 0 : i32
        %dma_wait3A_124 = tpu.memref_slice %arg6[%mul3A_84, %dma_wait3A_123] : memref<250x80xi32, #tpu.memory_space<vmem>> -> memref<1x80xi32, #tpu.memory_space<vmem>>
        %dma_wait3A_125 = tpu.memref_squeeze %dma_wait3A_124 : memref<1x80xi32, #tpu.memory_space<vmem>> -> memref<80xi32, #tpu.memory_space<vmem>>
        %dma_wait3A_126 = arith.constant 0 : i32
        %dma_wait3A_127 = arith.constant 0 : i32
        %dma_wait3A_128 = tpu.memref_slice %arg12[%dma_wait3A_126, %dma_wait3A_127] : memref<10000x64xf32, #tpu.memory_space<vmem_shared>> -> memref<10000x64xf32, #tpu.memory_space<vmem_shared>>
        tpu.wait_indirect_dma semaphore(%run_scoped3A_116 : memref<!tpu.dma_semaphore, #tpu.memory_space<semaphore_mem>>) src(%arg7 : memref<80x64xf32, #tpu.memory_space<vmem>>) dst(%dma_wait3A_128 : memref<10000x64xf32, #tpu.memory_space<vmem_shared>>)
        tpu.yield
      }) : () -> ()
      %add3A_99 = arith.constant 2 : i32
      %add3A_100 = arith.addi %mul3A_84, %add3A_99 : i32
      %dma_start3A_101 = arith.constant 0 : i32
      %dma_start3A_102 = tpu.memref_slice %arg5[%add3A_100, %dma_start3A_101] : memref<250x80xi32, #tpu.memory_space<vmem>> -> memref<1x80xi32, #tpu.memory_space<vmem>>
      %dma_start3A_103 = tpu.memref_squeeze %dma_start3A_102 : memref<1x80xi32, #tpu.memory_space<vmem>> -> memref<80xi32, #tpu.memory_space<vmem>>
      %dma_start3A_104 = arith.constant 0 : i32
      %dma_start3A_105 = arith.constant 0 : i32
      %dma_start3A_106 = tpu.memref_slice %arg11[%dma_start3A_104, %dma_start3A_105] : memref<10000x64xf32, #tpu.memory_space<vmem_shared>> -> memref<10000x64xf32, #tpu.memory_space<vmem_shared>>
      tpu.enqueue_indirect_dma source(%dma_start3A_106 : memref<10000x64xf32, #tpu.memory_space<vmem_shared>>) target(%arg7 : memref<80x64xf32, #tpu.memory_space<vmem>>) offsets(%dma_start3A_103 : memref<80xi32, #tpu.memory_space<vmem>>) semaphore(%arg9 : memref<!tpu.dma_semaphore, #tpu.memory_space<semaphore_mem>>)
      %add3A_107 = arith.constant 1 : i32
      %add3A_108 = arith.addi %mul3A_84, %add3A_107 : i32
      %dma_wait3A_109 = arith.constant 0 : i32
      %dma_wait3A_110 = tpu.memref_slice %arg5[%add3A_108, %dma_wait3A_109] : memref<250x80xi32, #tpu.memory_space<vmem>> -> memref<1x80xi32, #tpu.memory_space<vmem>>
      %dma_wait3A_111 = tpu.memref_squeeze %dma_wait3A_110 : memref<1x80xi32, #tpu.memory_space<vmem>> -> memref<80xi32, #tpu.memory_space<vmem>>
      %dma_wait3A_112 = arith.constant 0 : i32
      %dma_wait3A_113 = arith.constant 0 : i32
      %dma_wait3A_114 = tpu.memref_slice %arg11[%dma_wait3A_112, %dma_wait3A_113] : memref<10000x64xf32, #tpu.memory_space<vmem_shared>> -> memref<10000x64xf32, #tpu.memory_space<vmem_shared>>
      tpu.wait_indirect_dma semaphore(%arg10 : memref<!tpu.dma_semaphore, #tpu.memory_space<semaphore_mem>>) src(%dma_wait3A_114 : memref<10000x64xf32, #tpu.memory_space<vmem_shared>>) dst(%arg8 : memref<80x64xf32, #tpu.memory_space<vmem>>)
      "tpu.region"() ({
        %run_scoped3A_116 = tpu.sem_alloc : memref<!tpu.dma_semaphore, #tpu.memory_space<semaphore_mem>>
        %dma_start3A_117 = arith.constant 0 : i32
        %dma_start3A_118 = tpu.memref_slice %arg6[%add3A_108, %dma_start3A_117] : memref<250x80xi32, #tpu.memory_space<vmem>> -> memref<1x80xi32, #tpu.memory_space<vmem>>
        %dma_start3A_119 = tpu.memref_squeeze %dma_start3A_118 : memref<1x80xi32, #tpu.memory_space<vmem>> -> memref<80xi32, #tpu.memory_space<vmem>>
        %dma_start3A_120 = arith.constant 0 : i32
        %dma_start3A_121 = arith.constant 0 : i32
        %dma_start3A_122 = tpu.memref_slice %arg12[%dma_start3A_120, %dma_start3A_121] : memref<10000x64xf32, #tpu.memory_space<vmem_shared>> -> memref<10000x64xf32, #tpu.memory_space<vmem_shared>>
        tpu.enqueue_indirect_dma source(%arg8 : memref<80x64xf32, #tpu.memory_space<vmem>>) target(%dma_start3A_122 : memref<10000x64xf32, #tpu.memory_space<vmem_shared>>) offsets(%dma_start3A_119 : memref<80xi32, #tpu.memory_space<vmem>>) semaphore(%run_scoped3A_116 : memref<!tpu.dma_semaphore, #tpu.memory_space<semaphore_mem>>) {add = true}
        %dma_wait3A_123 = arith.constant 0 : i32
        %dma_wait3A_124 = tpu.memref_slice %arg6[%add3A_108, %dma_wait3A_123] : memref<250x80xi32, #tpu.memory_space<vmem>> -> memref<1x80xi32, #tpu.memory_space<vmem>>
        %dma_wait3A_125 = tpu.memref_squeeze %dma_wait3A_124 : memref<1x80xi32, #tpu.memory_space<vmem>> -> memref<80xi32, #tpu.memory_space<vmem>>
        %dma_wait3A_126 = arith.constant 0 : i32
        %dma_wait3A_127 = arith.constant 0 : i32
        %dma_wait3A_128 = tpu.memref_slice %arg12[%dma_wait3A_126, %dma_wait3A_127] : memref<10000x64xf32, #tpu.memory_space<vmem_shared>> -> memref<10000x64xf32, #tpu.memory_space<vmem_shared>>
        tpu.wait_indirect_dma semaphore(%run_scoped3A_116 : memref<!tpu.dma_semaphore, #tpu.memory_space<semaphore_mem>>) src(%arg8 : memref<80x64xf32, #tpu.memory_space<vmem>>) dst(%dma_wait3A_128 : memref<10000x64xf32, #tpu.memory_space<vmem_shared>>)
        tpu.yield
      }) : () -> ()
      %scan3A_115 = arith.constant 0 : i32
      scf.yield %scan3A_115 : i32
    }
    %scan3A_53 = arith.constant 124 : i32
    %dma_start3A_54 = arith.constant 249 : i32
    %dma_start3A_55 = arith.constant 0 : i32
    %dma_start3A_56 = tpu.memref_slice %arg5[%dma_start3A_54, %dma_start3A_55] : memref<250x80xi32, #tpu.memory_space<vmem>> -> memref<1x80xi32, #tpu.memory_space<vmem>>
    %dma_start3A_57 = tpu.memref_squeeze %dma_start3A_56 : memref<1x80xi32, #tpu.memory_space<vmem>> -> memref<80xi32, #tpu.memory_space<vmem>>
    %dma_start3A_58 = arith.constant 0 : i32
    %dma_start3A_59 = arith.constant 0 : i32
    %dma_start3A_60 = tpu.memref_slice %arg11[%dma_start3A_58, %dma_start3A_59] : memref<10000x64xf32, #tpu.memory_space<vmem_shared>> -> memref<10000x64xf32, #tpu.memory_space<vmem_shared>>
    tpu.enqueue_indirect_dma source(%dma_start3A_60 : memref<10000x64xf32, #tpu.memory_space<vmem_shared>>) target(%arg8 : memref<80x64xf32, #tpu.memory_space<vmem>>) offsets(%dma_start3A_57 : memref<80xi32, #tpu.memory_space<vmem>>) semaphore(%arg10 : memref<!tpu.dma_semaphore, #tpu.memory_space<semaphore_mem>>)
    %dma_wait3A = arith.constant 248 : i32
    %dma_wait3A_61 = arith.constant 0 : i32
    %dma_wait3A_62 = tpu.memref_slice %arg5[%dma_wait3A, %dma_wait3A_61] : memref<250x80xi32, #tpu.memory_space<vmem>> -> memref<1x80xi32, #tpu.memory_space<vmem>>
    %dma_wait3A_63 = tpu.memref_squeeze %dma_wait3A_62 : memref<1x80xi32, #tpu.memory_space<vmem>> -> memref<80xi32, #tpu.memory_space<vmem>>
    %dma_wait3A_64 = arith.constant 0 : i32
    %dma_wait3A_65 = arith.constant 0 : i32
    %dma_wait3A_66 = tpu.memref_slice %arg11[%dma_wait3A_64, %dma_wait3A_65] : memref<10000x64xf32, #tpu.memory_space<vmem_shared>> -> memref<10000x64xf32, #tpu.memory_space<vmem_shared>>
    tpu.wait_indirect_dma semaphore(%arg9 : memref<!tpu.dma_semaphore, #tpu.memory_space<semaphore_mem>>) src(%dma_wait3A_66 : memref<10000x64xf32, #tpu.memory_space<vmem_shared>>) dst(%arg7 : memref<80x64xf32, #tpu.memory_space<vmem>>)
    %run_scoped3A_67 = arith.constant 248 : i32
    "tpu.region"() ({
      %run_scoped3A_81 = tpu.sem_alloc : memref<!tpu.dma_semaphore, #tpu.memory_space<semaphore_mem>>
      %dma_start3A_82 = arith.constant 0 : i32
      %dma_start3A_83 = tpu.memref_slice %arg6[%run_scoped3A_67, %dma_start3A_82] : memref<250x80xi32, #tpu.memory_space<vmem>> -> memref<1x80xi32, #tpu.memory_space<vmem>>
      %dma_start3A_84 = tpu.memref_squeeze %dma_start3A_83 : memref<1x80xi32, #tpu.memory_space<vmem>> -> memref<80xi32, #tpu.memory_space<vmem>>
      %dma_start3A_85 = arith.constant 0 : i32
      %dma_start3A_86 = arith.constant 0 : i32
      %dma_start3A_87 = tpu.memref_slice %arg12[%dma_start3A_85, %dma_start3A_86] : memref<10000x64xf32, #tpu.memory_space<vmem_shared>> -> memref<10000x64xf32, #tpu.memory_space<vmem_shared>>
      tpu.enqueue_indirect_dma source(%arg7 : memref<80x64xf32, #tpu.memory_space<vmem>>) target(%dma_start3A_87 : memref<10000x64xf32, #tpu.memory_space<vmem_shared>>) offsets(%dma_start3A_84 : memref<80xi32, #tpu.memory_space<vmem>>) semaphore(%run_scoped3A_81 : memref<!tpu.dma_semaphore, #tpu.memory_space<semaphore_mem>>) {add = true}
      %dma_wait3A_88 = arith.constant 0 : i32
      %dma_wait3A_89 = tpu.memref_slice %arg6[%run_scoped3A_67, %dma_wait3A_88] : memref<250x80xi32, #tpu.memory_space<vmem>> -> memref<1x80xi32, #tpu.memory_space<vmem>>
      %dma_wait3A_90 = tpu.memref_squeeze %dma_wait3A_89 : memref<1x80xi32, #tpu.memory_space<vmem>> -> memref<80xi32, #tpu.memory_space<vmem>>
      %dma_wait3A_91 = arith.constant 0 : i32
      %dma_wait3A_92 = arith.constant 0 : i32
      %dma_wait3A_93 = tpu.memref_slice %arg12[%dma_wait3A_91, %dma_wait3A_92] : memref<10000x64xf32, #tpu.memory_space<vmem_shared>> -> memref<10000x64xf32, #tpu.memory_space<vmem_shared>>
      tpu.wait_indirect_dma semaphore(%run_scoped3A_81 : memref<!tpu.dma_semaphore, #tpu.memory_space<semaphore_mem>>) src(%arg7 : memref<80x64xf32, #tpu.memory_space<vmem>>) dst(%dma_wait3A_93 : memref<10000x64xf32, #tpu.memory_space<vmem_shared>>)
      tpu.yield
    }) : () -> ()
    %dma_wait3A_68 = arith.constant 249 : i32
    %dma_wait3A_69 = arith.constant 0 : i32
    %dma_wait3A_70 = tpu.memref_slice %arg5[%dma_wait3A_68, %dma_wait3A_69] : memref<250x80xi32, #tpu.memory_space<vmem>> -> memref<1x80xi32, #tpu.memory_space<vmem>>
    %dma_wait3A_71 = tpu.memref_squeeze %dma_wait3A_70 : memref<1x80xi32, #tpu.memory_space<vmem>> -> memref<80xi32, #tpu.memory_space<vmem>>
    %dma_wait3A_72 = arith.constant 0 : i32
    %dma_wait3A_73 = arith.constant 0 : i32
    %dma_wait3A_74 = tpu.memref_slice %arg11[%dma_wait3A_72, %dma_wait3A_73] : memref<10000x64xf32, #tpu.memory_space<vmem_shared>> -> memref<10000x64xf32, #tpu.memory_space<vmem_shared>>
    tpu.wait_indirect_dma semaphore(%arg10 : memref<!tpu.dma_semaphore, #tpu.memory_space<semaphore_mem>>) src(%dma_wait3A_74 : memref<10000x64xf32, #tpu.memory_space<vmem_shared>>) dst(%arg8 : memref<80x64xf32, #tpu.memory_space<vmem>>)
    %run_scoped3A_75 = arith.constant 249 : i32
    "tpu.region"() ({
      %run_scoped3A_81 = tpu.sem_alloc : memref<!tpu.dma_semaphore, #tpu.memory_space<semaphore_mem>>
      %dma_start3A_82 = arith.constant 0 : i32
      %dma_start3A_83 = tpu.memref_slice %arg6[%run_scoped3A_75, %dma_start3A_82] : memref<250x80xi32, #tpu.memory_space<vmem>> -> memref<1x80xi32, #tpu.memory_space<vmem>>
      %dma_start3A_84 = tpu.memref_squeeze %dma_start3A_83 : memref<1x80xi32, #tpu.memory_space<vmem>> -> memref<80xi32, #tpu.memory_space<vmem>>
      %dma_start3A_85 = arith.constant 0 : i32
      %dma_start3A_86 = arith.constant 0 : i32
      %dma_start3A_87 = tpu.memref_slice %arg12[%dma_start3A_85, %dma_start3A_86] : memref<10000x64xf32, #tpu.memory_space<vmem_shared>> -> memref<10000x64xf32, #tpu.memory_space<vmem_shared>>
      tpu.enqueue_indirect_dma source(%arg8 : memref<80x64xf32, #tpu.memory_space<vmem>>) target(%dma_start3A_87 : memref<10000x64xf32, #tpu.memory_space<vmem_shared>>) offsets(%dma_start3A_84 : memref<80xi32, #tpu.memory_space<vmem>>) semaphore(%run_scoped3A_81 : memref<!tpu.dma_semaphore, #tpu.memory_space<semaphore_mem>>) {add = true}
      %dma_wait3A_88 = arith.constant 0 : i32
      %dma_wait3A_89 = tpu.memref_slice %arg6[%run_scoped3A_75, %dma_wait3A_88] : memref<250x80xi32, #tpu.memory_space<vmem>> -> memref<1x80xi32, #tpu.memory_space<vmem>>
      %dma_wait3A_90 = tpu.memref_squeeze %dma_wait3A_89 : memref<1x80xi32, #tpu.memory_space<vmem>> -> memref<80xi32, #tpu.memory_space<vmem>>
      %dma_wait3A_91 = arith.constant 0 : i32
      %dma_wait3A_92 = arith.constant 0 : i32
      %dma_wait3A_93 = tpu.memref_slice %arg12[%dma_wait3A_91, %dma_wait3A_92] : memref<10000x64xf32, #tpu.memory_space<vmem_shared>> -> memref<10000x64xf32, #tpu.memory_space<vmem_shared>>
      tpu.wait_indirect_dma semaphore(%run_scoped3A_81 : memref<!tpu.dma_semaphore, #tpu.memory_space<semaphore_mem>>) src(%arg8 : memref<80x64xf32, #tpu.memory_space<vmem>>) dst(%dma_wait3A_93 : memref<10000x64xf32, #tpu.memory_space<vmem_shared>>)
      tpu.yield
    }) : () -> ()
    %barrier3A_76 = arith.constant 0 : index
    tpu.barrier barrier_id(%barrier3A_76)
    %mul3A_77 = arith.constant 625 : i32
    %mul3A_78 = arith.muli %arg1, %mul3A_77 : i32
    %mul3A_79 = arith.constant 625 : i32
    %mul3A_80 = arith.muli %arg1, %mul3A_79 : i32
    "tpu.region"() ({
      %run_scoped3A_81 = tpu.sem_alloc : memref<!tpu.dma_semaphore, #tpu.memory_space<semaphore_mem>>
      %dma_start3A_82 = arith.constant 0 : i32
      %dma_start3A_83 = tpu.memref_slice %arg4[%arg0, %mul3A_80, %dma_start3A_82] : memref<2x10000x64xf32, #tpu.memory_space<hbm>> -> memref<1x625x64xf32, #tpu.memory_space<hbm>>
      %dma_start3A_84 = tpu.memref_squeeze %dma_start3A_83 : memref<1x625x64xf32, #tpu.memory_space<hbm>> -> memref<625x64xf32, #tpu.memory_space<hbm>>
      %dma_start3A_85 = arith.constant 0 : i32
      %dma_start3A_86 = tpu.memref_slice %arg12[%mul3A_78, %dma_start3A_85] : memref<10000x64xf32, #tpu.memory_space<vmem_shared>> -> memref<625x64xf32, #tpu.memory_space<vmem_shared>>
      tpu.enqueue_dma source(%dma_start3A_86 : memref<625x64xf32, #tpu.memory_space<vmem_shared>>) target(%dma_start3A_84 : memref<625x64xf32, #tpu.memory_space<hbm>>) target_semaphore(%run_scoped3A_81 : memref<!tpu.dma_semaphore, #tpu.memory_space<semaphore_mem>>)
      %dma_wait3A_87 = arith.constant 0 : i32
      %dma_wait3A_88 = tpu.memref_slice %arg4[%arg0, %mul3A_80, %dma_wait3A_87] : memref<2x10000x64xf32, #tpu.memory_space<hbm>> -> memref<1x625x64xf32, #tpu.memory_space<hbm>>
      %dma_wait3A_89 = tpu.memref_squeeze %dma_wait3A_88 : memref<1x625x64xf32, #tpu.memory_space<hbm>> -> memref<625x64xf32, #tpu.memory_space<hbm>>
      %dma_wait3A_90 = arith.constant 0 : i32
      %dma_wait3A_91 = tpu.memref_slice %arg12[%mul3A_78, %dma_wait3A_90] : memref<10000x64xf32, #tpu.memory_space<vmem_shared>> -> memref<625x64xf32, #tpu.memory_space<vmem_shared>>
      tpu.wait_dma2 semaphore(%run_scoped3A_81 : memref<!tpu.dma_semaphore, #tpu.memory_space<semaphore_mem>>) src(%dma_wait3A_91 : memref<625x64xf32, #tpu.memory_space<vmem_shared>>) dst(%dma_wait3A_89 : memref<625x64xf32, #tpu.memory_space<hbm>>)
      tpu.yield
    }) : () -> ()
    return
  }
}

module attributes {stable_mosaic.version = 14 : i64} {
  func.func @_prep_body(%arg0: i32, %arg1: memref<2000x128xf32, #tpu.memory_space<vmem>>, %arg2: memref<2000x1xf32, #tpu.memory_space<vmem>>, %arg3: memref<2000x1xf32, #tpu.memory_space<vmem>>, %arg4: memref<128xf32, #tpu.memory_space<vmem>>, %arg5: memref<128xf32, #tpu.memory_space<vmem>>, %arg6: memref<128xf32, #tpu.memory_space<vmem>>, %arg7: memref<128xf32, #tpu.memory_space<vmem>>, %arg8: memref<128x128xf32, #tpu.memory_space<vmem>>, %arg9: memref<2x2000x64xf32, #tpu.memory_space<vmem>>) attributes {dimension_semantics = [#tpu.dimension_semantics<arbitrary>], iteration_bounds = array<i64: 5>, scalar_prefetch = 0 : i64, scratch_operands = 0 : i64, tpu.core_type = #tpu.core_type<tc>, window_params = [{transform_indices = @transform_0, window_bounds = array<i64: 2000, 128>}, {transform_indices = @transform_1, window_bounds = array<i64: 2000, 1>}, {transform_indices = @transform_2, window_bounds = array<i64: 2000, 1>}, {pipeline_mode = #tpu.pipeline_mode<synchronous>, transform_indices = @transform_3, window_bounds = array<i64: 128>}, {pipeline_mode = #tpu.pipeline_mode<synchronous>, transform_indices = @transform_4, window_bounds = array<i64: 128>}, {pipeline_mode = #tpu.pipeline_mode<synchronous>, transform_indices = @transform_5, window_bounds = array<i64: 128>}, {pipeline_mode = #tpu.pipeline_mode<synchronous>, transform_indices = @transform_6, window_bounds = array<i64: 128>}, {pipeline_mode = #tpu.pipeline_mode<synchronous>, transform_indices = @transform_7, window_bounds = array<i64: 128, 128>}, {transform_indices = @transform_8, window_bounds = array<i64: 2, 2000, 64>}]} {
    %get3A = arith.constant 0 : index
    %get3A_0 = vector.load %arg4[%get3A] : memref<128xf32, #tpu.memory_space<vmem>>, vector<128xf32>
    %get3A_1 = arith.constant 0 : index
    %get3A_2 = vector.load %arg5[%get3A_1] : memref<128xf32, #tpu.memory_space<vmem>>, vector<128xf32>
    %get3A_3 = arith.constant 0 : index
    %get3A_4 = vector.load %arg6[%get3A_3] : memref<128xf32, #tpu.memory_space<vmem>>, vector<128xf32>
    %get3A_5 = arith.constant 0 : index
    %get3A_6 = vector.load %arg7[%get3A_5] : memref<128xf32, #tpu.memory_space<vmem>>, vector<128xf32>
    %add3A = arith.constant 9.99999974E-6 : f32
    %add3A_7 = vector.broadcast %add3A : f32 to vector<128xf32>
    %add3A_8 = arith.addf %get3A_6, %add3A_7 : vector<128xf32>
    %rsqrt3A = math.rsqrt %add3A_8 : vector<128xf32>
    %mul3A = arith.mulf %get3A_0, %rsqrt3A : vector<128xf32>
    %mul3A_9 = arith.mulf %get3A_4, %mul3A : vector<128xf32>
    %sub3A = arith.subf %get3A_2, %mul3A_9 : vector<128xf32>
    %get3A_10 = arith.constant 0 : index
    %get3A_11 = arith.constant 0 : index
    %get3A_12 = vector.load %arg1[%get3A_10, %get3A_11] : memref<2000x128xf32, #tpu.memory_space<vmem>>, vector<2000x128xf32>
    %broadcast_in_dim3A = vector.shape_cast %mul3A : vector<128xf32> to vector<1x128xf32>
    %mul3A_13 = vector.broadcast %broadcast_in_dim3A : vector<1x128xf32> to vector<2000x128xf32>
    %mul3A_14 = arith.mulf %get3A_12, %mul3A_13 : vector<2000x128xf32>
    %broadcast_in_dim3A_15 = vector.shape_cast %sub3A : vector<128xf32> to vector<1x128xf32>
    %add3A_16 = vector.broadcast %broadcast_in_dim3A_15 : vector<1x128xf32> to vector<2000x128xf32>
    %add3A_17 = arith.addf %mul3A_14, %add3A_16 : vector<2000x128xf32>
    %get3A_18 = arith.constant 0 : index
    %get3A_19 = arith.constant 0 : index
    %get3A_20 = vector.load %arg8[%get3A_18, %get3A_19] : memref<128x128xf32, #tpu.memory_space<vmem>>, vector<128x128xf32>
    %dot_general3A = arith.constant dense<0.000000e+00> : vector<2000x128xf32>
    %dot_general3A_21 = tpu.matmul %add3A_17, %get3A_20, %dot_general3A {dimension_numbers = #tpu.dot_dimension_numbers<[1], [0], [0], [1], [0, 0, 1, 1], [], []>, precision = #tpu.contract_precision<fp32>, transpose_lhs_hint = false} : vector<2000x128xf32>, vector<128x128xf32>, vector<2000x128xf32> -> vector<2000x128xf32>
    %get3A_22 = arith.constant 0 : index
    %get3A_23 = arith.constant 0 : index
    %get3A_24 = vector.load %arg2[%get3A_22, %get3A_23] : memref<2000x1xf32, #tpu.memory_space<vmem>>, vector<2000x1xf32>
    %get3A_25 = arith.constant 0 : index
    %get3A_26 = arith.constant 0 : index
    %get3A_27 = vector.load %arg3[%get3A_25, %get3A_26] : memref<2000x1xf32, #tpu.memory_space<vmem>>, vector<2000x1xf32>
    %add3A_28 = arith.addf %get3A_24, %get3A_27 : vector<2000x1xf32>
    %add3A_29 = arith.constant 1.000000e+00 : f32
    %add3A_30 = vector.broadcast %add3A_29 : f32 to vector<2000x1xf32>
    %add3A_31 = arith.addf %add3A_28, %add3A_30 : vector<2000x1xf32>
    %rsqrt3A_32 = math.rsqrt %add3A_31 : vector<2000x1xf32>
    %mul3A_33 = vector.broadcast %rsqrt3A_32 : vector<2000x1xf32> to vector<2000x128xf32>
    %mul3A_34 = arith.mulf %dot_general3A_21, %mul3A_33 : vector<2000x128xf32>
    %slice3A = vector.extract_strided_slice %mul3A_34 {offsets = [0, 0], sizes = [2000, 64], strides = [1, 1]} : vector<2000x128xf32> to vector<2000x64xf32>
    %swap3A = arith.constant 0 : index
    %swap3A_35 = arith.constant 0 : index
    %swap3A_36 = arith.constant 0 : index
    %swap3A_37 = vector.load %arg9[%swap3A, %swap3A_35, %swap3A_36] : memref<2x2000x64xf32, #tpu.memory_space<vmem>>, vector<1x2000x64xf32>
    %swap3A_38 = vector.shape_cast %swap3A_37 : vector<1x2000x64xf32> to vector<2000x64xf32>
    %swap3A_39 = vector.shape_cast %slice3A : vector<2000x64xf32> to vector<1x2000x64xf32>
    tpu.vector_store %arg9[%swap3A, %swap3A_35, %swap3A_36], %swap3A_39 {strides = array<i32>} : memref<2x2000x64xf32, #tpu.memory_space<vmem>>, vector<1x2000x64xf32>,
    %slice3A_40 = vector.extract_strided_slice %mul3A_34 {offsets = [0, 64], sizes = [2000, 64], strides = [1, 1]} : vector<2000x128xf32> to vector<2000x64xf32>
    %swap3A_41 = arith.constant 1 : index
    %swap3A_42 = arith.constant 0 : index
    %swap3A_43 = arith.constant 0 : index
    %swap3A_44 = vector.load %arg9[%swap3A_41, %swap3A_42, %swap3A_43] : memref<2x2000x64xf32, #tpu.memory_space<vmem>>, vector<1x2000x64xf32>
    %swap3A_45 = vector.shape_cast %swap3A_44 : vector<1x2000x64xf32> to vector<2000x64xf32>
    %swap3A_46 = vector.shape_cast %slice3A_40 : vector<2000x64xf32> to vector<1x2000x64xf32>
    tpu.vector_store %arg9[%swap3A_41, %swap3A_42, %swap3A_43], %swap3A_46 {strides = array<i32>} : memref<2x2000x64xf32, #tpu.memory_space<vmem>>, vector<1x2000x64xf32>,
    return
  }
  func.func @transform_0(%arg0: i32) -> (i32, i32) {
    %c0_i32 = arith.constant 0 : i32
    %c0_i32_0 = arith.constant 0 : i32
    return %arg0, %c0_i32 : i32, i32
  }
  func.func @transform_1(%arg0: i32) -> (i32, i32) {
    %c0_i32 = arith.constant 0 : i32
    %c0_i32_0 = arith.constant 0 : i32
    return %arg0, %c0_i32 : i32, i32
  }
  func.func @transform_2(%arg0: i32) -> (i32, i32) {
    %c0_i32 = arith.constant 0 : i32
    %c0_i32_0 = arith.constant 0 : i32
    return %arg0, %c0_i32 : i32, i32
  }
  func.func @transform_3(%arg0: i32) -> i32 {
    %c0_i32 = arith.constant 0 : i32
    %c0_i32_0 = arith.constant 0 : i32
    return %c0_i32 : i32
  }
  func.func @transform_4(%arg0: i32) -> i32 {
    %c0_i32 = arith.constant 0 : i32
    %c0_i32_0 = arith.constant 0 : i32
    return %c0_i32 : i32
  }
  func.func @transform_5(%arg0: i32) -> i32 {
    %c0_i32 = arith.constant 0 : i32
    %c0_i32_0 = arith.constant 0 : i32
    return %c0_i32 : i32
  }
  func.func @transform_6(%arg0: i32) -> i32 {
    %c0_i32 = arith.constant 0 : i32
    %c0_i32_0 = arith.constant 0 : i32
    return %c0_i32 : i32
  }
  func.func @transform_7(%arg0: i32) -> (i32, i32) {
    %c0_i32 = arith.constant 0 : i32
    %c0_i32_0 = arith.constant 0 : i32
    %c0_i32_1 = arith.constant 0 : i32
    return %c0_i32, %c0_i32_0 : i32, i32
  }
  func.func @transform_8(%arg0: i32) -> (i32, i32, i32) {
    %c0_i32 = arith.constant 0 : i32
    %c0_i32_0 = arith.constant 0 : i32
    %c0_i32_1 = arith.constant 0 : i32
    return %c0_i32, %arg0, %c0_i32_0 : i32, i32, i32
  }
}

module attributes {stable_mosaic.version = 14 : i64} {
  func.func @_combine_prep_body(%arg0: i32, %arg1: memref<2000x64xf32, #tpu.memory_space<vmem>>, %arg2: memref<2000x64xf32, #tpu.memory_space<vmem>>, %arg3: memref<2000x64xf32, #tpu.memory_space<vmem>>, %arg4: memref<2000x64xf32, #tpu.memory_space<vmem>>, %arg5: memref<2000x128xf32, #tpu.memory_space<vmem>>, %arg6: memref<2000x1xf32, #tpu.memory_space<vmem>>, %arg7: memref<2000x1xf32, #tpu.memory_space<vmem>>, %arg8: memref<128xf32, #tpu.memory_space<vmem>>, %arg9: memref<128xf32, #tpu.memory_space<vmem>>, %arg10: memref<128xf32, #tpu.memory_space<vmem>>, %arg11: memref<128xf32, #tpu.memory_space<vmem>>, %arg12: memref<128xf32, #tpu.memory_space<vmem>>, %arg13: memref<128x128xf32, #tpu.memory_space<vmem>>, %arg14: memref<2000x128xf32, #tpu.memory_space<vmem>>, %arg15: memref<2x2000x64xf32, #tpu.memory_space<vmem>>) attributes {dimension_semantics = [#tpu.dimension_semantics<arbitrary>], iteration_bounds = array<i64: 5>, scalar_prefetch = 0 : i64, scratch_operands = 0 : i64, tpu.core_type = #tpu.core_type<tc>, window_params = [{transform_indices = @transform_0, window_bounds = array<i64: 2000, 64>}, {transform_indices = @transform_1, window_bounds = array<i64: 2000, 64>}, {transform_indices = @transform_2, window_bounds = array<i64: 2000, 64>}, {transform_indices = @transform_3, window_bounds = array<i64: 2000, 64>}, {transform_indices = @transform_4, window_bounds = array<i64: 2000, 128>}, {transform_indices = @transform_5, window_bounds = array<i64: 2000, 1>}, {transform_indices = @transform_6, window_bounds = array<i64: 2000, 1>}, {pipeline_mode = #tpu.pipeline_mode<synchronous>, transform_indices = @transform_7, window_bounds = array<i64: 128>}, {pipeline_mode = #tpu.pipeline_mode<synchronous>, transform_indices = @transform_8, window_bounds = array<i64: 128>}, {pipeline_mode = #tpu.pipeline_mode<synchronous>, transform_indices = @transform_9, window_bounds = array<i64: 128>}, {pipeline_mode = #tpu.pipeline_mode<synchronous>, transform_indices = @transform_10, window_bounds = array<i64: 128>}, {pipeline_mode = #tpu.pipeline_mode<synchronous>, transform_indices = @transform_11, window_bounds = array<i64: 128>}, {pipeline_mode = #tpu.pipeline_mode<synchronous>, transform_indices = @transform_12, window_bounds = array<i64: 128, 128>}, {transform_indices = @transform_13, window_bounds = array<i64: 2000, 128>}, {transform_indices = @transform_14, window_bounds = array<i64: 2, 2000, 64>}]} {
    %get3A = arith.constant 0 : index
    %get3A_0 = arith.constant 0 : index
    %get3A_1 = vector.load %arg6[%get3A, %get3A_0] : memref<2000x1xf32, #tpu.memory_space<vmem>>, vector<2000x1xf32>
    %get3A_2 = arith.constant 0 : index
    %get3A_3 = arith.constant 0 : index
    %get3A_4 = vector.load %arg7[%get3A_2, %get3A_3] : memref<2000x1xf32, #tpu.memory_space<vmem>>, vector<2000x1xf32>
    %add3A = arith.addf %get3A_1, %get3A_4 : vector<2000x1xf32>
    %add3A_5 = arith.constant 1.000000e+00 : f32
    %add3A_6 = vector.broadcast %add3A_5 : f32 to vector<2000x1xf32>
    %add3A_7 = arith.addf %add3A, %add3A_6 : vector<2000x1xf32>
    %rsqrt3A = math.rsqrt %add3A_7 : vector<2000x1xf32>
    %get3A_8 = arith.constant 0 : index
    %get3A_9 = arith.constant 0 : index
    %get3A_10 = vector.load %arg1[%get3A_8, %get3A_9] : memref<2000x64xf32, #tpu.memory_space<vmem>>, vector<2000x64xf32>
    %get3A_11 = arith.constant 0 : index
    %get3A_12 = arith.constant 0 : index
    %get3A_13 = vector.load %arg2[%get3A_11, %get3A_12] : memref<2000x64xf32, #tpu.memory_space<vmem>>, vector<2000x64xf32>
    %concatenate3A = tpu.concatenate %get3A_10, %get3A_13 in 1 : vector<2000x64xf32>, vector<2000x64xf32> -> vector<2000x128xf32>
    %get3A_14 = arith.constant 0 : index
    %get3A_15 = arith.constant 0 : index
    %get3A_16 = vector.load %arg3[%get3A_14, %get3A_15] : memref<2000x64xf32, #tpu.memory_space<vmem>>, vector<2000x64xf32>
    %get3A_17 = arith.constant 0 : index
    %get3A_18 = arith.constant 0 : index
    %get3A_19 = vector.load %arg4[%get3A_17, %get3A_18] : memref<2000x64xf32, #tpu.memory_space<vmem>>, vector<2000x64xf32>
    %concatenate3A_20 = tpu.concatenate %get3A_16, %get3A_19 in 1 : vector<2000x64xf32>, vector<2000x64xf32> -> vector<2000x128xf32>
    %add3A_21 = arith.addf %concatenate3A, %concatenate3A_20 : vector<2000x128xf32>
    %mul3A = vector.broadcast %rsqrt3A : vector<2000x1xf32> to vector<2000x128xf32>
    %mul3A_22 = arith.mulf %add3A_21, %mul3A : vector<2000x128xf32>
    %get3A_23 = arith.constant 0 : index
    %get3A_24 = vector.load %arg8[%get3A_23] : memref<128xf32, #tpu.memory_space<vmem>>, vector<128xf32>
    %broadcast_in_dim3A = vector.shape_cast %get3A_24 : vector<128xf32> to vector<1x128xf32>
    %add3A_25 = vector.broadcast %broadcast_in_dim3A : vector<1x128xf32> to vector<2000x128xf32>
    %add3A_26 = arith.addf %mul3A_22, %add3A_25 : vector<2000x128xf32>
    %max3A = arith.constant 0.000000e+00 : f32
    %max3A_27 = vector.broadcast %max3A : f32 to vector<2000x128xf32>
    %max3A_28 = arith.maximumf %add3A_26, %max3A_27 : vector<2000x128xf32>
    %swap3A = arith.constant 0 : index
    %swap3A_29 = arith.constant 0 : index
    %swap3A_30 = vector.load %arg14[%swap3A, %swap3A_29] : memref<2000x128xf32, #tpu.memory_space<vmem>>, vector<2000x128xf32>
    tpu.vector_store %arg14[%swap3A, %swap3A_29], %max3A_28 {strides = array<i32>} : memref<2000x128xf32, #tpu.memory_space<vmem>>, vector<2000x128xf32>,
    %get3A_31 = arith.constant 0 : index
    %get3A_32 = vector.load %arg9[%get3A_31] : memref<128xf32, #tpu.memory_space<vmem>>, vector<128xf32>
    %get3A_33 = arith.constant 0 : index
    %get3A_34 = vector.load %arg10[%get3A_33] : memref<128xf32, #tpu.memory_space<vmem>>, vector<128xf32>
    %get3A_35 = arith.constant 0 : index
    %get3A_36 = vector.load %arg11[%get3A_35] : memref<128xf32, #tpu.memory_space<vmem>>, vector<128xf32>
    %get3A_37 = arith.constant 0 : index
    %get3A_38 = vector.load %arg12[%get3A_37] : memref<128xf32, #tpu.memory_space<vmem>>, vector<128xf32>
    %add3A_39 = arith.constant 9.99999974E-6 : f32
    %add3A_40 = vector.broadcast %add3A_39 : f32 to vector<128xf32>
    %add3A_41 = arith.addf %get3A_38, %add3A_40 : vector<128xf32>
    %rsqrt3A_42 = math.rsqrt %add3A_41 : vector<128xf32>
    %mul3A_43 = arith.mulf %get3A_32, %rsqrt3A_42 : vector<128xf32>
    %mul3A_44 = arith.mulf %get3A_36, %mul3A_43 : vector<128xf32>
    %sub3A = arith.subf %get3A_34, %mul3A_44 : vector<128xf32>
    %broadcast_in_dim3A_45 = vector.shape_cast %mul3A_43 : vector<128xf32> to vector<1x128xf32>
    %mul3A_46 = vector.broadcast %broadcast_in_dim3A_45 : vector<1x128xf32> to vector<2000x128xf32>
    %mul3A_47 = arith.mulf %max3A_28, %mul3A_46 : vector<2000x128xf32>
    %broadcast_in_dim3A_48 = vector.shape_cast %sub3A : vector<128xf32> to vector<1x128xf32>
    %add3A_49 = vector.broadcast %broadcast_in_dim3A_48 : vector<1x128xf32> to vector<2000x128xf32>
    %add3A_50 = arith.addf %mul3A_47, %add3A_49 : vector<2000x128xf32>
    %get3A_51 = arith.constant 0 : index
    %get3A_52 = arith.constant 0 : index
    %get3A_53 = vector.load %arg13[%get3A_51, %get3A_52] : memref<128x128xf32, #tpu.memory_space<vmem>>, vector<128x128xf32>
    %dot_general3A = arith.constant dense<0.000000e+00> : vector<2000x128xf32>
    %dot_general3A_54 = tpu.matmul %add3A_50, %get3A_53, %dot_general3A {dimension_numbers = #tpu.dot_dimension_numbers<[1], [0], [0], [1], [0, 0, 1, 1], [], []>, precision = #tpu.contract_precision<fp32>, transpose_lhs_hint = false} : vector<2000x128xf32>, vector<128x128xf32>, vector<2000x128xf32> -> vector<2000x128xf32>
    %mul3A_55 = vector.broadcast %rsqrt3A : vector<2000x1xf32> to vector<2000x128xf32>
    %mul3A_56 = arith.mulf %dot_general3A_54, %mul3A_55 : vector<2000x128xf32>
    %slice3A = vector.extract_strided_slice %mul3A_56 {offsets = [0, 0], sizes = [2000, 64], strides = [1, 1]} : vector<2000x128xf32> to vector<2000x64xf32>
    %swap3A_57 = arith.constant 0 : index
    %swap3A_58 = arith.constant 0 : index
    %swap3A_59 = arith.constant 0 : index
    %swap3A_60 = vector.load %arg15[%swap3A_57, %swap3A_58, %swap3A_59] : memref<2x2000x64xf32, #tpu.memory_space<vmem>>, vector<1x2000x64xf32>
    %swap3A_61 = vector.shape_cast %swap3A_60 : vector<1x2000x64xf32> to vector<2000x64xf32>
    %swap3A_62 = vector.shape_cast %slice3A : vector<2000x64xf32> to vector<1x2000x64xf32>
    tpu.vector_store %arg15[%swap3A_57, %swap3A_58, %swap3A_59], %swap3A_62 {strides = array<i32>} : memref<2x2000x64xf32, #tpu.memory_space<vmem>>, vector<1x2000x64xf32>,
    %slice3A_63 = vector.extract_strided_slice %mul3A_56 {offsets = [0, 64], sizes = [2000, 64], strides = [1, 1]} : vector<2000x128xf32> to vector<2000x64xf32>
    %swap3A_64 = arith.constant 1 : index
    %swap3A_65 = arith.constant 0 : index
    %swap3A_66 = arith.constant 0 : index
    %swap3A_67 = vector.load %arg15[%swap3A_64, %swap3A_65, %swap3A_66] : memref<2x2000x64xf32, #tpu.memory_space<vmem>>, vector<1x2000x64xf32>
    %swap3A_68 = vector.shape_cast %swap3A_67 : vector<1x2000x64xf32> to vector<2000x64xf32>
    %swap3A_69 = vector.shape_cast %slice3A_63 : vector<2000x64xf32> to vector<1x2000x64xf32>
    tpu.vector_store %arg15[%swap3A_64, %swap3A_65, %swap3A_66], %swap3A_69 {strides = array<i32>} : memref<2x2000x64xf32, #tpu.memory_space<vmem>>, vector<1x2000x64xf32>,
    return
  }
  func.func @transform_0(%arg0: i32) -> (i32, i32) {
    %c0_i32 = arith.constant 0 : i32
    %c0_i32_0 = arith.constant 0 : i32
    return %arg0, %c0_i32 : i32, i32
  }
  func.func @transform_1(%arg0: i32) -> (i32, i32) {
    %c0_i32 = arith.constant 0 : i32
    %c0_i32_0 = arith.constant 0 : i32
    return %arg0, %c0_i32 : i32, i32
  }
  func.func @transform_2(%arg0: i32) -> (i32, i32) {
    %c0_i32 = arith.constant 0 : i32
    %c0_i32_0 = arith.constant 0 : i32
    return %arg0, %c0_i32 : i32, i32
  }
  func.func @transform_3(%arg0: i32) -> (i32, i32) {
    %c0_i32 = arith.constant 0 : i32
    %c0_i32_0 = arith.constant 0 : i32
    return %arg0, %c0_i32 : i32, i32
  }
  func.func @transform_4(%arg0: i32) -> (i32, i32) {
    %c0_i32 = arith.constant 0 : i32
    %c0_i32_0 = arith.constant 0 : i32
    return %arg0, %c0_i32 : i32, i32
  }
  func.func @transform_5(%arg0: i32) -> (i32, i32) {
    %c0_i32 = arith.constant 0 : i32
    %c0_i32_0 = arith.constant 0 : i32
    return %arg0, %c0_i32 : i32, i32
  }
  func.func @transform_6(%arg0: i32) -> (i32, i32) {
    %c0_i32 = arith.constant 0 : i32
    %c0_i32_0 = arith.constant 0 : i32
    return %arg0, %c0_i32 : i32, i32
  }
  func.func @transform_7(%arg0: i32) -> i32 {
    %c0_i32 = arith.constant 0 : i32
    %c0_i32_0 = arith.constant 0 : i32
    return %c0_i32 : i32
  }
  func.func @transform_8(%arg0: i32) -> i32 {
    %c0_i32 = arith.constant 0 : i32
    %c0_i32_0 = arith.constant 0 : i32
    return %c0_i32 : i32
  }
  func.func @transform_9(%arg0: i32) -> i32 {
    %c0_i32 = arith.constant 0 : i32
    %c0_i32_0 = arith.constant 0 : i32
    return %c0_i32 : i32
  }
  func.func @transform_10(%arg0: i32) -> i32 {
    %c0_i32 = arith.constant 0 : i32
    %c0_i32_0 = arith.constant 0 : i32
    return %c0_i32 : i32
  }
  func.func @transform_11(%arg0: i32) -> i32 {
    %c0_i32 = arith.constant 0 : i32
    %c0_i32_0 = arith.constant 0 : i32
    return %c0_i32 : i32
  }
  func.func @transform_12(%arg0: i32) -> (i32, i32) {
    %c0_i32 = arith.constant 0 : i32
    %c0_i32_0 = arith.constant 0 : i32
    %c0_i32_1 = arith.constant 0 : i32
    return %c0_i32, %c0_i32_0 : i32, i32
  }
  func.func @transform_13(%arg0: i32) -> (i32, i32) {
    %c0_i32 = arith.constant 0 : i32
    %c0_i32_0 = arith.constant 0 : i32
    return %arg0, %c0_i32 : i32, i32
  }
  func.func @transform_14(%arg0: i32) -> (i32, i32, i32) {
    %c0_i32 = arith.constant 0 : i32
    %c0_i32_0 = arith.constant 0 : i32
    %c0_i32_1 = arith.constant 0 : i32
    return %c0_i32, %arg0, %c0_i32_0 : i32, i32, i32
  }
}

module attributes {stable_mosaic.version = 14 : i64} {
  func.func @_combine_prep_body(%arg0: i32, %arg1: memref<2000x64xf32, #tpu.memory_space<vmem>>, %arg2: memref<2000x64xf32, #tpu.memory_space<vmem>>, %arg3: memref<2000x64xf32, #tpu.memory_space<vmem>>, %arg4: memref<2000x64xf32, #tpu.memory_space<vmem>>, %arg5: memref<2000x128xf32, #tpu.memory_space<vmem>>, %arg6: memref<2000x1xf32, #tpu.memory_space<vmem>>, %arg7: memref<2000x1xf32, #tpu.memory_space<vmem>>, %arg8: memref<128xf32, #tpu.memory_space<vmem>>, %arg9: memref<128xf32, #tpu.memory_space<vmem>>, %arg10: memref<128xf32, #tpu.memory_space<vmem>>, %arg11: memref<128xf32, #tpu.memory_space<vmem>>, %arg12: memref<128xf32, #tpu.memory_space<vmem>>, %arg13: memref<128x128xf32, #tpu.memory_space<vmem>>, %arg14: memref<2000x128xf32, #tpu.memory_space<vmem>>, %arg15: memref<2x2000x64xf32, #tpu.memory_space<vmem>>) attributes {dimension_semantics = [#tpu.dimension_semantics<arbitrary>], iteration_bounds = array<i64: 5>, scalar_prefetch = 0 : i64, scratch_operands = 0 : i64, tpu.core_type = #tpu.core_type<tc>, window_params = [{transform_indices = @transform_0, window_bounds = array<i64: 2000, 64>}, {transform_indices = @transform_1, window_bounds = array<i64: 2000, 64>}, {transform_indices = @transform_2, window_bounds = array<i64: 2000, 64>}, {transform_indices = @transform_3, window_bounds = array<i64: 2000, 64>}, {transform_indices = @transform_4, window_bounds = array<i64: 2000, 128>}, {transform_indices = @transform_5, window_bounds = array<i64: 2000, 1>}, {transform_indices = @transform_6, window_bounds = array<i64: 2000, 1>}, {pipeline_mode = #tpu.pipeline_mode<synchronous>, transform_indices = @transform_7, window_bounds = array<i64: 128>}, {pipeline_mode = #tpu.pipeline_mode<synchronous>, transform_indices = @transform_8, window_bounds = array<i64: 128>}, {pipeline_mode = #tpu.pipeline_mode<synchronous>, transform_indices = @transform_9, window_bounds = array<i64: 128>}, {pipeline_mode = #tpu.pipeline_mode<synchronous>, transform_indices = @transform_10, window_bounds = array<i64: 128>}, {pipeline_mode = #tpu.pipeline_mode<synchronous>, transform_indices = @transform_11, window_bounds = array<i64: 128>}, {pipeline_mode = #tpu.pipeline_mode<synchronous>, transform_indices = @transform_12, window_bounds = array<i64: 128, 128>}, {transform_indices = @transform_13, window_bounds = array<i64: 2000, 128>}, {transform_indices = @transform_14, window_bounds = array<i64: 2, 2000, 64>}]} {
    %get3A = arith.constant 0 : index
    %get3A_0 = arith.constant 0 : index
    %get3A_1 = vector.load %arg6[%get3A, %get3A_0] : memref<2000x1xf32, #tpu.memory_space<vmem>>, vector<2000x1xf32>
    %get3A_2 = arith.constant 0 : index
    %get3A_3 = arith.constant 0 : index
    %get3A_4 = vector.load %arg7[%get3A_2, %get3A_3] : memref<2000x1xf32, #tpu.memory_space<vmem>>, vector<2000x1xf32>
    %add3A = arith.addf %get3A_1, %get3A_4 : vector<2000x1xf32>
    %add3A_5 = arith.constant 1.000000e+00 : f32
    %add3A_6 = vector.broadcast %add3A_5 : f32 to vector<2000x1xf32>
    %add3A_7 = arith.addf %add3A, %add3A_6 : vector<2000x1xf32>
    %rsqrt3A = math.rsqrt %add3A_7 : vector<2000x1xf32>
    %get3A_8 = arith.constant 0 : index
    %get3A_9 = arith.constant 0 : index
    %get3A_10 = vector.load %arg1[%get3A_8, %get3A_9] : memref<2000x64xf32, #tpu.memory_space<vmem>>, vector<2000x64xf32>
    %get3A_11 = arith.constant 0 : index
    %get3A_12 = arith.constant 0 : index
    %get3A_13 = vector.load %arg2[%get3A_11, %get3A_12] : memref<2000x64xf32, #tpu.memory_space<vmem>>, vector<2000x64xf32>
    %concatenate3A = tpu.concatenate %get3A_10, %get3A_13 in 1 : vector<2000x64xf32>, vector<2000x64xf32> -> vector<2000x128xf32>
    %get3A_14 = arith.constant 0 : index
    %get3A_15 = arith.constant 0 : index
    %get3A_16 = vector.load %arg3[%get3A_14, %get3A_15] : memref<2000x64xf32, #tpu.memory_space<vmem>>, vector<2000x64xf32>
    %get3A_17 = arith.constant 0 : index
    %get3A_18 = arith.constant 0 : index
    %get3A_19 = vector.load %arg4[%get3A_17, %get3A_18] : memref<2000x64xf32, #tpu.memory_space<vmem>>, vector<2000x64xf32>
    %concatenate3A_20 = tpu.concatenate %get3A_16, %get3A_19 in 1 : vector<2000x64xf32>, vector<2000x64xf32> -> vector<2000x128xf32>
    %add3A_21 = arith.addf %concatenate3A, %concatenate3A_20 : vector<2000x128xf32>
    %mul3A = vector.broadcast %rsqrt3A : vector<2000x1xf32> to vector<2000x128xf32>
    %mul3A_22 = arith.mulf %add3A_21, %mul3A : vector<2000x128xf32>
    %get3A_23 = arith.constant 0 : index
    %get3A_24 = vector.load %arg8[%get3A_23] : memref<128xf32, #tpu.memory_space<vmem>>, vector<128xf32>
    %broadcast_in_dim3A = vector.shape_cast %get3A_24 : vector<128xf32> to vector<1x128xf32>
    %add3A_25 = vector.broadcast %broadcast_in_dim3A : vector<1x128xf32> to vector<2000x128xf32>
    %add3A_26 = arith.addf %mul3A_22, %add3A_25 : vector<2000x128xf32>
    %max3A = arith.constant 0.000000e+00 : f32
    %max3A_27 = vector.broadcast %max3A : f32 to vector<2000x128xf32>
    %max3A_28 = arith.maximumf %add3A_26, %max3A_27 : vector<2000x128xf32>
    %get3A_29 = arith.constant 0 : index
    %get3A_30 = arith.constant 0 : index
    %get3A_31 = vector.load %arg5[%get3A_29, %get3A_30] : memref<2000x128xf32, #tpu.memory_space<vmem>>, vector<2000x128xf32>
    %add3A_32 = arith.addf %max3A_28, %get3A_31 : vector<2000x128xf32>
    %swap3A = arith.constant 0 : index
    %swap3A_33 = arith.constant 0 : index
    %swap3A_34 = vector.load %arg14[%swap3A, %swap3A_33] : memref<2000x128xf32, #tpu.memory_space<vmem>>, vector<2000x128xf32>
    tpu.vector_store %arg14[%swap3A, %swap3A_33], %add3A_32 {strides = array<i32>} : memref<2000x128xf32, #tpu.memory_space<vmem>>, vector<2000x128xf32>,
    %get3A_35 = arith.constant 0 : index
    %get3A_36 = vector.load %arg9[%get3A_35] : memref<128xf32, #tpu.memory_space<vmem>>, vector<128xf32>
    %get3A_37 = arith.constant 0 : index
    %get3A_38 = vector.load %arg10[%get3A_37] : memref<128xf32, #tpu.memory_space<vmem>>, vector<128xf32>
    %get3A_39 = arith.constant 0 : index
    %get3A_40 = vector.load %arg11[%get3A_39] : memref<128xf32, #tpu.memory_space<vmem>>, vector<128xf32>
    %get3A_41 = arith.constant 0 : index
    %get3A_42 = vector.load %arg12[%get3A_41] : memref<128xf32, #tpu.memory_space<vmem>>, vector<128xf32>
    %add3A_43 = arith.constant 9.99999974E-6 : f32
    %add3A_44 = vector.broadcast %add3A_43 : f32 to vector<128xf32>
    %add3A_45 = arith.addf %get3A_42, %add3A_44 : vector<128xf32>
    %rsqrt3A_46 = math.rsqrt %add3A_45 : vector<128xf32>
    %mul3A_47 = arith.mulf %get3A_36, %rsqrt3A_46 : vector<128xf32>
    %mul3A_48 = arith.mulf %get3A_40, %mul3A_47 : vector<128xf32>
    %sub3A = arith.subf %get3A_38, %mul3A_48 : vector<128xf32>
    %broadcast_in_dim3A_49 = vector.shape_cast %mul3A_47 : vector<128xf32> to vector<1x128xf32>
    %mul3A_50 = vector.broadcast %broadcast_in_dim3A_49 : vector<1x128xf32> to vector<2000x128xf32>
    %mul3A_51 = arith.mulf %add3A_32, %mul3A_50 : vector<2000x128xf32>
    %broadcast_in_dim3A_52 = vector.shape_cast %sub3A : vector<128xf32> to vector<1x128xf32>
    %add3A_53 = vector.broadcast %broadcast_in_dim3A_52 : vector<1x128xf32> to vector<2000x128xf32>
    %add3A_54 = arith.addf %mul3A_51, %add3A_53 : vector<2000x128xf32>
    %get3A_55 = arith.constant 0 : index
    %get3A_56 = arith.constant 0 : index
    %get3A_57 = vector.load %arg13[%get3A_55, %get3A_56] : memref<128x128xf32, #tpu.memory_space<vmem>>, vector<128x128xf32>
    %dot_general3A = arith.constant dense<0.000000e+00> : vector<2000x128xf32>
    %dot_general3A_58 = tpu.matmul %add3A_54, %get3A_57, %dot_general3A {dimension_numbers = #tpu.dot_dimension_numbers<[1], [0], [0], [1], [0, 0, 1, 1], [], []>, precision = #tpu.contract_precision<fp32>, transpose_lhs_hint = false} : vector<2000x128xf32>, vector<128x128xf32>, vector<2000x128xf32> -> vector<2000x128xf32>
    %mul3A_59 = vector.broadcast %rsqrt3A : vector<2000x1xf32> to vector<2000x128xf32>
    %mul3A_60 = arith.mulf %dot_general3A_58, %mul3A_59 : vector<2000x128xf32>
    %slice3A = vector.extract_strided_slice %mul3A_60 {offsets = [0, 0], sizes = [2000, 64], strides = [1, 1]} : vector<2000x128xf32> to vector<2000x64xf32>
    %swap3A_61 = arith.constant 0 : index
    %swap3A_62 = arith.constant 0 : index
    %swap3A_63 = arith.constant 0 : index
    %swap3A_64 = vector.load %arg15[%swap3A_61, %swap3A_62, %swap3A_63] : memref<2x2000x64xf32, #tpu.memory_space<vmem>>, vector<1x2000x64xf32>
    %swap3A_65 = vector.shape_cast %swap3A_64 : vector<1x2000x64xf32> to vector<2000x64xf32>
    %swap3A_66 = vector.shape_cast %slice3A : vector<2000x64xf32> to vector<1x2000x64xf32>
    tpu.vector_store %arg15[%swap3A_61, %swap3A_62, %swap3A_63], %swap3A_66 {strides = array<i32>} : memref<2x2000x64xf32, #tpu.memory_space<vmem>>, vector<1x2000x64xf32>,
    %slice3A_67 = vector.extract_strided_slice %mul3A_60 {offsets = [0, 64], sizes = [2000, 64], strides = [1, 1]} : vector<2000x128xf32> to vector<2000x64xf32>
    %swap3A_68 = arith.constant 1 : index
    %swap3A_69 = arith.constant 0 : index
    %swap3A_70 = arith.constant 0 : index
    %swap3A_71 = vector.load %arg15[%swap3A_68, %swap3A_69, %swap3A_70] : memref<2x2000x64xf32, #tpu.memory_space<vmem>>, vector<1x2000x64xf32>
    %swap3A_72 = vector.shape_cast %swap3A_71 : vector<1x2000x64xf32> to vector<2000x64xf32>
    %swap3A_73 = vector.shape_cast %slice3A_67 : vector<2000x64xf32> to vector<1x2000x64xf32>
    tpu.vector_store %arg15[%swap3A_68, %swap3A_69, %swap3A_70], %swap3A_73 {strides = array<i32>} : memref<2x2000x64xf32, #tpu.memory_space<vmem>>, vector<1x2000x64xf32>,
    return
  }
  func.func @transform_0(%arg0: i32) -> (i32, i32) {
    %c0_i32 = arith.constant 0 : i32
    %c0_i32_0 = arith.constant 0 : i32
    return %arg0, %c0_i32 : i32, i32
  }
  func.func @transform_1(%arg0: i32) -> (i32, i32) {
    %c0_i32 = arith.constant 0 : i32
    %c0_i32_0 = arith.constant 0 : i32
    return %arg0, %c0_i32 : i32, i32
  }
  func.func @transform_2(%arg0: i32) -> (i32, i32) {
    %c0_i32 = arith.constant 0 : i32
    %c0_i32_0 = arith.constant 0 : i32
    return %arg0, %c0_i32 : i32, i32
  }
  func.func @transform_3(%arg0: i32) -> (i32, i32) {
    %c0_i32 = arith.constant 0 : i32
    %c0_i32_0 = arith.constant 0 : i32
    return %arg0, %c0_i32 : i32, i32
  }
  func.func @transform_4(%arg0: i32) -> (i32, i32) {
    %c0_i32 = arith.constant 0 : i32
    %c0_i32_0 = arith.constant 0 : i32
    return %arg0, %c0_i32 : i32, i32
  }
  func.func @transform_5(%arg0: i32) -> (i32, i32) {
    %c0_i32 = arith.constant 0 : i32
    %c0_i32_0 = arith.constant 0 : i32
    return %arg0, %c0_i32 : i32, i32
  }
  func.func @transform_6(%arg0: i32) -> (i32, i32) {
    %c0_i32 = arith.constant 0 : i32
    %c0_i32_0 = arith.constant 0 : i32
    return %arg0, %c0_i32 : i32, i32
  }
  func.func @transform_7(%arg0: i32) -> i32 {
    %c0_i32 = arith.constant 0 : i32
    %c0_i32_0 = arith.constant 0 : i32
    return %c0_i32 : i32
  }
  func.func @transform_8(%arg0: i32) -> i32 {
    %c0_i32 = arith.constant 0 : i32
    %c0_i32_0 = arith.constant 0 : i32
    return %c0_i32 : i32
  }
  func.func @transform_9(%arg0: i32) -> i32 {
    %c0_i32 = arith.constant 0 : i32
    %c0_i32_0 = arith.constant 0 : i32
    return %c0_i32 : i32
  }
  func.func @transform_10(%arg0: i32) -> i32 {
    %c0_i32 = arith.constant 0 : i32
    %c0_i32_0 = arith.constant 0 : i32
    return %c0_i32 : i32
  }
  func.func @transform_11(%arg0: i32) -> i32 {
    %c0_i32 = arith.constant 0 : i32
    %c0_i32_0 = arith.constant 0 : i32
    return %c0_i32 : i32
  }
  func.func @transform_12(%arg0: i32) -> (i32, i32) {
    %c0_i32 = arith.constant 0 : i32
    %c0_i32_0 = arith.constant 0 : i32
    %c0_i32_1 = arith.constant 0 : i32
    return %c0_i32, %c0_i32_0 : i32, i32
  }
  func.func @transform_13(%arg0: i32) -> (i32, i32) {
    %c0_i32 = arith.constant 0 : i32
    %c0_i32_0 = arith.constant 0 : i32
    return %arg0, %c0_i32 : i32, i32
  }
  func.func @transform_14(%arg0: i32) -> (i32, i32, i32) {
    %c0_i32 = arith.constant 0 : i32
    %c0_i32_0 = arith.constant 0 : i32
    %c0_i32_1 = arith.constant 0 : i32
    return %c0_i32, %arg0, %c0_i32_0 : i32, i32, i32
  }
}

module attributes {stable_mosaic.version = 14 : i64} {
  func.func @_pool_head_body(%arg0: i32, %arg1: memref<2000x64xf32, #tpu.memory_space<vmem>>, %arg2: memref<2000x64xf32, #tpu.memory_space<vmem>>, %arg3: memref<2000x64xf32, #tpu.memory_space<vmem>>, %arg4: memref<2000x64xf32, #tpu.memory_space<vmem>>, %arg5: memref<2000x128xf32, #tpu.memory_space<vmem>>, %arg6: memref<2000x1xf32, #tpu.memory_space<vmem>>, %arg7: memref<2000x1xf32, #tpu.memory_space<vmem>>, %arg8: memref<128xf32, #tpu.memory_space<vmem>>, %arg9: memref<1x1x2000xi32, #tpu.memory_space<vmem>>, %arg10: memref<128xf32, #tpu.memory_space<vmem>>, %arg11: memref<128xf32, #tpu.memory_space<vmem>>, %arg12: memref<128xf32, #tpu.memory_space<vmem>>, %arg13: memref<128xf32, #tpu.memory_space<vmem>>, %arg14: memref<128x128xf32, #tpu.memory_space<vmem>>, %arg15: memref<128xf32, #tpu.memory_space<vmem>>, %arg16: memref<128x128xf32, #tpu.memory_space<vmem>>, %arg17: memref<128xf32, #tpu.memory_space<vmem>>, %arg18: memref<64x128xf32, #tpu.memory_space<vmem>>, %arg19: memref<64x128xf32, #tpu.memory_space<vmem>>, %arg20: memref<64x128xf32, #tpu.memory_space<vmem>>) attributes {dimension_semantics = [#tpu.dimension_semantics<arbitrary>], iteration_bounds = array<i64: 5>, scalar_prefetch = 0 : i64, scratch_operands = 2 : i64, tpu.core_type = #tpu.core_type<tc>, window_params = [{transform_indices = @transform_0, window_bounds = array<i64: 2000, 64>}, {transform_indices = @transform_1, window_bounds = array<i64: 2000, 64>}, {transform_indices = @transform_2, window_bounds = array<i64: 2000, 64>}, {transform_indices = @transform_3, window_bounds = array<i64: 2000, 64>}, {transform_indices = @transform_4, window_bounds = array<i64: 2000, 128>}, {transform_indices = @transform_5, window_bounds = array<i64: 2000, 1>}, {transform_indices = @transform_6, window_bounds = array<i64: 2000, 1>}, {pipeline_mode = #tpu.pipeline_mode<synchronous>, transform_indices = @transform_7, window_bounds = array<i64: 128>}, {transform_indices = @transform_8, window_bounds = array<i64: 1, 1, 2000>}, {pipeline_mode = #tpu.pipeline_mode<synchronous>, transform_indices = @transform_9, window_bounds = array<i64: 128>}, {pipeline_mode = #tpu.pipeline_mode<synchronous>, transform_indices = @transform_10, window_bounds = array<i64: 128>}, {pipeline_mode = #tpu.pipeline_mode<synchronous>, transform_indices = @transform_11, window_bounds = array<i64: 128>}, {pipeline_mode = #tpu.pipeline_mode<synchronous>, transform_indices = @transform_12, window_bounds = array<i64: 128>}, {pipeline_mode = #tpu.pipeline_mode<synchronous>, transform_indices = @transform_13, window_bounds = array<i64: 128, 128>}, {pipeline_mode = #tpu.pipeline_mode<synchronous>, transform_indices = @transform_14, window_bounds = array<i64: 128>}, {pipeline_mode = #tpu.pipeline_mode<synchronous>, transform_indices = @transform_15, window_bounds = array<i64: 128, 128>}, {pipeline_mode = #tpu.pipeline_mode<synchronous>, transform_indices = @transform_16, window_bounds = array<i64: 128>}, {pipeline_mode = #tpu.pipeline_mode<synchronous>, transform_indices = @transform_17, window_bounds = array<i64: 64, 128>}]} {
    %eq3A = arith.constant 0 : i32
    %eq3A_0 = arith.cmpi eq, %arg0, %eq3A : i32
    %convert_element_type3A = arith.extui %eq3A_0 : i1 to i32
    %cond3A = arith.constant 0 : i32
    %cond3A_1 = arith.cmpi ne, %convert_element_type3A, %cond3A : i32
    scf.if %cond3A_1 {
      %broadcast_in_dim3A_67 = arith.constant 0.000000e+00 : f32
      %broadcast_in_dim3A_68 = vector.broadcast %broadcast_in_dim3A_67 : f32 to vector<64x128xf32>
      %swap3A_69 = arith.constant 0 : index
      %swap3A_70 = arith.constant 0 : index
      %swap3A_71 = vector.load %arg19[%swap3A_69, %swap3A_70] : memref<64x128xf32, #tpu.memory_space<vmem>>, vector<64x128xf32>
      tpu.vector_store %arg19[%swap3A_69, %swap3A_70], %broadcast_in_dim3A_68 {strides = array<i32>} : memref<64x128xf32, #tpu.memory_space<vmem>>, vector<64x128xf32>,
      %broadcast_in_dim3A_72 = arith.constant 0.000000e+00 : f32
      %broadcast_in_dim3A_73 = vector.broadcast %broadcast_in_dim3A_72 : f32 to vector<64x128xf32>
      %swap3A_74 = arith.constant 0 : index
      %swap3A_75 = arith.constant 0 : index
      %swap3A_76 = vector.load %arg20[%swap3A_74, %swap3A_75] : memref<64x128xf32, #tpu.memory_space<vmem>>, vector<64x128xf32>
      tpu.vector_store %arg20[%swap3A_74, %swap3A_75], %broadcast_in_dim3A_73 {strides = array<i32>} : memref<64x128xf32, #tpu.memory_space<vmem>>, vector<64x128xf32>,
    } else {
    }
    %get3A = arith.constant 0 : index
    %get3A_2 = arith.constant 0 : index
    %get3A_3 = vector.load %arg1[%get3A, %get3A_2] : memref<2000x64xf32, #tpu.memory_space<vmem>>, vector<2000x64xf32>
    %get3A_4 = arith.constant 0 : index
    %get3A_5 = arith.constant 0 : index
    %get3A_6 = vector.load %arg2[%get3A_4, %get3A_5] : memref<2000x64xf32, #tpu.memory_space<vmem>>, vector<2000x64xf32>
    %concatenate3A = tpu.concatenate %get3A_3, %get3A_6 in 1 : vector<2000x64xf32>, vector<2000x64xf32> -> vector<2000x128xf32>
    %get3A_7 = arith.constant 0 : index
    %get3A_8 = arith.constant 0 : index
    %get3A_9 = vector.load %arg3[%get3A_7, %get3A_8] : memref<2000x64xf32, #tpu.memory_space<vmem>>, vector<2000x64xf32>
    %get3A_10 = arith.constant 0 : index
    %get3A_11 = arith.constant 0 : index
    %get3A_12 = vector.load %arg4[%get3A_10, %get3A_11] : memref<2000x64xf32, #tpu.memory_space<vmem>>, vector<2000x64xf32>
    %concatenate3A_13 = tpu.concatenate %get3A_9, %get3A_12 in 1 : vector<2000x64xf32>, vector<2000x64xf32> -> vector<2000x128xf32>
    %add3A = arith.addf %concatenate3A, %concatenate3A_13 : vector<2000x128xf32>
    %get3A_14 = arith.constant 0 : index
    %get3A_15 = arith.constant 0 : index
    %get3A_16 = vector.load %arg6[%get3A_14, %get3A_15] : memref<2000x1xf32, #tpu.memory_space<vmem>>, vector<2000x1xf32>
    %get3A_17 = arith.constant 0 : index
    %get3A_18 = arith.constant 0 : index
    %get3A_19 = vector.load %arg7[%get3A_17, %get3A_18] : memref<2000x1xf32, #tpu.memory_space<vmem>>, vector<2000x1xf32>
    %add3A_20 = arith.addf %get3A_16, %get3A_19 : vector<2000x1xf32>
    %add3A_21 = arith.constant 1.000000e+00 : f32
    %add3A_22 = vector.broadcast %add3A_21 : f32 to vector<2000x1xf32>
    %add3A_23 = arith.addf %add3A_20, %add3A_22 : vector<2000x1xf32>
    %rsqrt3A = math.rsqrt %add3A_23 : vector<2000x1xf32>
    %mul3A = vector.broadcast %rsqrt3A : vector<2000x1xf32> to vector<2000x128xf32>
    %mul3A_24 = arith.mulf %add3A, %mul3A : vector<2000x128xf32>
    %get3A_25 = arith.constant 0 : index
    %get3A_26 = vector.load %arg8[%get3A_25] : memref<128xf32, #tpu.memory_space<vmem>>, vector<128xf32>
    %broadcast_in_dim3A = vector.shape_cast %get3A_26 : vector<128xf32> to vector<1x128xf32>
    %add3A_27 = vector.broadcast %broadcast_in_dim3A : vector<1x128xf32> to vector<2000x128xf32>
    %add3A_28 = arith.addf %mul3A_24, %add3A_27 : vector<2000x128xf32>
    %max3A = arith.constant 0.000000e+00 : f32
    %max3A_29 = vector.broadcast %max3A : f32 to vector<2000x128xf32>
    %max3A_30 = arith.maximumf %add3A_28, %max3A_29 : vector<2000x128xf32>
    %get3A_31 = arith.constant 0 : index
    %get3A_32 = arith.constant 0 : index
    %get3A_33 = vector.load %arg5[%get3A_31, %get3A_32] : memref<2000x128xf32, #tpu.memory_space<vmem>>, vector<2000x128xf32>
    %add3A_34 = arith.addf %max3A_30, %get3A_33 : vector<2000x128xf32>
    %iota3A = tpu.iota {dimensions = array<i32: 0>} : vector<64x2000xi32>
    %get3A_35 = arith.constant 0 : index
    %get3A_36 = arith.constant 0 : index
    %get3A_37 = arith.constant 0 : index
    %get3A_38 = vector.load %arg9[%get3A_35, %get3A_36, %get3A_37] : memref<1x1x2000xi32, #tpu.memory_space<vmem>>, vector<1x1x2000xi32>
    %get3A_39 = vector.shape_cast %get3A_38 : vector<1x1x2000xi32> to vector<1x2000xi32>
    %eq3A_40 = vector.broadcast %get3A_39 : vector<1x2000xi32> to vector<64x2000xi32>
    %eq3A_41 = arith.cmpi eq, %iota3A, %eq3A_40 : vector<64x2000xi32>
    %convert_element_type3A_42 = arith.extui %eq3A_41 : vector<64x2000xi1> to vector<64x2000xi32>
    %convert_element_type3A_43 = arith.sitofp %convert_element_type3A_42 : vector<64x2000xi32> to vector<64x2000xf32>
    %get3A_44 = arith.constant 0 : index
    %get3A_45 = arith.constant 0 : index
    %get3A_46 = vector.load %arg19[%get3A_44, %get3A_45] : memref<64x128xf32, #tpu.memory_space<vmem>>, vector<64x128xf32>
    %dot_general3A = arith.constant dense<0.000000e+00> : vector<64x128xf32>
    %dot_general3A_47 = tpu.matmul %convert_element_type3A_43, %add3A_34, %dot_general3A {dimension_numbers = #tpu.dot_dimension_numbers<[1], [0], [0], [1], [0, 0, 1, 1], [], []>, precision = #tpu.contract_precision<fp32>, transpose_lhs_hint = false} : vector<64x2000xf32>, vector<2000x128xf32>, vector<64x128xf32> -> vector<64x128xf32>
    %add3A_48 = arith.addf %get3A_46, %dot_general3A_47 : vector<64x128xf32>
    %swap3A = arith.constant 0 : index
    %swap3A_49 = arith.constant 0 : index
    %swap3A_50 = vector.load %arg19[%swap3A, %swap3A_49] : memref<64x128xf32, #tpu.memory_space<vmem>>, vector<64x128xf32>
    tpu.vector_store %arg19[%swap3A, %swap3A_49], %add3A_48 {strides = array<i32>} : memref<64x128xf32, #tpu.memory_space<vmem>>, vector<64x128xf32>,
    %get3A_51 = arith.constant 0 : index
    %get3A_52 = arith.constant 0 : index
    %get3A_53 = vector.load %arg20[%get3A_51, %get3A_52] : memref<64x128xf32, #tpu.memory_space<vmem>>, vector<64x128xf32>
    %broadcast_in_dim3A_54 = arith.constant 1.000000e+00 : f32
    %broadcast_in_dim3A_55 = vector.broadcast %broadcast_in_dim3A_54 : f32 to vector<2000x128xf32>
    %dot_general3A_56 = arith.constant dense<0.000000e+00> : vector<64x128xf32>
    %dot_general3A_57 = tpu.matmul %convert_element_type3A_43, %broadcast_in_dim3A_55, %dot_general3A_56 {dimension_numbers = #tpu.dot_dimension_numbers<[1], [0], [0], [1], [0, 0, 1, 1], [], []>, precision = #tpu.contract_precision<fp32>, transpose_lhs_hint = false} : vector<64x2000xf32>, vector<2000x128xf32>, vector<64x128xf32> -> vector<64x128xf32>
    %add3A_58 = arith.addf %get3A_53, %dot_general3A_57 : vector<64x128xf32>
    %swap3A_59 = arith.constant 0 : index
    %swap3A_60 = arith.constant 0 : index
    %swap3A_61 = vector.load %arg20[%swap3A_59, %swap3A_60] : memref<64x128xf32, #tpu.memory_space<vmem>>, vector<64x128xf32>
    tpu.vector_store %arg20[%swap3A_59, %swap3A_60], %add3A_58 {strides = array<i32>} : memref<64x128xf32, #tpu.memory_space<vmem>>, vector<64x128xf32>,
    %eq3A_62 = arith.constant 4 : i32
    %eq3A_63 = arith.cmpi eq, %arg0, %eq3A_62 : i32
    %convert_element_type3A_64 = arith.extui %eq3A_63 : i1 to i32
    %cond3A_65 = arith.constant 0 : i32
    %cond3A_66 = arith.cmpi ne, %convert_element_type3A_64, %cond3A_65 : i32
    scf.if %cond3A_66 {
      %get3A_67 = arith.constant 0 : index
      %get3A_68 = arith.constant 0 : index
      %get3A_69 = vector.load %arg19[%get3A_67, %get3A_68] : memref<64x128xf32, #tpu.memory_space<vmem>>, vector<64x128xf32>
      %get3A_70 = arith.constant 0 : index
      %get3A_71 = arith.constant 0 : index
      %get3A_72 = vector.load %arg20[%get3A_70, %get3A_71] : memref<64x128xf32, #tpu.memory_space<vmem>>, vector<64x128xf32>
      %max3A_73 = arith.constant 1.000000e+00 : f32
      %max3A_74 = vector.broadcast %max3A_73 : f32 to vector<64x128xf32>
      %max3A_75 = arith.maximumf %get3A_72, %max3A_74 : vector<64x128xf32>
      %div3A = arith.divf %get3A_69, %max3A_75 : vector<64x128xf32>
      %get3A_76 = arith.constant 0 : index
      %get3A_77 = vector.load %arg10[%get3A_76] : memref<128xf32, #tpu.memory_space<vmem>>, vector<128xf32>
      %get3A_78 = arith.constant 0 : index
      %get3A_79 = vector.load %arg11[%get3A_78] : memref<128xf32, #tpu.memory_space<vmem>>, vector<128xf32>
      %get3A_80 = arith.constant 0 : index
      %get3A_81 = vector.load %arg12[%get3A_80] : memref<128xf32, #tpu.memory_space<vmem>>, vector<128xf32>
      %get3A_82 = arith.constant 0 : index
      %get3A_83 = vector.load %arg13[%get3A_82] : memref<128xf32, #tpu.memory_space<vmem>>, vector<128xf32>
      %add3A_84 = arith.constant 9.99999974E-6 : f32
      %add3A_85 = vector.broadcast %add3A_84 : f32 to vector<128xf32>
      %add3A_86 = arith.addf %get3A_83, %add3A_85 : vector<128xf32>
      %rsqrt3A_87 = math.rsqrt %add3A_86 : vector<128xf32>
      %mul3A_88 = arith.mulf %get3A_77, %rsqrt3A_87 : vector<128xf32>
      %mul3A_89 = arith.mulf %get3A_81, %mul3A_88 : vector<128xf32>
      %sub3A = arith.subf %get3A_79, %mul3A_89 : vector<128xf32>
      %broadcast_in_dim3A_90 = vector.shape_cast %mul3A_88 : vector<128xf32> to vector<1x128xf32>
      %mul3A_91 = vector.broadcast %broadcast_in_dim3A_90 : vector<1x128xf32> to vector<64x128xf32>
      %mul3A_92 = arith.mulf %div3A, %mul3A_91 : vector<64x128xf32>
      %broadcast_in_dim3A_93 = vector.shape_cast %sub3A : vector<128xf32> to vector<1x128xf32>
      %add3A_94 = vector.broadcast %broadcast_in_dim3A_93 : vector<1x128xf32> to vector<64x128xf32>
      %add3A_95 = arith.addf %mul3A_92, %add3A_94 : vector<64x128xf32>
      %get3A_96 = arith.constant 0 : index
      %get3A_97 = arith.constant 0 : index
      %get3A_98 = vector.load %arg14[%get3A_96, %get3A_97] : memref<128x128xf32, #tpu.memory_space<vmem>>, vector<128x128xf32>
      %dot_general3A_99 = arith.constant dense<0.000000e+00> : vector<64x128xf32>
      %dot_general3A_100 = tpu.matmul %add3A_95, %get3A_98, %dot_general3A_99 {dimension_numbers = #tpu.dot_dimension_numbers<[1], [0], [0], [1], [0, 0, 1, 1], [], []>, precision = #tpu.contract_precision<fp32>, transpose_lhs_hint = false} : vector<64x128xf32>, vector<128x128xf32>, vector<64x128xf32> -> vector<64x128xf32>
      %get3A_101 = arith.constant 0 : index
      %get3A_102 = vector.load %arg15[%get3A_101] : memref<128xf32, #tpu.memory_space<vmem>>, vector<128xf32>
      %broadcast_in_dim3A_103 = vector.shape_cast %get3A_102 : vector<128xf32> to vector<1x128xf32>
      %add3A_104 = vector.broadcast %broadcast_in_dim3A_103 : vector<1x128xf32> to vector<64x128xf32>
      %add3A_105 = arith.addf %dot_general3A_100, %add3A_104 : vector<64x128xf32>
      %max3A_106 = arith.constant 0.000000e+00 : f32
      %max3A_107 = vector.broadcast %max3A_106 : f32 to vector<64x128xf32>
      %max3A_108 = arith.maximumf %add3A_105, %max3A_107 : vector<64x128xf32>
      %get3A_109 = arith.constant 0 : index
      %get3A_110 = arith.constant 0 : index
      %get3A_111 = vector.load %arg16[%get3A_109, %get3A_110] : memref<128x128xf32, #tpu.memory_space<vmem>>, vector<128x128xf32>
      %dot_general3A_112 = arith.constant dense<0.000000e+00> : vector<64x128xf32>
      %dot_general3A_113 = tpu.matmul %max3A_108, %get3A_111, %dot_general3A_112 {dimension_numbers = #tpu.dot_dimension_numbers<[1], [0], [0], [1], [0, 0, 1, 1], [], []>, precision = #tpu.contract_precision<fp32>, transpose_lhs_hint = false} : vector<64x128xf32>, vector<128x128xf32>, vector<64x128xf32> -> vector<64x128xf32>
      %get3A_114 = arith.constant 0 : index
      %get3A_115 = vector.load %arg17[%get3A_114] : memref<128xf32, #tpu.memory_space<vmem>>, vector<128xf32>
      %broadcast_in_dim3A_116 = vector.shape_cast %get3A_115 : vector<128xf32> to vector<1x128xf32>
      %add3A_117 = vector.broadcast %broadcast_in_dim3A_116 : vector<1x128xf32> to vector<64x128xf32>
      %add3A_118 = arith.addf %dot_general3A_113, %add3A_117 : vector<64x128xf32>
      %reduce_max3A = arith.constant dense<0xFF800000> : vector<64xf32>
      %reduce_max3A_119 = vector.multi_reduction <maximumf>, %add3A_118, %reduce_max3A [1] : vector<64x128xf32> to vector<64xf32>
      %broadcast_in_dim3A_120 = vector.shape_cast %reduce_max3A_119 : vector<64xf32> to vector<64x1xf32>
      %sub3A_121 = vector.broadcast %broadcast_in_dim3A_120 : vector<64x1xf32> to vector<64x128xf32>
      %sub3A_122 = arith.subf %add3A_118, %sub3A_121 : vector<64x128xf32>
      %exp3A = math.exp %sub3A_122 : vector<64x128xf32>
      %reduce_sum3A = arith.constant dense<0.000000e+00> : vector<64xf32>
      %reduce_sum3A_123 = vector.multi_reduction <add>, %exp3A, %reduce_sum3A [1] : vector<64x128xf32> to vector<64xf32>
      %broadcast_in_dim3A_124 = vector.shape_cast %reduce_sum3A_123 : vector<64xf32> to vector<64x1xf32>
      %log3A = math.log %broadcast_in_dim3A_124 : vector<64x1xf32>
      %sub3A_125 = vector.broadcast %log3A : vector<64x1xf32> to vector<64x128xf32>
      %sub3A_126 = arith.subf %sub3A_122, %sub3A_125 : vector<64x128xf32>
      %swap3A_127 = arith.constant 0 : index
      %swap3A_128 = arith.constant 0 : index
      %swap3A_129 = vector.load %arg18[%swap3A_127, %swap3A_128] : memref<64x128xf32, #tpu.memory_space<vmem>>, vector<64x128xf32>
      tpu.vector_store %arg18[%swap3A_127, %swap3A_128], %sub3A_126 {strides = array<i32>} : memref<64x128xf32, #tpu.memory_space<vmem>>, vector<64x128xf32>,
    } else {
    }
    return
  }
  func.func @transform_0(%arg0: i32) -> (i32, i32) {
    %c0_i32 = arith.constant 0 : i32
    %c0_i32_0 = arith.constant 0 : i32
    return %arg0, %c0_i32 : i32, i32
  }
  func.func @transform_1(%arg0: i32) -> (i32, i32) {
    %c0_i32 = arith.constant 0 : i32
    %c0_i32_0 = arith.constant 0 : i32
    return %arg0, %c0_i32 : i32, i32
  }
  func.func @transform_2(%arg0: i32) -> (i32, i32) {
    %c0_i32 = arith.constant 0 : i32
    %c0_i32_0 = arith.constant 0 : i32
    return %arg0, %c0_i32 : i32, i32
  }
  func.func @transform_3(%arg0: i32) -> (i32, i32) {
    %c0_i32 = arith.constant 0 : i32
    %c0_i32_0 = arith.constant 0 : i32
    return %arg0, %c0_i32 : i32, i32
  }
  func.func @transform_4(%arg0: i32) -> (i32, i32) {
    %c0_i32 = arith.constant 0 : i32
    %c0_i32_0 = arith.constant 0 : i32
    return %arg0, %c0_i32 : i32, i32
  }
  func.func @transform_5(%arg0: i32) -> (i32, i32) {
    %c0_i32 = arith.constant 0 : i32
    %c0_i32_0 = arith.constant 0 : i32
    return %arg0, %c0_i32 : i32, i32
  }
  func.func @transform_6(%arg0: i32) -> (i32, i32) {
    %c0_i32 = arith.constant 0 : i32
    %c0_i32_0 = arith.constant 0 : i32
    return %arg0, %c0_i32 : i32, i32
  }
  func.func @transform_7(%arg0: i32) -> i32 {
    %c0_i32 = arith.constant 0 : i32
    %c0_i32_0 = arith.constant 0 : i32
    return %c0_i32 : i32
  }
  func.func @transform_8(%arg0: i32) -> (i32, i32, i32) {
    %c0_i32 = arith.constant 0 : i32
    %c0_i32_0 = arith.constant 0 : i32
    %c0_i32_1 = arith.constant 0 : i32
    return %arg0, %c0_i32, %c0_i32_0 : i32, i32, i32
  }
  func.func @transform_9(%arg0: i32) -> i32 {
    %c0_i32 = arith.constant 0 : i32
    %c0_i32_0 = arith.constant 0 : i32
    return %c0_i32 : i32
  }
  func.func @transform_10(%arg0: i32) -> i32 {
    %c0_i32 = arith.constant 0 : i32
    %c0_i32_0 = arith.constant 0 : i32
    return %c0_i32 : i32
  }
  func.func @transform_11(%arg0: i32) -> i32 {
    %c0_i32 = arith.constant 0 : i32
    %c0_i32_0 = arith.constant 0 : i32
    return %c0_i32 : i32
  }
  func.func @transform_12(%arg0: i32) -> i32 {
    %c0_i32 = arith.constant 0 : i32
    %c0_i32_0 = arith.constant 0 : i32
    return %c0_i32 : i32
  }
  func.func @transform_13(%arg0: i32) -> (i32, i32) {
    %c0_i32 = arith.constant 0 : i32
    %c0_i32_0 = arith.constant 0 : i32
    %c0_i32_1 = arith.constant 0 : i32
    return %c0_i32, %c0_i32_0 : i32, i32
  }
  func.func @transform_14(%arg0: i32) -> i32 {
    %c0_i32 = arith.constant 0 : i32
    %c0_i32_0 = arith.constant 0 : i32
    return %c0_i32 : i32
  }
  func.func @transform_15(%arg0: i32) -> (i32, i32) {
    %c0_i32 = arith.constant 0 : i32
    %c0_i32_0 = arith.constant 0 : i32
    %c0_i32_1 = arith.constant 0 : i32
    return %c0_i32, %c0_i32_0 : i32, i32
  }
  func.func @transform_16(%arg0: i32) -> i32 {
    %c0_i32 = arith.constant 0 : i32
    %c0_i32_0 = arith.constant 0 : i32
    return %c0_i32 : i32
  }
  func.func @transform_17(%arg0: i32) -> (i32, i32) {
    %c0_i32 = arith.constant 0 : i32
    %c0_i32_0 = arith.constant 0 : i32
    %c0_i32_1 = arith.constant 0 : i32
    return %c0_i32, %c0_i32_0 : i32, i32
  }
}

</mosaic_0001>

<sc_bundles>
// kernel: kernel.10.cloned.1.call-start
scs
__scs_entry_jumppad:
0x0: {  	(pc) =	sbr.rel $0x88, $3  }
0x1: {  	(tag) =	ssettag $0x0;
	lr =	simm.s32 $0x1  }
0x2: {  	[smem:$0x3F90] =	sst lr;
	_ =	strace $0xD0000000  }
0x3: {  	_ = 	snop  }
0x4: {  	_ = 	snop  }
0x5: {  	_ = 	snop  }
0x6: {  	_ = 	snop  }
0x7: {  	_ = 	snop  }
__scs_overlays_trampoline_lowered:
0x8: {  	[smem:$0x3F9F] =	sst s0  }
0x9: {  	[smem:$0x3FA0] =	sst s1  }
0xa: {  	[smem:$0x3FA1] =	sst s2  }
0xb: {  	[smem:$0x3FA2] =	sst s3  }
0xc: {  	[smem:$0x3FA3] =	sst s4  }
0xd: {  	[smem:$0x3FA4] =	sst s5  }
0xe: {  	[smem:$0x3FA5] =	sst s6  }
0xf: {  	[smem:$0x3FA6] =	sst s7  }
0x10: {  	[smem:$0x3FA7] =	sst s8  }
0x11: {  	[smem:$0x3FA8] =	sst s9;
	s0 =	simm.s32 @!p0 $0x0  }
0x12: {  	s1 =	sld [smem:$0x3F8E];
	s0 =	simm.s32 @p0 $0x1  }
0x13: {  	[smem:$0x3FA9] =	sst s0;
	s0 =	simm.s32 @!p1 $0x0  }
0x14: {  	s2 =	sld [smem:$0x3F8D];
	s0 =	simm.s32 @p1 $0x1  }
0x15: {  	[smem:$0x3FAA] =	sst s0;
	s0 =	simm.s32 @!p2 $0x0  }
0x16: {  	s3 =	sld [smem:$0x3FDB];
	s0 =	simm.s32 @p2 $0x1  }
0x17: {  	s4 =	simm.s32 $0x1BF5;
	[smem:$0x3FAC] =	sst s0  }
0x18: {  	s0 =	sld [smem:$0x3F8F];
	_ =	swait.ge [sflag:s4], $0x0  }
0x19: {  	s7 =	sld [smem:$0x3F90]  }
0x1a: {  	s8 =	sadd.s32 $0xFFFFE003, lr  }
0x1b: {  	s9 =	sadd.s32 $0xFFFFFEF7, lr;
	s5 =	simm.s32 $0xFFFFFFFF;
	p2 =	slt.u32 s8, $0xFFFFF086  }
0x1c: {  	p1 =	slt.u32 s9, $0xF7A;
	s5 =	simm.s32 @!p2 $0x0  }
0x1d: {  	s5 =	simm.s32 @p1 $0x1;
	p0 =	seq.s32 s7, s2  }
0x1e: {  	s7 =	smul.u32 @!p0 $0xF7A, s2;
	p2 =	seq.s32 @!p0 s5, $0x0  }
0x1f: {  	s9 =	smul.u32 $0xF7A, s1;
	s8 =	simm.s32 @!p0 $0x1BF5;
	p2 =	por !p2, p0  }
0x20: {  	[sflag:s8] =	ssyncset.s32 @!p0 $0xFFFFF086;
	s6 =	sadd.s32 @!p0 s3, s7;
	s7 =	simm.s32 @!p0 $0x108  }
0x21: {  	s3 =	sadd.s32 s3, s9;
	s6 =	sadd.s32 @!p0 $0x88, s6;
	s7 =	simm.s32 @p2 $0x1082  }
0x22: {  	[simem:s7], [sflag:s8] =	dma.local @!p0 [hbm:s6], $0xF7A  }
0x23: {  	s9 =	sor.u32 $0xD0000000, s2;
	s6 =	simm.s32 $0x108;
	_ =	swait.ge @!p0 [sflag:s8], $0x0  }
0x24: {  	s3 =	sadd.s32 $0x88, s3;
	s6 =	simm.s32 @!p1 $0x1082;
	[sflag:s4] =	ssyncset.s32 $0xFFFFF086  }
0x25: {  	[simem:s6], [sflag:s4] =	dma.local [hbm:s3], $0xF7A  }
0x26: {  	[smem:$0x3F90] =	sst s1;
	(tag) =	ssettag s2;
	_ =	strace s9  }
0x27: {  	s1 =	sld [smem:$0x3FA0]  }
0x28: {  	s2 =	sld [smem:$0x3FA1]  }
0x29: {  	s4 =	sld [smem:$0x3FA3]  }
0x2a: {  	p0 =	seq.s32 s5, $0x0;
	s5 =	sld [smem:$0x3FA4]  }
0x2b: {  	s6 =	sld [smem:$0x3FA5]  }
0x2c: {  	s7 =	sld [smem:$0x3FA6]  }
0x2d: {  	s3 =	simm.s32 $0x108;
	s8 =	sld [smem:$0x3FA7]  }
0x2e: {  	s3 =	simm.s32 @!p0 $0x1082;
	s9 =	sld [smem:$0x3FA8]  }
0x2f: {  	lr =	sadd.s32 s0, s3;
	s0 =	sld [smem:$0x3F9F]  }
0x30: {  	s3 =	sld [smem:$0x3FA2]  }
0x31: {  	[smem:$0x3FAB] =	sst s10  }
0x32: {  	s10 =	sld [smem:$0x3FA9];
	_ =	sdelay $0x3  }
0x33: {  	p0 =	seq.s32 s10, $0x1;
	s10 =	sld [smem:$0x3FAB];
	_ =	sdelay $0x3  }
0x34: {  	[smem:$0x3FAB] =	sst s10  }
0x35: {  	s10 =	sld [smem:$0x3FAA];
	_ =	sdelay $0x3  }
0x36: {  	p1 =	seq.s32 s10, $0x1;
	s10 =	sld [smem:$0x3FAB];
	_ =	sdelay $0x3  }
0x37: {  	[smem:$0x3FAB] =	sst s10  }
0x38: {  	s10 =	sld [smem:$0x3FAC]  }
0x39: {  	_ = 	snop;
	(pc) =	sbr.ind lr, $3  }
0x3a: {  	_ = 	snop  }
0x3b: {  	_ = 	snop  }
0x3c: {  	p2 =	seq.s32 s10, $0x1;
	s10 =	sld [smem:$0x3FAB]  }
0x3d: {  	_ =	shalt  }
0x3e: {  	_ =	shalt  }
0x3f: {  	_ =	shalt  }
0x40: {  	_ =	shalt  }
0x41: {  	_ =	shalt  }
0x42: {  	_ =	shalt  }
0x43: {  	_ =	shalt  }
0x44: {  	_ =	shalt  }
0x45: {  	_ =	shalt  }
0x46: {  	_ =	shalt  }
0x47: {  	_ =	shalt  }
0x48: {  	_ =	shalt  }
0x49: {  	_ =	shalt  }
0x4a: {  	_ =	shalt  }
0x4b: {  	_ =	shalt  }
0x4c: {  	_ =	shalt  }
0x4d: {  	_ =	shalt  }
0x4e: {  	_ =	shalt  }
0x4f: {  	_ =	shalt  }
0x50: {  	_ =	shalt  }
0x51: {  	_ =	shalt  }
0x52: {  	_ =	shalt  }
0x53: {  	_ =	shalt  }
0x54: {  	_ =	shalt  }
0x55: {  	_ =	shalt  }
0x56: {  	_ =	shalt  }
0x57: {  	_ =	shalt  }
0x58: {  	_ =	shalt  }
0x59: {  	_ =	shalt  }
0x5a: {  	_ =	shalt  }
0x5b: {  	_ =	shalt  }
0x5c: {  	_ =	shalt  }
0x5d: {  	_ =	shalt  }
0x5e: {  	_ =	shalt  }
0x5f: {  	_ =	shalt  }
0x60: {  	_ =	shalt  }
0x61: {  	_ =	shalt  }
0x62: {  	_ =	shalt  }
0x63: {  	_ =	shalt  }
0x64: {  	_ =	shalt  }
0x65: {  	_ =	shalt  }
0x66: {  	_ =	shalt  }
0x67: {  	_ =	shalt  }
0x68: {  	_ =	shalt  }
0x69: {  	_ =	shalt  }
0x6a: {  	_ =	shalt  }
0x6b: {  	_ =	shalt  }
0x6c: {  	_ =	shalt  }
0x6d: {  	_ =	shalt  }
0x6e: {  	_ =	shalt  }
0x6f: {  	_ =	shalt  }
0x70: {  	_ =	shalt  }
0x71: {  	_ =	shalt  }
0x72: {  	_ =	shalt  }
0x73: {  	_ =	shalt  }
0x74: {  	_ =	shalt  }
0x75: {  	_ =	shalt  }
0x76: {  	_ =	shalt  }
0x77: {  	_ =	shalt  }
0x78: {  	_ =	shalt  }
0x79: {  	_ =	shalt  }
0x7a: {  	_ =	shalt  }
0x7b: {  	_ =	shalt  }
0x7c: {  	_ =	shalt  }
0x7d: {  	_ =	shalt  }
0x7e: {  	_ =	shalt  }
0x7f: {  	_ =	shalt  }
0x80: {  	_ =	shalt  }
0x81: {  	_ =	shalt  }
0x82: {  	_ =	shalt  }
0x83: {  	_ =	shalt  }
0x84: {  	_ =	shalt  }
0x85: {  	_ =	shalt  }
0x86: {  	_ =	shalt  }
0x87: {  	_ =	shalt  }
.Lfunc_end0:
.L_simem_size_0:
called_computation_lowered:
.L_overlay_start_0:
0x88: {  	s2 =	sld [smem:$0x3FD9]  }
0x89: {  	s3 =	sld [smem:$0x3FFE];
	_ =	sdelay $0x1  }
0x8a: {  	s1 =	srdreg.scid  }
0x8b: {  	s0 =	sand.u32 $0x1, s1  }
0x8c: {  	s16 =	sshll.u32 s0, $0xA;
	s2 =	sadd.s32 s3, s2  }
0x8d: {  	s2 =	sadd.s32 s2, s16  }
0x8e: {  	[smem:$0x3FB7] =	sst s2  }
0x8f: {  	_ = 	snop  }
0x90: {  	(tm) =	ssettm $0x1  }
0x91: {  	s17 =	sld [smem:$0x3FFB];
	_ =	sdelay $0x3  }
0x92: {  	_ =	strace s17  }
0x93: {  	s2 =	sld [smem:$0x3FFC];
	_ =	sdelay $0x3  }
0x94: {  	_ =	strace s2  }
0x95: {  	s2 =	sld [smem:$0x3FFD];
	_ =	sdelay $0x3  }
0x96: {  	_ =	strace s2  }
0x97: {  	_ =	strace $0x8FFFFFFF  }
0x98: {  	s18 =	sld [smem:$0x3FDB];
	_ =	sdelay $0x1  }
0x99: {  	s19 =	simm.s32 $_scs_section_size  }
0x9a: {  	s4 =	simm.s32 $_size__tile_overlayer_lowered;
	s5 =	simm.s32 $_tile_overlayer_lowered  }
0x9b: {  	s22 =	simm.s32 $0x1BFF;
	s21 =	sshll.u32 s5, $0x1;
	s2 =	sadd.s32 s19, s18  }
0x9c: {  	s6 =	simm.s32 $0x0;
	s20 =	sshll.u32 s4, $0x1;
	s4 =	sadd.s32 s21, s2  }
0x9d: {  	[timem:s6], [sflag:s22] =	dma.local [hbm:s4], s20  }
0x9e: {  	_ =	swait.ge [sflag:s22], s20  }
0x9f: {  	s3 =	ssub.s32 $0x0, s20;
	[sflag:s22] =	ssyncset.done $0x0  }
0xa0: {  	[sflag:s22] =	ssyncadd.s32 s3;
	_ =	sdelay $0x1  }
0xa1: {  	s23 =	simm.s32 $0x1B8B  }
0xa2: {  	_ =	swait.ge [sflag:s23], $0x1  }
0xa3: {  	[sflag:s23] =	ssyncset.done $0x0  }
0xa4: {  	s25 =	simm.s32 $0x1B8E;
	s24 =	sld [smem:$0x3FFE];
	[sflag:s23] =	ssyncadd.s32 $0xFFFFFFFF  }
0xa5: {  	s26 =	simm.s32 $execute0_lowered;
	[smem:$0x3FD2] =	sst s25  }
0xa6: {  	s4 =	sshll.u32 s26, $0x1;
	_ =	strace $0x80000046;
	[dreg:$0x1] =	wrdreg $0xFFFFFFFF  }
0xa7: {  	s28 =	simm.s32 $_size_execute0_lowered;
	s2 =	sadd.s32 s2, s4;
	[dreg:$0x0] =	wrdreg $0x0  }
0xa8: {  	s4 =	sshll.u32 s28, $0x1;
	[dreg:$0x2] =	wrdreg s2  }
0xa9: {  	[dreg:$0x3] =	wrdreg s4  }
0xaa: {  	[dreg:$0x4] =	wrdreg $0xC0  }
0xab: {  	_ =	task [dreg:s6], $0x5FFFF  }
0xac: {  	[dreg:$0x1] =	wrdreg $0xFFFFFFFF  }
0xad: {  	[dreg:$0x0] =	wrdreg $0x60  }
0xae: {  	[dreg:$0x2] =	wrdreg s24  }
0xaf: {  	[dreg:$0x3] =	wrdreg $0x43000  }
0xb0: {  	[dreg:$0x4] =	wrdreg $0x9  }
0xb1: {  	_ =	task.clear_ibuf [dreg:s6], $0x5FFFF;
	_ =	strace $0x90000046  }
0xb2: {  	s29 =	simm.s32 $0x9;
	_ =	strace $0x80000048  }
0xb3: {  	_ =	swait.ge [sflag:s29], $0x1  }
0xb4: {  	[sflag:s29] =	ssyncadd.s32 $0xFFFFFFFF  }
0xb5: {  	_ =	strace $0x90000048  }
0xb6: {  	_ =	sfence  }
0xb7: {  	s30 =	sld [smem:$0x0];
	_ =	sdelay $0x2  }
0xb8: {  	s31 =	sshll.u32 s1, $0xD;
	s1 =	sshrl.u32 s1, $0x2  }
0xb9: {  	s3 =	sand.u32 $0x4000, s31;
	s1 =	sadd.s32 s1, s30  }
0xba: {  	s0 =	sor.u32 s3, s0;
	s1 =	sshll.u32 s1, $0x11  }
0xbb: {  	s0 =	sor.u32 s1, s0  }
0xbc: {  	s0 =	sadd.s32 $0x8F2B, s0  }
0xbd: {  	[sflag:s0] =	ssyncadd.remote.s32 $0x1  }
0xbe: {  	_ =	sfence.sel $0xFFFF  }
0xbf: {  	[dreg:$0x0] =	wrdreg $0xFFFFFFFF;
	(pc) =	sbr.abs _section_cstart, $3  }
0xc0: {  	[dreg:$0x1] =	wrdreg $0xFFFFFFFF  }
0xc1: {  	_ =	task.clear_ibuf [dreg:s6], $0x2FFFF;
	_ =	strace $0x9FFFFFFF  }
0xc2: {  	(tm) =	ssettm $0x7FFFFFFF  }
0xc3: {  	_ =	shalt  }
tec
execute0_lowered:
.L_overlay_start_1:
0x0: {  	(tag) =	ssettag $0x1  }
0x1: {  	s4 =	rddreg [dreg:$0x0]  }
0x2: {  	s2 =	rddreg [dreg:$0x1]  }
0x3: {  	s0 =	rddreg [dreg:$0x2];
	s1 =	stileid.u32  }
0x4: {  	s5 =	srdreg.scid;
	s3 =	simm.s32 $0x0;
	s10 =	simm.s32 $0x50  }
0x5: {  	s11 =	simm.s32 $0x4000;
	s14 =	simm.s32 $0x20;
	s15 =	simm.s32 $0x10  }
0x6: {  	s16 =	simm.s32 $0x0;
	s5 =	sand.u32 $0x1, s5;
	s6 =	smul.u32 $0x500, s1  }
0x7: {  	[smem:$0x7FF] =	sst s3;
	s8 =	sshll.u32 s1, $0xB;
	s29 =	smul.u32 $0xA00, s1  }
0x8: {  	s12 =	sshll.u32 s1, $0x6;
	s7 =	sshll.u32 s5, $0x7;
	_ =	strace $0x80000047  }
0x9: {  	s28 =	sadd.s32 s8, s4;
	s30 =	ssub.s32 $0x2, s5;
	s5 =	sshll.u32 s5, $0xF  }
0xa: {  	s12 =	sor.u32 $0x1C01, s12;
	s6 =	sor.u32 s7, s6;
	s9 =	sshrl.u32 s30, $0x1  }
0xb: {  	s8 =	sshrl.u32 s29, $0x2;
	s5 =	sadd.s32 s5, s28;
	s6 =	sshrl.u32 s6, $0x3  }
0xc: {  	s31 =	ssub.s32 s30, s9;
	s5 =	sadd.s32 $0x17E00, s5;
	s9 =	simm.s32 $0x1  }
0xd: {  	s6 =	sadd.s32 s6, s4;
	s4 =	sadd.s32 s8, s2;
	s7 =	smax.u32 s31, $0x1  }
0xe: {  	v0 =	vimm.f32 $0.0e+00;
	v1 =	vimm.f32 $1.000000000e+00;
	s8 =	simm.s32 $0x4080;
	s6 =	sadd.s32 $0x27E00, s6;
	s13 =	sshrl.u32 s4, $0x3  }
.LBB2_1:
0xf: {  	[tilespmem:$0x4080] =	vst v0  }
0x10: {  	[tilespmem:$0x4090] =	vst v0  }
0x11: {  	[tilespmem:$0x40A0] =	vst v0  }
0x12: {  	[tilespmem:$0x40B0] =	vst v0  }
0x13: {  	[tilespmem:$0x40C0] =	vst v0  }
0x14: {  	[tilespmem:$0x40D0] =	vst v0  }
0x15: {  	[tilespmem:$0x40E0] =	vst v0  }
0x16: {  	[tilespmem:$0x40F0] =	vst v0  }
0x17: {  	[tilespmem:$0x4100] =	vst v0  }
0x18: {  	[tilespmem:$0x4110] =	vst v0  }
0x19: {  	[tilespmem:$0x4120] =	vst v0  }
0x1a: {  	[tilespmem:$0x4130] =	vst v0  }
0x1b: {  	[tilespmem:$0x4140] =	vst v0  }
0x1c: {  	[tilespmem:$0x4150] =	vst v0  }
0x1d: {  	[tilespmem:$0x4160] =	vst v0  }
0x1e: {  	[tilespmem:$0x4170] =	vst v0  }
0x1f: {  	[tilespmem:$0x4180] =	vst v0  }
0x20: {  	[tilespmem:$0x4190] =	vst v0  }
0x21: {  	[tilespmem:$0x41A0] =	vst v0  }
0x22: {  	[tilespmem:$0x41B0] =	vst v0  }
0x23: {  	[tilespmem:$0x41C0] =	vst v0  }
0x24: {  	[tilespmem:$0x41D0] =	vst v0  }
0x25: {  	[tilespmem:$0x41E0] =	vst v0  }
0x26: {  	[tilespmem:$0x41F0] =	vst v0  }
0x27: {  	[tilespmem:$0x4200] =	vst v0  }
0x28: {  	[tilespmem:$0x4210] =	vst v0  }
0x29: {  	[tilespmem:$0x4220] =	vst v0  }
0x2a: {  	[tilespmem:$0x4230] =	vst v0  }
0x2b: {  	[tilespmem:$0x4240] =	vst v0  }
0x2c: {  	[tilespmem:$0x4250] =	vst v0  }
0x2d: {  	[tilespmem:$0x4260] =	vst v0  }
0x2e: {  	[tilespmem:$0x4270] =	vst v0  }
0x2f: {  	[tilespmem:$0x4280] =	vst v0  }
0x30: {  	[tilespmem:$0x4290] =	vst v0  }
0x31: {  	[tilespmem:$0x42A0] =	vst v0  }
0x32: {  	[tilespmem:$0x42B0] =	vst v0  }
0x33: {  	[tilespmem:$0x42C0] =	vst v0  }
0x34: {  	[tilespmem:$0x42D0] =	vst v0  }
0x35: {  	[tilespmem:$0x42E0] =	vst v0  }
0x36: {  	[tilespmem:$0x42F0] =	vst v0  }
0x37: {  	[tilespmem:$0x4000] =	vst v1  }
0x38: {  	[tilespmem:$0x4010] =	vst v1  }
0x39: {  	[tilespmem:$0x4020] =	vst v1  }
0x3a: {  	[tilespmem:$0x4030] =	vst v1  }
0x3b: {  	[tilespmem:$0x4040] =	vst v1  }
0x3c: {  	[spmem:s4] =	stream.linear.scatter [tilespmem:s8], [sflag:$0x1], $0x280, $0x38;
	[tilespmem:$0x4580] =	vst v63  }
0x3d: {  	_ =	swait.ge [sflag:s9], $0x280  }
0x3e: {  	[sflag:s9] =	ssyncset.done $0x0  }
0x3f: {  	[sflag:s9] =	ssyncadd.s32 $0xFFFFFD80  }
0x40: {  	[bflag:$0x0] =	sbarrier.arrive $0xFFFF  }
0x41: {  	[tilespmem:s3], [sflag:$0x1] =	stream.linear.gather [hbm4b:s5+s3], $0x3E80, $0x38;
	[tilespmem:$0x4580] =	vst v63  }
0x42: {  	_ =	swait.ge [sflag:s9], $0x3E80  }
0x43: {  	[sflag:s9] =	ssyncset.done $0x0  }
0x44: {  	s17 =	simm.s32 $0x0;
	[sflag:s9] =	ssyncadd.s32 $0xFFFFC180  }
0x45: {  	[spmem:s2] =	stream.indirect.scatter.add.f32 [tilespmem:s11], [sflag:$0x1], $0x1, s17, s10, $0xb8;
	[tilespmem:$0x4580] =	vst v63  }
0x46: {  	_ =	swait.ge [sflag:s9], $0x50  }
0x47: {  	s17 =	simm.s32 $0x200;
	[sflag:s9] =	ssyncset.done $0x0  }
.LBB2_2:
0x48: {  	s18 =	sshra.s32 s17, $0x2;
	[sflag:s9] =	ssyncadd.s32 $0xFFFFFFB0;
	p0 =	sne.s32 s17, $0xF800  }
0x49: {  	[spmem:s2] =	stream.indirect.scatter.add.f32 [tilespmem:s11], [sflag:$0x1], $0x1, s18, s10, $0xb8;
	[tilespmem:$0x4580] =	vst v63  }
.Ltmp0:
0x4a: {  	_ = 	snop;
	(pc) =	sbr.rel @p0 .LBB2_2-.Ltmp0, $4  }
0x4b: {  	_ = 	snop  }
0x4c: {  	s17 =	sadd.s32 $0x200, s17  }
0x4d: {  	_ =	swait.ge [sflag:s9], $0x50  }
0x4e: {  	[sflag:s9] =	ssyncset.done $0x0  }
0x4f: {  	s16 =	sadd.s32 $0x1, s16  }
0x50: {  	[sflag:s9] =	ssyncadd.s32 $0xFFFFFFB0;
	p0 =	sne.s32 s16, s7  }
.Ltmp1:
0x51: {  	[bflag:$0x0] =	sbarrier.arrive $0xFFFF;
	(pc) =	sbr.rel @p0 .LBB2_1-.Ltmp1, $4  }
0x52: {  	[hbm:s6@s14], [sflag:s12] =	dma.strided [spmem:s13@s15], $0x50, s9, $0x10   }
0x53: {  	_ =	swait.ge [sflag:s9], $0x50  }
0x54: {  	[sflag:s9] =	ssyncset.done $0x0  }
0x55: {  	[sflag:s9] =	ssyncadd.s32 $0xFFFFFFB0  }
0x56: {  	_ =	sfence.sel $0x180000  }
0x57: {  	[bflag:$0x0] =	sbarrier.arrive $0xFFFF  }
0x58: {  	p0 =	sne.s32 s1, $0x0;
	_ =	strace $0x90000047  }
0x59: {  	s0 =	sadd.s32 @!p0 $0x100000, s0;
	[bflag:$0x2] =	sbarrier.arrive $0xFFFF  }
0x5a: {  	[sflag:s0] =	ssyncadd.tile.s32 @!p0 $0x1;
	_ =	shalt  }
.Lfunc_end2:
_tile_overlayer_lowered:
.L_overlay_start_2:
0x5b: {  	(tag) =	ssettag $0x2  }
0x5c: {  	s0 =	rddreg [dreg:$0x0];
	s2 =	stileid.u32  }
0x5d: {  	s1 =	rddreg [dreg:$0x1];
	p0 =	sne.s32 s2, $0x0  }
0x5e: {  	s3 =	rddreg [dreg:$0x2];
	[bflag:$0x3] =	sbarrier.arrive $0xFFFF;
	s2 =	simm.s32 @!p0 $0x1C01  }
0x5f: {  	[timem:s3], [sflag:s2] =	dma.local @!p0 [hbm:s0], s1  }
0x60: {  	s0 =	simm.s32 @!p0 $0x1  }
0x61: {  	_ =	swait.ge @!p0 [sflag:s0], s1  }
0x62: {  	s1 =	ssub.s32 @!p0 $0x0, s1;
	[sflag:s0] =	ssyncset.done @!p0 $0x0  }
0x63: {  	[sflag:s0] =	ssyncadd.s32 @!p0 s1  }
0x64: {  	[bflag:$0x3] =	sbarrier.arrive $0xFFFF  }
0x65: {  	_ =	shalt  }

// kernel: kernel.13.cloned.1.call-start
scs
__scs_entry_jumppad:
0x0: {  	(pc) =	sbr.rel $0x88, $3  }
0x1: {  	(tag) =	ssettag $0x0;
	lr =	simm.s32 $0x1  }
0x2: {  	[smem:$0x3F90] =	sst lr;
	_ =	strace $0xD0000000  }
0x3: {  	_ = 	snop  }
0x4: {  	_ = 	snop  }
0x5: {  	_ = 	snop  }
0x6: {  	_ = 	snop  }
0x7: {  	_ = 	snop  }
__scs_overlays_trampoline_lowered:
0x8: {  	[smem:$0x3F9F] =	sst s0  }
0x9: {  	[smem:$0x3FA0] =	sst s1  }
0xa: {  	[smem:$0x3FA1] =	sst s2  }
0xb: {  	[smem:$0x3FA2] =	sst s3  }
0xc: {  	[smem:$0x3FA3] =	sst s4  }
0xd: {  	[smem:$0x3FA4] =	sst s5  }
0xe: {  	[smem:$0x3FA5] =	sst s6  }
0xf: {  	[smem:$0x3FA6] =	sst s7  }
0x10: {  	[smem:$0x3FA7] =	sst s8  }
0x11: {  	[smem:$0x3FA8] =	sst s9;
	s0 =	simm.s32 @!p0 $0x0  }
0x12: {  	s1 =	sld [smem:$0x3F8E];
	s0 =	simm.s32 @p0 $0x1  }
0x13: {  	[smem:$0x3FA9] =	sst s0;
	s0 =	simm.s32 @!p1 $0x0  }
0x14: {  	s2 =	sld [smem:$0x3F8D];
	s0 =	simm.s32 @p1 $0x1  }
0x15: {  	[smem:$0x3FAA] =	sst s0;
	s0 =	simm.s32 @!p2 $0x0  }
0x16: {  	s3 =	sld [smem:$0x3FDB];
	s0 =	simm.s32 @p2 $0x1  }
0x17: {  	s4 =	simm.s32 $0x1BF5;
	[smem:$0x3FAC] =	sst s0  }
0x18: {  	s0 =	sld [smem:$0x3F8F];
	_ =	swait.ge [sflag:s4], $0x0  }
0x19: {  	s7 =	sld [smem:$0x3F90]  }
0x1a: {  	s8 =	sadd.s32 $0xFFFFE003, lr  }
0x1b: {  	s9 =	sadd.s32 $0xFFFFFEF7, lr;
	s5 =	simm.s32 $0xFFFFFFFF;
	p2 =	slt.u32 s8, $0xFFFFF086  }
0x1c: {  	p1 =	slt.u32 s9, $0xF7A;
	s5 =	simm.s32 @!p2 $0x0  }
0x1d: {  	s5 =	simm.s32 @p1 $0x1;
	p0 =	seq.s32 s7, s2  }
0x1e: {  	s7 =	smul.u32 @!p0 $0xF7A, s2;
	p2 =	seq.s32 @!p0 s5, $0x0  }
0x1f: {  	s9 =	smul.u32 $0xF7A, s1;
	s8 =	simm.s32 @!p0 $0x1BF5;
	p2 =	por !p2, p0  }
0x20: {  	[sflag:s8] =	ssyncset.s32 @!p0 $0xFFFFF086;
	s6 =	sadd.s32 @!p0 s3, s7;
	s7 =	simm.s32 @!p0 $0x108  }
0x21: {  	s3 =	sadd.s32 s3, s9;
	s6 =	sadd.s32 @!p0 $0x88, s6;
	s7 =	simm.s32 @p2 $0x1082  }
0x22: {  	[simem:s7], [sflag:s8] =	dma.local @!p0 [hbm:s6], $0xF7A  }
0x23: {  	s9 =	sor.u32 $0xD0000000, s2;
	s6 =	simm.s32 $0x108;
	_ =	swait.ge @!p0 [sflag:s8], $0x0  }
0x24: {  	s3 =	sadd.s32 $0x88, s3;
	s6 =	simm.s32 @!p1 $0x1082;
	[sflag:s4] =	ssyncset.s32 $0xFFFFF086  }
0x25: {  	[simem:s6], [sflag:s4] =	dma.local [hbm:s3], $0xF7A  }
0x26: {  	[smem:$0x3F90] =	sst s1;
	(tag) =	ssettag s2;
	_ =	strace s9  }
0x27: {  	s1 =	sld [smem:$0x3FA0]  }
0x28: {  	s2 =	sld [smem:$0x3FA1]  }
0x29: {  	s4 =	sld [smem:$0x3FA3]  }
0x2a: {  	p0 =	seq.s32 s5, $0x0;
	s5 =	sld [smem:$0x3FA4]  }
0x2b: {  	s6 =	sld [smem:$0x3FA5]  }
0x2c: {  	s7 =	sld [smem:$0x3FA6]  }
0x2d: {  	s3 =	simm.s32 $0x108;
	s8 =	sld [smem:$0x3FA7]  }
0x2e: {  	s3 =	simm.s32 @!p0 $0x1082;
	s9 =	sld [smem:$0x3FA8]  }
0x2f: {  	lr =	sadd.s32 s0, s3;
	s0 =	sld [smem:$0x3F9F]  }
0x30: {  	s3 =	sld [smem:$0x3FA2]  }
0x31: {  	[smem:$0x3FAB] =	sst s10  }
0x32: {  	s10 =	sld [smem:$0x3FA9];
	_ =	sdelay $0x3  }
0x33: {  	p0 =	seq.s32 s10, $0x1;
	s10 =	sld [smem:$0x3FAB];
	_ =	sdelay $0x3  }
0x34: {  	[smem:$0x3FAB] =	sst s10  }
0x35: {  	s10 =	sld [smem:$0x3FAA];
	_ =	sdelay $0x3  }
0x36: {  	p1 =	seq.s32 s10, $0x1;
	s10 =	sld [smem:$0x3FAB];
	_ =	sdelay $0x3  }
0x37: {  	[smem:$0x3FAB] =	sst s10  }
0x38: {  	s10 =	sld [smem:$0x3FAC]  }
0x39: {  	_ = 	snop;
	(pc) =	sbr.ind lr, $3  }
0x3a: {  	_ = 	snop  }
0x3b: {  	_ = 	snop  }
0x3c: {  	p2 =	seq.s32 s10, $0x1;
	s10 =	sld [smem:$0x3FAB]  }
0x3d: {  	_ =	shalt  }
0x3e: {  	_ =	shalt  }
0x3f: {  	_ =	shalt  }
0x40: {  	_ =	shalt  }
0x41: {  	_ =	shalt  }
0x42: {  	_ =	shalt  }
0x43: {  	_ =	shalt  }
0x44: {  	_ =	shalt  }
0x45: {  	_ =	shalt  }
0x46: {  	_ =	shalt  }
0x47: {  	_ =	shalt  }
0x48: {  	_ =	shalt  }
0x49: {  	_ =	shalt  }
0x4a: {  	_ =	shalt  }
0x4b: {  	_ =	shalt  }
0x4c: {  	_ =	shalt  }
0x4d: {  	_ =	shalt  }
0x4e: {  	_ =	shalt  }
0x4f: {  	_ =	shalt  }
0x50: {  	_ =	shalt  }
0x51: {  	_ =	shalt  }
0x52: {  	_ =	shalt  }
0x53: {  	_ =	shalt  }
0x54: {  	_ =	shalt  }
0x55: {  	_ =	shalt  }
0x56: {  	_ =	shalt  }
0x57: {  	_ =	shalt  }
0x58: {  	_ =	shalt  }
0x59: {  	_ =	shalt  }
0x5a: {  	_ =	shalt  }
0x5b: {  	_ =	shalt  }
0x5c: {  	_ =	shalt  }
0x5d: {  	_ =	shalt  }
0x5e: {  	_ =	shalt  }
0x5f: {  	_ =	shalt  }
0x60: {  	_ =	shalt  }
0x61: {  	_ =	shalt  }
0x62: {  	_ =	shalt  }
0x63: {  	_ =	shalt  }
0x64: {  	_ =	shalt  }
0x65: {  	_ =	shalt  }
0x66: {  	_ =	shalt  }
0x67: {  	_ =	shalt  }
0x68: {  	_ =	shalt  }
0x69: {  	_ =	shalt  }
0x6a: {  	_ =	shalt  }
0x6b: {  	_ =	shalt  }
0x6c: {  	_ =	shalt  }
0x6d: {  	_ =	shalt  }
0x6e: {  	_ =	shalt  }
0x6f: {  	_ =	shalt  }
0x70: {  	_ =	shalt  }
0x71: {  	_ =	shalt  }
0x72: {  	_ =	shalt  }
0x73: {  	_ =	shalt  }
0x74: {  	_ =	shalt  }
0x75: {  	_ =	shalt  }
0x76: {  	_ =	shalt  }
0x77: {  	_ =	shalt  }
0x78: {  	_ =	shalt  }
0x79: {  	_ =	shalt  }
0x7a: {  	_ =	shalt  }
0x7b: {  	_ =	shalt  }
0x7c: {  	_ =	shalt  }
0x7d: {  	_ =	shalt  }
0x7e: {  	_ =	shalt  }
0x7f: {  	_ =	shalt  }
0x80: {  	_ =	shalt  }
0x81: {  	_ =	shalt  }
0x82: {  	_ =	shalt  }
0x83: {  	_ =	shalt  }
0x84: {  	_ =	shalt  }
0x85: {  	_ =	shalt  }
0x86: {  	_ =	shalt  }
0x87: {  	_ =	shalt  }
.Lfunc_end0:
.L_simem_size_0:
called_computation.1_lowered:
.L_overlay_start_0:
0x88: {  	s2 =	sld [smem:$0x3FD9]  }
0x89: {  	s3 =	sld [smem:$0x3FFE];
	_ =	sdelay $0x1  }
0x8a: {  	s1 =	srdreg.scid  }
0x8b: {  	s0 =	sand.u32 $0x1, s1  }
0x8c: {  	s16 =	sshll.u32 s0, $0xA;
	s2 =	sadd.s32 s3, s2  }
0x8d: {  	s2 =	sadd.s32 s2, s16  }
0x8e: {  	[smem:$0x3FB7] =	sst s2  }
0x8f: {  	_ = 	snop  }
0x90: {  	(tm) =	ssettm $0x1  }
0x91: {  	s17 =	sld [smem:$0x3FFB];
	_ =	sdelay $0x3  }
0x92: {  	_ =	strace s17  }
0x93: {  	s2 =	sld [smem:$0x3FFC];
	_ =	sdelay $0x3  }
0x94: {  	_ =	strace s2  }
0x95: {  	s2 =	sld [smem:$0x3FFD];
	_ =	sdelay $0x3  }
0x96: {  	_ =	strace s2  }
0x97: {  	_ =	strace $0x8FFFFFFF  }
0x98: {  	s18 =	sld [smem:$0x3FDB];
	_ =	sdelay $0x1  }
0x99: {  	s19 =	simm.s32 $_scs_section_size  }
0x9a: {  	s4 =	simm.s32 $_size__tile_overlayer_lowered;
	s5 =	simm.s32 $_tile_overlayer_lowered  }
0x9b: {  	s22 =	simm.s32 $0x1BFF;
	s21 =	sshll.u32 s5, $0x1;
	s2 =	sadd.s32 s19, s18  }
0x9c: {  	s6 =	simm.s32 $0x0;
	s20 =	sshll.u32 s4, $0x1;
	s4 =	sadd.s32 s21, s2  }
0x9d: {  	[timem:s6], [sflag:s22] =	dma.local [hbm:s4], s20  }
0x9e: {  	_ =	swait.ge [sflag:s22], s20  }
0x9f: {  	s3 =	ssub.s32 $0x0, s20;
	[sflag:s22] =	ssyncset.done $0x0  }
0xa0: {  	[sflag:s22] =	ssyncadd.s32 s3;
	_ =	sdelay $0x1  }
0xa1: {  	s23 =	simm.s32 $0x1B8B  }
0xa2: {  	_ =	swait.ge [sflag:s23], $0x1  }
0xa3: {  	[sflag:s23] =	ssyncset.done $0x0  }
0xa4: {  	s25 =	simm.s32 $0x1B8E;
	s24 =	sld [smem:$0x3FFE];
	[sflag:s23] =	ssyncadd.s32 $0xFFFFFFFF  }
0xa5: {  	s26 =	simm.s32 $execute0_lowered;
	[smem:$0x3FD2] =	sst s25  }
0xa6: {  	s4 =	sshll.u32 s26, $0x1;
	_ =	strace $0x80000049;
	[dreg:$0x1] =	wrdreg $0xFFFFFFFF  }
0xa7: {  	s28 =	simm.s32 $_size_execute0_lowered;
	s2 =	sadd.s32 s2, s4;
	[dreg:$0x0] =	wrdreg $0x0  }
0xa8: {  	s4 =	sshll.u32 s28, $0x1;
	[dreg:$0x2] =	wrdreg s2  }
0xa9: {  	[dreg:$0x3] =	wrdreg s4  }
0xaa: {  	[dreg:$0x4] =	wrdreg $0xC0  }
0xab: {  	_ =	task [dreg:s6], $0x5FFFF  }
0xac: {  	[dreg:$0x1] =	wrdreg $0xFFFFFFFF  }
0xad: {  	[dreg:$0x0] =	wrdreg $0x60  }
0xae: {  	[dreg:$0x2] =	wrdreg s24  }
0xaf: {  	[dreg:$0x3] =	wrdreg $0xC4400  }
0xb0: {  	[dreg:$0x4] =	wrdreg $0x160800  }
0xb1: {  	[dreg:$0x5] =	wrdreg $0x9  }
0xb2: {  	_ =	task.clear_ibuf [dreg:s6], $0x6FFFF;
	_ =	strace $0x90000049  }
0xb3: {  	s29 =	simm.s32 $0x9;
	_ =	strace $0x8000004B  }
0xb4: {  	_ =	swait.ge [sflag:s29], $0x1  }
0xb5: {  	[sflag:s29] =	ssyncadd.s32 $0xFFFFFFFF  }
0xb6: {  	_ =	strace $0x9000004B  }
0xb7: {  	_ =	sfence  }
0xb8: {  	s30 =	sld [smem:$0x0];
	_ =	sdelay $0x2  }
0xb9: {  	s31 =	sshll.u32 s1, $0xD;
	s1 =	sshrl.u32 s1, $0x2  }
0xba: {  	s3 =	sand.u32 $0x4000, s31;
	s1 =	sadd.s32 s1, s30  }
0xbb: {  	s0 =	sor.u32 s3, s0;
	s1 =	sshll.u32 s1, $0x11  }
0xbc: {  	s0 =	sor.u32 s1, s0  }
0xbd: {  	s0 =	sadd.s32 $0x8F2B, s0  }
0xbe: {  	[sflag:s0] =	ssyncadd.remote.s32 $0x1  }
0xbf: {  	_ =	sfence.sel $0xFFFF  }
0xc0: {  	[dreg:$0x0] =	wrdreg $0xFFFFFFFF;
	(pc) =	sbr.abs _section_cstart, $3  }
0xc1: {  	[dreg:$0x1] =	wrdreg $0xFFFFFFFF  }
0xc2: {  	_ =	task.clear_ibuf [dreg:s6], $0x2FFFF;
	_ =	strace $0x9FFFFFFF  }
0xc3: {  	(tm) =	ssettm $0x7FFFFFFF  }
tec
execute0_lowered:
.L_overlay_start_1:
0x0: {  	(tag) =	ssettag $0x1  }
0x1: {  	s2 =	rddreg [dreg:$0x0]  }
0x2: {  	s1 =	rddreg [dreg:$0x1];
	s0 =	stileid.u32  }
0x3: {  	s4 =	srdreg.scid;
	s3 =	rddreg [dreg:$0x2];
	s20 =	simm.s32 $0x3  }
0x4: {  	s21 =	simm.s32 $0x9C40;
	s23 =	simm.s32 $0x50;
	s24 =	simm.s32 $0xB040  }
0x5: {  	s25 =	simm.s32 $0x1;
	s29 =	simm.s32 $0x9BA0;
	s5 =	smul.u32 $0x4E20, s0  }
0x6: {  	s30 =	simm.s32 $0x9BF0;
	s6 =	sand.u32 $0x1, s4;
	s7 =	smul.u32 $0x9C40, s0  }
0x7: {  	s4 =	simm.s32 $0x0;
	s9 =	smul.u32 $0x27100, s0;
	s31 =	sshll.u32 s0, $0x6  }
0x8: {  	s8 =	smul.u32 $0x9C400, s6;
	[smem:$0x7FF] =	sst s4;
	s6 =	ssub.s32 $0x2, s6  }
0x9: {  	_ =	strace $0x8000004A;
	s5 =	sshrl.u32 s5, $0x3;
	s26 =	sshrl.u32 s6, $0x1  }
0xa: {  	s19 =	sadd.s32 s7, s1;
	s28 =	sshrl.u32 s9, $0x2;
	s8 =	sadd.s32 s7, s8  }
0xb: {  	s16 =	sadd.s32 s5, s2;
	s18 =	ssub.s32 s6, s26;
	s14 =	sadd.s32 s28, s3  }
0xc: {  	s6 =	sor.u32 $0x1C03, s31;
	s7 =	sadd.s32 s7, s3;
	s19 =	sshrl.u32 s19, $0x3  }
0xd: {  	s26 =	simm.s32 $0x2;
	s8 =	sshrl.u32 s8, $0x3;
	s9 =	sadd.s32 $0x2800, s14  }
0xe: {  	s10 =	sadd.s32 $0x3C00, s14;
	s11 =	sadd.s32 $0x5000, s14;
	s12 =	sadd.s32 $0x6400, s14  }
0xf: {  	s13 =	sadd.s32 $0x7800, s14;
	s15 =	sadd.s32 $0x28800, s16;
	s16 =	sadd.s32 $0x32440, s16  }
0x10: {  	s18 =	smax.u32 s18, $0x1;
	s2 =	sadd.s32 s8, s2;
	s8 =	sadd.s32 $0x1400, s14  }
0x11: {  	v0 =	vimm.f32 $0.0e+00;
	s14 =	sadd.s32 $0x8C00, s14;
	s5 =	sadd.s32 $0xD8800, s2;
	s17 =	sadd.s32 $0xFFA00, s2  }
.LBB2_1:
0x12: {  	[spmem:s19], [sflag:s6] =	dma.local [hbm:s5], $0x1388  }
0x13: {  	_ =	swait.ge [sflag:s20], $0x1388  }
0x14: {  	[sflag:s20] =	ssyncset.done $0x0  }
0x15: {  	s2 =	simm.s32 $0x100;
	s31 =	simm.s32 $0x0;
	[sflag:s20] =	ssyncadd.s32 $0xFFFFEC78  }
.LBB2_2:
0x16: {  	p0 =	sne.s32 s2, $0x4F00;
	[tilespmem:s31+$0x9C70] =	vst v0;
	s0 =	smov.u32 s2;
	s2 =	sadd.s32 $0x100, s2  }
.Ltmp0:
0x17: {  	[tilespmem:s31+$0x9C60] =	vst v0;
	(pc) =	sbr.rel @p0 .LBB2_2-.Ltmp0, $3  }
0x18: {  	[tilespmem:s31+$0x9C40] =	vst v0  }
0x19: {  	[tilespmem:s31+$0x9C50] =	vst v0;
	_ =	sdelay $0x1  }
0x1a: {  	s31 =	sshra.s32 s0, $0x2  }
0x1b: {  	[tilespmem:s31+$0x9C70] =	vst v0  }
0x1c: {  	[tilespmem:s31+$0x9C60] =	vst v0  }
0x1d: {  	[tilespmem:s31+$0x9C40] =	vst v0  }
0x1e: {  	[tilespmem:s31+$0x9C50] =	vst v0  }
0x1f: {  	[spmem:s7] =	stream.linear.scatter [tilespmem:s21], [sflag:$0x3], $0x1400, $0x38;
	[tilespmem:$0x1FCC0] =	vst v63  }
0x20: {  	_ =	swait.ge [sflag:s20], $0x1400  }
0x21: {  	[sflag:s20] =	ssyncset.done $0x0  }
0x22: {  	[sflag:s20] =	ssyncadd.s32 $0xFFFFEC00  }
0x23: {  	[spmem:s8] =	stream.linear.scatter [tilespmem:s21], [sflag:$0x3], $0x1400, $0x38;
	[tilespmem:$0x1FCC0] =	vst v63  }
0x24: {  	_ =	swait.ge [sflag:s20], $0x1400  }
0x25: {  	[sflag:s20] =	ssyncset.done $0x0  }
0x26: {  	[sflag:s20] =	ssyncadd.s32 $0xFFFFEC00  }
0x27: {  	[spmem:s9] =	stream.linear.scatter [tilespmem:s21], [sflag:$0x3], $0x1400, $0x38;
	[tilespmem:$0x1FCC0] =	vst v63  }
0x28: {  	_ =	swait.ge [sflag:s20], $0x1400  }
0x29: {  	[sflag:s20] =	ssyncset.done $0x0  }
0x2a: {  	[sflag:s20] =	ssyncadd.s32 $0xFFFFEC00  }
0x2b: {  	[spmem:s10] =	stream.linear.scatter [tilespmem:s21], [sflag:$0x3], $0x1400, $0x38;
	[tilespmem:$0x1FCC0] =	vst v63  }
0x2c: {  	_ =	swait.ge [sflag:s20], $0x1400  }
0x2d: {  	[sflag:s20] =	ssyncset.done $0x0  }
0x2e: {  	[sflag:s20] =	ssyncadd.s32 $0xFFFFEC00  }
0x2f: {  	[spmem:s11] =	stream.linear.scatter [tilespmem:s21], [sflag:$0x3], $0x1400, $0x38;
	[tilespmem:$0x1FCC0] =	vst v63  }
0x30: {  	_ =	swait.ge [sflag:s20], $0x1400  }
0x31: {  	[sflag:s20] =	ssyncset.done $0x0  }
0x32: {  	[sflag:s20] =	ssyncadd.s32 $0xFFFFEC00  }
0x33: {  	[spmem:s12] =	stream.linear.scatter [tilespmem:s21], [sflag:$0x3], $0x1400, $0x38;
	[tilespmem:$0x1FCC0] =	vst v63  }
0x34: {  	_ =	swait.ge [sflag:s20], $0x1400  }
0x35: {  	[sflag:s20] =	ssyncset.done $0x0  }
0x36: {  	[sflag:s20] =	ssyncadd.s32 $0xFFFFEC00  }
0x37: {  	[spmem:s13] =	stream.linear.scatter [tilespmem:s21], [sflag:$0x3], $0x1400, $0x38;
	[tilespmem:$0x1FCC0] =	vst v63  }
0x38: {  	_ =	swait.ge [sflag:s20], $0x1400  }
0x39: {  	[sflag:s20] =	ssyncset.done $0x0  }
0x3a: {  	[sflag:s20] =	ssyncadd.s32 $0xFFFFEC00  }
0x3b: {  	[spmem:s14] =	stream.linear.scatter [tilespmem:s21], [sflag:$0x3], $0x1040, $0x38;
	[tilespmem:$0x1FCC0] =	vst v63  }
0x3c: {  	_ =	swait.ge [sflag:s20], $0x1040  }
0x3d: {  	[sflag:s20] =	ssyncset.done $0x0  }
0x3e: {  	s0 =	simm.s32 $0x0;
	[sflag:s20] =	ssyncadd.s32 $0xFFFFEFC0  }
0x3f: {  	[tilespmem:s0], [sflag:$0x3] =	stream.linear.gather [hbm4b:s15+s0], $0x4E20, $0x38;
	[tilespmem:$0x1FCC0] =	vst v63  }
0x40: {  	_ =	swait.ge [sflag:s20], $0x4E20  }
0x41: {  	[sflag:s20] =	ssyncset.done $0x0  }
0x42: {  	s2 =	simm.s32 $0x4E20;
	[sflag:s20] =	ssyncadd.s32 $0xFFFFB1E0  }
0x43: {  	[tilespmem:s2], [sflag:$0x3] =	stream.linear.gather [hbm4b:s16+s0], $0x4E20, $0x38;
	[tilespmem:$0x1FCC0] =	vst v63  }
0x44: {  	_ =	swait.ge [sflag:s20], $0x4E20  }
0x45: {  	[sflag:s20] =	ssyncset.done $0x0  }
0x46: {  	[sflag:s20] =	ssyncadd.s32 $0xFFFFB1E0  }
0x47: {  	[bflag:$0x0] =	sbarrier.arrive $0xFFFF  }
0x48: {  	[tilespmem:s21], [sflag:$0x1] =	stream.indirect.gather [spmem:s1], $0x40, s0, s23, $0xb8;
	[tilespmem:$0x1FCC0] =	vst v63  }
0x49: {  	s28 =	simm.s32 $0x50  }
0x4a: {  	[tilespmem:s24], [sflag:$0x2] =	stream.indirect.gather [spmem:s1], $0x40, s28, s23, $0xb8;
	[tilespmem:$0x1FCC0] =	vst v63  }
0x4b: {  	_ =	swait.ge [sflag:s25], $0x1400  }
0x4c: {  	[sflag:s25] =	ssyncset.done $0x0  }
0x4d: {  	s2 =	simm.s32 $0x4E20;
	[sflag:s25] =	ssyncadd.s32 $0xFFFFEC00  }
0x4e: {  	[spmem:s3] =	stream.indirect.scatter.add.f32 [tilespmem:s21], [sflag:$0x3], $0x40, s2, s23, $0xb8;
	[tilespmem:$0x1FCC0] =	vst v63  }
0x4f: {  	_ =	swait.ge [sflag:s20], $0x1400  }
0x50: {  	[sflag:s20] =	ssyncset.done $0x0  }
0x51: {  	s22 =	simm.s32 $0xA0;
	[sflag:s20] =	ssyncadd.s32 $0xFFFFEC00  }
0x52: {  	[tilespmem:s21], [sflag:$0x1] =	stream.indirect.gather [spmem:s1], $0x40, s22, s23, $0xb8;
	[tilespmem:$0x1FCC0] =	vst v63  }
0x53: {  	_ =	swait.ge [sflag:s26], $0x1400  }
0x54: {  	[sflag:s26] =	ssyncset.done $0x0  }
0x55: {  	s28 =	simm.s32 $0x4E70;
	[sflag:s26] =	ssyncadd.s32 $0xFFFFEC00  }
0x56: {  	[spmem:s3] =	stream.indirect.scatter.add.f32 [tilespmem:s24], [sflag:$0x3], $0x40, s28, s23, $0xb8;
	[tilespmem:$0x1FCC0] =	vst v63  }
0x57: {  	_ =	swait.ge [sflag:s20], $0x1400  }
0x58: {  	s31 =	simm.s32 $0xA0;
	s2 =	simm.s32 $0x500;
	[sflag:s20] =	ssyncset.done $0x0  }
.LBB2_4:
0x59: {  	s0 =	sadd.s32 $0x50, s31  }
0x5a: {  	[sflag:s20] =	ssyncadd.s32 $0xFFFFEC00;
	s22 =	smov.u32 s2;
	s28 =	sadd.s32 $0x280, s2  }
0x5b: {  	[tilespmem:s24], [sflag:$0x2] =	stream.indirect.gather [spmem:s1], $0x40, s0, s23, $0xb8;
	[tilespmem:$0x1FCC0] =	vst v63  }
0x5c: {  	p0 =	sne.s32 s2, $0x13380;
	_ =	swait.ge [sflag:s25], $0x1400  }
0x5d: {  	[sflag:s25] =	ssyncset.done $0x0  }
0x5e: {  	s0 =	sadd.s32 $0x4E20, s31;
	[sflag:s25] =	ssyncadd.s32 $0xFFFFEC00  }
0x5f: {  	[spmem:s3] =	stream.indirect.scatter.add.f32 [tilespmem:s21], [sflag:$0x3], $0x40, s0, s23, $0xb8;
	[tilespmem:$0x1FCC0] =	vst v63  }
0x60: {  	_ =	swait.ge [sflag:s20], $0x1400  }
0x61: {  	[sflag:s20] =	ssyncset.done $0x0  }
0x62: {  	s0 =	sadd.s32 $0xA0, s31;
	[sflag:s20] =	ssyncadd.s32 $0xFFFFEC00  }
0x63: {  	[tilespmem:s21], [sflag:$0x1] =	stream.indirect.gather [spmem:s1], $0x40, s0, s23, $0xb8;
	[tilespmem:$0x1FCC0] =	vst v63  }
0x64: {  	_ =	swait.ge [sflag:s26], $0x1400  }
.Ltmp1:
0x65: {  	[sflag:s26] =	ssyncset.done $0x0;
	(pc) =	sbr.rel @p0 .LBB2_4-.Ltmp1, $4  }
0x66: {  	s0 =	sadd.s32 $0x4E70, s31;
	[sflag:s26] =	ssyncadd.s32 $0xFFFFEC00  }
0x67: {  	[spmem:s3] =	stream.indirect.scatter.add.f32 [tilespmem:s24], [sflag:$0x3], $0x40, s0, s23, $0xb8;
	[tilespmem:$0x1FCC0] =	vst v63  }
0x68: {  	_ =	swait.ge [sflag:s20], $0x1400  }
0x69: {  	s2 =	smov.u32 s28;
	s31 =	sshra.s32 s22, $0x2;
	[sflag:s20] =	ssyncset.done $0x0  }
0x6a: {  	s0 =	sadd.s32 $0x50, s31;
	[sflag:s20] =	ssyncadd.s32 $0xFFFFEC00  }
0x6b: {  	[tilespmem:s24], [sflag:$0x2] =	stream.indirect.gather [spmem:s1], $0x40, s0, s23, $0xb8;
	[tilespmem:$0x1FCC0] =	vst v63  }
0x6c: {  	_ =	swait.ge [sflag:s25], $0x1400  }
0x6d: {  	[sflag:s25] =	ssyncset.done $0x0  }
0x6e: {  	s28 =	sadd.s32 $0x4E20, s31;
	[sflag:s25] =	ssyncadd.s32 $0xFFFFEC00  }
0x6f: {  	[spmem:s3] =	stream.indirect.scatter.add.f32 [tilespmem:s21], [sflag:$0x3], $0x40, s28, s23, $0xb8;
	[tilespmem:$0x1FCC0] =	vst v63  }
0x70: {  	_ =	swait.ge [sflag:s20], $0x1400  }
0x71: {  	[sflag:s20] =	ssyncset.done $0x0  }
0x72: {  	s2 =	sadd.s32 $0xA0, s31;
	[sflag:s20] =	ssyncadd.s32 $0xFFFFEC00  }
0x73: {  	[tilespmem:s21], [sflag:$0x1] =	stream.indirect.gather [spmem:s1], $0x40, s2, s23, $0xb8;
	[tilespmem:$0x1FCC0] =	vst v63  }
0x74: {  	_ =	swait.ge [sflag:s26], $0x1400  }
0x75: {  	[sflag:s26] =	ssyncset.done $0x0  }
0x76: {  	s22 =	sadd.s32 $0x4E70, s31;
	[sflag:s26] =	ssyncadd.s32 $0xFFFFEC00  }
0x77: {  	[spmem:s3] =	stream.indirect.scatter.add.f32 [tilespmem:s24], [sflag:$0x3], $0x40, s22, s23, $0xb8;
	[tilespmem:$0x1FCC0] =	vst v63  }
0x78: {  	_ =	swait.ge [sflag:s20], $0x1400  }
0x79: {  	[sflag:s20] =	ssyncset.done $0x0  }
0x7a: {  	s28 =	simm.s32 $0x4DD0;
	[sflag:s20] =	ssyncadd.s32 $0xFFFFEC00  }
0x7b: {  	[tilespmem:s24], [sflag:$0x2] =	stream.indirect.gather [spmem:s1], $0x40, s28, s23, $0xb8;
	[tilespmem:$0x1FCC0] =	vst v63  }
0x7c: {  	_ =	swait.ge [sflag:s25], $0x1400  }
0x7d: {  	[sflag:s25] =	ssyncset.done $0x0  }
0x7e: {  	[sflag:s25] =	ssyncadd.s32 $0xFFFFEC00  }
0x7f: {  	[spmem:s3] =	stream.indirect.scatter.add.f32 [tilespmem:s21], [sflag:$0x3], $0x40, s29, s23, $0xb8;
	[tilespmem:$0x1FCC0] =	vst v63  }
0x80: {  	_ =	swait.ge [sflag:s20], $0x1400  }
0x81: {  	[sflag:s20] =	ssyncset.done $0x0  }
0x82: {  	[sflag:s20] =	ssyncadd.s32 $0xFFFFEC00  }
0x83: {  	_ =	swait.ge [sflag:s26], $0x1400  }
0x84: {  	[sflag:s26] =	ssyncset.done $0x0  }
0x85: {  	[sflag:s26] =	ssyncadd.s32 $0xFFFFEC00  }
0x86: {  	[spmem:s3] =	stream.indirect.scatter.add.f32 [tilespmem:s24], [sflag:$0x3], $0x40, s30, s23, $0xb8;
	[tilespmem:$0x1FCC0] =	vst v63  }
0x87: {  	_ =	swait.ge [sflag:s20], $0x1400  }
0x88: {  	s4 =	sadd.s32 $0x1, s4;
	[sflag:s20] =	ssyncset.done $0x0  }
0x89: {  	p0 =	sne.s32 s4, s18;
	[sflag:s20] =	ssyncadd.s32 $0xFFFFEC00  }
.Ltmp2:
0x8a: {  	s31 =	sshrl.u32 s7, $0x3;
	[bflag:$0x0] =	sbarrier.arrive $0xFFFF;
	(pc) =	sbr.rel @p0 .LBB2_1-.Ltmp2, $4  }
0x8b: {  	[hbm:s17], [sflag:s6] =	dma.local [spmem:s31], $0x1388  }
0x8c: {  	_ =	swait.ge [sflag:s20], $0x1388  }
0x8d: {  	[sflag:s20] =	ssyncset.done $0x0  }
0x8e: {  	[sflag:s20] =	ssyncadd.s32 $0xFFFFEC78  }
0x8f: {  	_ =	sfence.sel $0x180000  }
0x90: {  	[bflag:$0x0] =	sbarrier.arrive $0xFFFF  }
0x91: {  	_ =	strace $0x9000004A  }
0x92: {  	s0 =	stileid.u32;
	[bflag:$0x2] =	sbarrier.arrive $0xFFFF  }
0x93: {  	p0 =	sne.s32 s0, $0x0;
	s0 =	rddreg [dreg:$0x3]  }
0x94: {  	s0 =	sadd.s32 @!p0 $0x100000, s0  }
0x95: {  	[sflag:s0] =	ssyncadd.tile.s32 @!p0 $0x1;
	_ =	shalt  }
.Lfunc_end2:
_tile_overlayer_lowered:
.L_overlay_start_2:
0x96: {  	(tag) =	ssettag $0x2  }
0x97: {  	s0 =	rddreg [dreg:$0x0];
	s2 =	stileid.u32  }
0x98: {  	s1 =	rddreg [dreg:$0x1];
	p0 =	sne.s32 s2, $0x0  }
0x99: {  	s3 =	rddreg [dreg:$0x2];
	[bflag:$0x3] =	sbarrier.arrive $0xFFFF;
	s2 =	simm.s32 @!p0 $0x1C03  }
0x9a: {  	[timem:s3], [sflag:s2] =	dma.local @!p0 [hbm:s0], s1  }
0x9b: {  	s0 =	simm.s32 @!p0 $0x3  }
0x9c: {  	_ =	swait.ge @!p0 [sflag:s0], s1  }
0x9d: {  	s1 =	ssub.s32 @!p0 $0x0, s1;
	[sflag:s0] =	ssyncset.done @!p0 $0x0  }
0x9e: {  	[sflag:s0] =	ssyncadd.s32 @!p0 s1  }
0x9f: {  	[bflag:$0x3] =	sbarrier.arrive $0xFFFF  }
0xa0: {  	_ =	shalt  }

// kernel: kernel.16.cloned.1.call-start
scs
__scs_entry_jumppad:
0x0: {  	(pc) =	sbr.rel $0x88, $3  }
0x1: {  	(tag) =	ssettag $0x0;
	lr =	simm.s32 $0x1  }
0x2: {  	[smem:$0x3F90] =	sst lr;
	_ =	strace $0xD0000000  }
0x3: {  	_ = 	snop  }
0x4: {  	_ = 	snop  }
0x5: {  	_ = 	snop  }
0x6: {  	_ = 	snop  }
0x7: {  	_ = 	snop  }
__scs_overlays_trampoline_lowered:
0x8: {  	[smem:$0x3F9F] =	sst s0  }
0x9: {  	[smem:$0x3FA0] =	sst s1  }
0xa: {  	[smem:$0x3FA1] =	sst s2  }
0xb: {  	[smem:$0x3FA2] =	sst s3  }
0xc: {  	[smem:$0x3FA3] =	sst s4  }
0xd: {  	[smem:$0x3FA4] =	sst s5  }
0xe: {  	[smem:$0x3FA5] =	sst s6  }
0xf: {  	[smem:$0x3FA6] =	sst s7  }
0x10: {  	[smem:$0x3FA7] =	sst s8  }
0x11: {  	[smem:$0x3FA8] =	sst s9;
	s0 =	simm.s32 @!p0 $0x0  }
0x12: {  	s1 =	sld [smem:$0x3F8E];
	s0 =	simm.s32 @p0 $0x1  }
0x13: {  	[smem:$0x3FA9] =	sst s0;
	s0 =	simm.s32 @!p1 $0x0  }
0x14: {  	s2 =	sld [smem:$0x3F8D];
	s0 =	simm.s32 @p1 $0x1  }
0x15: {  	[smem:$0x3FAA] =	sst s0;
	s0 =	simm.s32 @!p2 $0x0  }
0x16: {  	s3 =	sld [smem:$0x3FDB];
	s0 =	simm.s32 @p2 $0x1  }
0x17: {  	s4 =	simm.s32 $0x1BF5;
	[smem:$0x3FAC] =	sst s0  }
0x18: {  	s0 =	sld [smem:$0x3F8F];
	_ =	swait.ge [sflag:s4], $0x0  }
0x19: {  	s7 =	sld [smem:$0x3F90]  }
0x1a: {  	s8 =	sadd.s32 $0xFFFFE003, lr  }
0x1b: {  	s9 =	sadd.s32 $0xFFFFFEF7, lr;
	s5 =	simm.s32 $0xFFFFFFFF;
	p2 =	slt.u32 s8, $0xFFFFF086  }
0x1c: {  	p1 =	slt.u32 s9, $0xF7A;
	s5 =	simm.s32 @!p2 $0x0  }
0x1d: {  	s5 =	simm.s32 @p1 $0x1;
	p0 =	seq.s32 s7, s2  }
0x1e: {  	s7 =	smul.u32 @!p0 $0xF7A, s2;
	p2 =	seq.s32 @!p0 s5, $0x0  }
0x1f: {  	s9 =	smul.u32 $0xF7A, s1;
	s8 =	simm.s32 @!p0 $0x1BF5;
	p2 =	por !p2, p0  }
0x20: {  	[sflag:s8] =	ssyncset.s32 @!p0 $0xFFFFF086;
	s6 =	sadd.s32 @!p0 s3, s7;
	s7 =	simm.s32 @!p0 $0x108  }
0x21: {  	s3 =	sadd.s32 s3, s9;
	s6 =	sadd.s32 @!p0 $0x88, s6;
	s7 =	simm.s32 @p2 $0x1082  }
0x22: {  	[simem:s7], [sflag:s8] =	dma.local @!p0 [hbm:s6], $0xF7A  }
0x23: {  	s9 =	sor.u32 $0xD0000000, s2;
	s6 =	simm.s32 $0x108;
	_ =	swait.ge @!p0 [sflag:s8], $0x0  }
0x24: {  	s3 =	sadd.s32 $0x88, s3;
	s6 =	simm.s32 @!p1 $0x1082;
	[sflag:s4] =	ssyncset.s32 $0xFFFFF086  }
0x25: {  	[simem:s6], [sflag:s4] =	dma.local [hbm:s3], $0xF7A  }
0x26: {  	[smem:$0x3F90] =	sst s1;
	(tag) =	ssettag s2;
	_ =	strace s9  }
0x27: {  	s1 =	sld [smem:$0x3FA0]  }
0x28: {  	s2 =	sld [smem:$0x3FA1]  }
0x29: {  	s4 =	sld [smem:$0x3FA3]  }
0x2a: {  	p0 =	seq.s32 s5, $0x0;
	s5 =	sld [smem:$0x3FA4]  }
0x2b: {  	s6 =	sld [smem:$0x3FA5]  }
0x2c: {  	s7 =	sld [smem:$0x3FA6]  }
0x2d: {  	s3 =	simm.s32 $0x108;
	s8 =	sld [smem:$0x3FA7]  }
0x2e: {  	s3 =	simm.s32 @!p0 $0x1082;
	s9 =	sld [smem:$0x3FA8]  }
0x2f: {  	lr =	sadd.s32 s0, s3;
	s0 =	sld [smem:$0x3F9F]  }
0x30: {  	s3 =	sld [smem:$0x3FA2]  }
0x31: {  	[smem:$0x3FAB] =	sst s10  }
0x32: {  	s10 =	sld [smem:$0x3FA9];
	_ =	sdelay $0x3  }
0x33: {  	p0 =	seq.s32 s10, $0x1;
	s10 =	sld [smem:$0x3FAB];
	_ =	sdelay $0x3  }
0x34: {  	[smem:$0x3FAB] =	sst s10  }
0x35: {  	s10 =	sld [smem:$0x3FAA];
	_ =	sdelay $0x3  }
0x36: {  	p1 =	seq.s32 s10, $0x1;
	s10 =	sld [smem:$0x3FAB];
	_ =	sdelay $0x3  }
0x37: {  	[smem:$0x3FAB] =	sst s10  }
0x38: {  	s10 =	sld [smem:$0x3FAC]  }
0x39: {  	_ = 	snop;
	(pc) =	sbr.ind lr, $3  }
0x3a: {  	_ = 	snop  }
0x3b: {  	_ = 	snop  }
0x3c: {  	p2 =	seq.s32 s10, $0x1;
	s10 =	sld [smem:$0x3FAB]  }
0x3d: {  	_ =	shalt  }
0x3e: {  	_ =	shalt  }
0x3f: {  	_ =	shalt  }
0x40: {  	_ =	shalt  }
0x41: {  	_ =	shalt  }
0x42: {  	_ =	shalt  }
0x43: {  	_ =	shalt  }
0x44: {  	_ =	shalt  }
0x45: {  	_ =	shalt  }
0x46: {  	_ =	shalt  }
0x47: {  	_ =	shalt  }
0x48: {  	_ =	shalt  }
0x49: {  	_ =	shalt  }
0x4a: {  	_ =	shalt  }
0x4b: {  	_ =	shalt  }
0x4c: {  	_ =	shalt  }
0x4d: {  	_ =	shalt  }
0x4e: {  	_ =	shalt  }
0x4f: {  	_ =	shalt  }
0x50: {  	_ =	shalt  }
0x51: {  	_ =	shalt  }
0x52: {  	_ =	shalt  }
0x53: {  	_ =	shalt  }
0x54: {  	_ =	shalt  }
0x55: {  	_ =	shalt  }
0x56: {  	_ =	shalt  }
0x57: {  	_ =	shalt  }
0x58: {  	_ =	shalt  }
0x59: {  	_ =	shalt  }
0x5a: {  	_ =	shalt  }
0x5b: {  	_ =	shalt  }
0x5c: {  	_ =	shalt  }
0x5d: {  	_ =	shalt  }
0x5e: {  	_ =	shalt  }
0x5f: {  	_ =	shalt  }
0x60: {  	_ =	shalt  }
0x61: {  	_ =	shalt  }
0x62: {  	_ =	shalt  }
0x63: {  	_ =	shalt  }
0x64: {  	_ =	shalt  }
0x65: {  	_ =	shalt  }
0x66: {  	_ =	shalt  }
0x67: {  	_ =	shalt  }
0x68: {  	_ =	shalt  }
0x69: {  	_ =	shalt  }
0x6a: {  	_ =	shalt  }
0x6b: {  	_ =	shalt  }
0x6c: {  	_ =	shalt  }
0x6d: {  	_ =	shalt  }
0x6e: {  	_ =	shalt  }
0x6f: {  	_ =	shalt  }
0x70: {  	_ =	shalt  }
0x71: {  	_ =	shalt  }
0x72: {  	_ =	shalt  }
0x73: {  	_ =	shalt  }
0x74: {  	_ =	shalt  }
0x75: {  	_ =	shalt  }
0x76: {  	_ =	shalt  }
0x77: {  	_ =	shalt  }
0x78: {  	_ =	shalt  }
0x79: {  	_ =	shalt  }
0x7a: {  	_ =	shalt  }
0x7b: {  	_ =	shalt  }
0x7c: {  	_ =	shalt  }
0x7d: {  	_ =	shalt  }
0x7e: {  	_ =	shalt  }
0x7f: {  	_ =	shalt  }
0x80: {  	_ =	shalt  }
0x81: {  	_ =	shalt  }
0x82: {  	_ =	shalt  }
0x83: {  	_ =	shalt  }
0x84: {  	_ =	shalt  }
0x85: {  	_ =	shalt  }
0x86: {  	_ =	shalt  }
0x87: {  	_ =	shalt  }
.Lfunc_end0:
.L_simem_size_0:
called_computation.2_lowered:
.L_overlay_start_0:
0x88: {  	s2 =	sld [smem:$0x3FD9]  }
0x89: {  	s3 =	sld [smem:$0x3FFE];
	_ =	sdelay $0x1  }
0x8a: {  	s1 =	srdreg.scid  }
0x8b: {  	s0 =	sand.u32 $0x1, s1  }
0x8c: {  	s16 =	sshll.u32 s0, $0xA;
	s2 =	sadd.s32 s3, s2  }
0x8d: {  	s2 =	sadd.s32 s2, s16  }
0x8e: {  	[smem:$0x3FB7] =	sst s2  }
0x8f: {  	_ = 	snop  }
0x90: {  	(tm) =	ssettm $0x1  }
0x91: {  	s17 =	sld [smem:$0x3FFB];
	_ =	sdelay $0x3  }
0x92: {  	_ =	strace s17  }
0x93: {  	s2 =	sld [smem:$0x3FFC];
	_ =	sdelay $0x3  }
0x94: {  	_ =	strace s2  }
0x95: {  	s2 =	sld [smem:$0x3FFD];
	_ =	sdelay $0x3  }
0x96: {  	_ =	strace s2  }
0x97: {  	_ =	strace $0x8FFFFFFF  }
0x98: {  	s18 =	sld [smem:$0x3FDB];
	_ =	sdelay $0x1  }
0x99: {  	s19 =	simm.s32 $_scs_section_size  }
0x9a: {  	s4 =	simm.s32 $_size__tile_overlayer_lowered;
	s5 =	simm.s32 $_tile_overlayer_lowered  }
0x9b: {  	s22 =	simm.s32 $0x1BFF;
	s21 =	sshll.u32 s5, $0x1;
	s2 =	sadd.s32 s19, s18  }
0x9c: {  	s6 =	simm.s32 $0x0;
	s20 =	sshll.u32 s4, $0x1;
	s4 =	sadd.s32 s21, s2  }
0x9d: {  	[timem:s6], [sflag:s22] =	dma.local [hbm:s4], s20  }
0x9e: {  	_ =	swait.ge [sflag:s22], s20  }
0x9f: {  	s3 =	ssub.s32 $0x0, s20;
	[sflag:s22] =	ssyncset.done $0x0  }
0xa0: {  	[sflag:s22] =	ssyncadd.s32 s3;
	_ =	sdelay $0x1  }
0xa1: {  	s23 =	simm.s32 $0x1B8B  }
0xa2: {  	_ =	swait.ge [sflag:s23], $0x1  }
0xa3: {  	[sflag:s23] =	ssyncset.done $0x0  }
0xa4: {  	s25 =	simm.s32 $0x1B8E;
	s24 =	sld [smem:$0x3FFE];
	[sflag:s23] =	ssyncadd.s32 $0xFFFFFFFF  }
0xa5: {  	s26 =	simm.s32 $execute0_lowered;
	[smem:$0x3FD2] =	sst s25  }
0xa6: {  	s4 =	sshll.u32 s26, $0x1;
	_ =	strace $0x8000004C;
	[dreg:$0x1] =	wrdreg $0xFFFFFFFF  }
0xa7: {  	s28 =	simm.s32 $_size_execute0_lowered;
	s2 =	sadd.s32 s2, s4;
	[dreg:$0x0] =	wrdreg $0x0  }
0xa8: {  	s4 =	sshll.u32 s28, $0x1;
	[dreg:$0x2] =	wrdreg s2  }
0xa9: {  	[dreg:$0x3] =	wrdreg s4  }
0xaa: {  	[dreg:$0x4] =	wrdreg $0xC0  }
0xab: {  	_ =	task [dreg:s6], $0x5FFFF  }
0xac: {  	[dreg:$0x1] =	wrdreg $0xFFFFFFFF  }
0xad: {  	[dreg:$0x0] =	wrdreg $0x60  }
0xae: {  	[dreg:$0x2] =	wrdreg s24  }
0xaf: {  	[dreg:$0x3] =	wrdreg $0xC4400  }
0xb0: {  	[dreg:$0x4] =	wrdreg $0x160800  }
0xb1: {  	[dreg:$0x5] =	wrdreg $0x9  }
0xb2: {  	_ =	task.clear_ibuf [dreg:s6], $0x6FFFF;
	_ =	strace $0x9000004C  }
0xb3: {  	s29 =	simm.s32 $0x9;
	_ =	strace $0x8000004E  }
0xb4: {  	_ =	swait.ge [sflag:s29], $0x1  }
0xb5: {  	[sflag:s29] =	ssyncadd.s32 $0xFFFFFFFF  }
0xb6: {  	_ =	strace $0x9000004E  }
0xb7: {  	_ =	sfence  }
0xb8: {  	s30 =	sld [smem:$0x0];
	_ =	sdelay $0x2  }
0xb9: {  	s31 =	sshll.u32 s1, $0xD;
	s1 =	sshrl.u32 s1, $0x2  }
0xba: {  	s3 =	sand.u32 $0x4000, s31;
	s1 =	sadd.s32 s1, s30  }
0xbb: {  	s0 =	sor.u32 s3, s0;
	s1 =	sshll.u32 s1, $0x11  }
0xbc: {  	s0 =	sor.u32 s1, s0  }
0xbd: {  	s0 =	sadd.s32 $0x8F2B, s0  }
0xbe: {  	[sflag:s0] =	ssyncadd.remote.s32 $0x1  }
0xbf: {  	_ =	sfence.sel $0xFFFF  }
0xc0: {  	[dreg:$0x0] =	wrdreg $0xFFFFFFFF;
	(pc) =	sbr.abs _section_cstart, $3  }
0xc1: {  	[dreg:$0x1] =	wrdreg $0xFFFFFFFF  }
0xc2: {  	_ =	task.clear_ibuf [dreg:s6], $0x2FFFF;
	_ =	strace $0x9FFFFFFF  }
0xc3: {  	(tm) =	ssettm $0x7FFFFFFF  }
tec
execute0_lowered:
.L_overlay_start_1:
0x0: {  	(tag) =	ssettag $0x1  }
0x1: {  	s2 =	rddreg [dreg:$0x0]  }
0x2: {  	s1 =	rddreg [dreg:$0x1];
	s0 =	stileid.u32  }
0x3: {  	s4 =	srdreg.scid;
	s3 =	rddreg [dreg:$0x2];
	s20 =	simm.s32 $0x3  }
0x4: {  	s21 =	simm.s32 $0x9C40;
	s23 =	simm.s32 $0x50;
	s24 =	simm.s32 $0xB040  }
0x5: {  	s25 =	simm.s32 $0x1;
	s29 =	simm.s32 $0x9BA0;
	s5 =	smul.u32 $0x4E20, s0  }
0x6: {  	s30 =	simm.s32 $0x9BF0;
	s6 =	sand.u32 $0x1, s4;
	s7 =	smul.u32 $0x9C40, s0  }
0x7: {  	s4 =	simm.s32 $0x0;
	s9 =	smul.u32 $0x27100, s0;
	s31 =	sshll.u32 s0, $0x6  }
0x8: {  	s8 =	smul.u32 $0x9C400, s6;
	[smem:$0x7FF] =	sst s4;
	s6 =	ssub.s32 $0x2, s6  }
0x9: {  	_ =	strace $0x8000004D;
	s5 =	sshrl.u32 s5, $0x3;
	s26 =	sshrl.u32 s6, $0x1  }
0xa: {  	s19 =	sadd.s32 s7, s1;
	s28 =	sshrl.u32 s9, $0x2;
	s8 =	sadd.s32 s7, s8  }
0xb: {  	s16 =	sadd.s32 s5, s2;
	s18 =	ssub.s32 s6, s26;
	s14 =	sadd.s32 s28, s3  }
0xc: {  	s6 =	sor.u32 $0x1C03, s31;
	s7 =	sadd.s32 s7, s3;
	s19 =	sshrl.u32 s19, $0x3  }
0xd: {  	s26 =	simm.s32 $0x2;
	s8 =	sshrl.u32 s8, $0x3;
	s9 =	sadd.s32 $0x2800, s14  }
0xe: {  	s10 =	sadd.s32 $0x3C00, s14;
	s11 =	sadd.s32 $0x5000, s14;
	s12 =	sadd.s32 $0x6400, s14  }
0xf: {  	s13 =	sadd.s32 $0x7800, s14;
	s15 =	sadd.s32 $0x28800, s16;
	s16 =	sadd.s32 $0x32440, s16  }
0x10: {  	s18 =	smax.u32 s18, $0x1;
	s2 =	sadd.s32 s8, s2;
	s8 =	sadd.s32 $0x1400, s14  }
0x11: {  	v0 =	vimm.f32 $0.0e+00;
	s14 =	sadd.s32 $0x8C00, s14;
	s5 =	sadd.s32 $0xFFA00, s2;
	s17 =	sadd.s32 $0x126C00, s2  }
.LBB2_1:
0x12: {  	[spmem:s19], [sflag:s6] =	dma.local [hbm:s5], $0x1388  }
0x13: {  	_ =	swait.ge [sflag:s20], $0x1388  }
0x14: {  	[sflag:s20] =	ssyncset.done $0x0  }
0x15: {  	s2 =	simm.s32 $0x100;
	s31 =	simm.s32 $0x0;
	[sflag:s20] =	ssyncadd.s32 $0xFFFFEC78  }
.LBB2_2:
0x16: {  	p0 =	sne.s32 s2, $0x4F00;
	[tilespmem:s31+$0x9C70] =	vst v0;
	s0 =	smov.u32 s2;
	s2 =	sadd.s32 $0x100, s2  }
.Ltmp0:
0x17: {  	[tilespmem:s31+$0x9C60] =	vst v0;
	(pc) =	sbr.rel @p0 .LBB2_2-.Ltmp0, $3  }
0x18: {  	[tilespmem:s31+$0x9C40] =	vst v0  }
0x19: {  	[tilespmem:s31+$0x9C50] =	vst v0;
	_ =	sdelay $0x1  }
0x1a: {  	s31 =	sshra.s32 s0, $0x2  }
0x1b: {  	[tilespmem:s31+$0x9C70] =	vst v0  }
0x1c: {  	[tilespmem:s31+$0x9C60] =	vst v0  }
0x1d: {  	[tilespmem:s31+$0x9C40] =	vst v0  }
0x1e: {  	[tilespmem:s31+$0x9C50] =	vst v0  }
0x1f: {  	[spmem:s7] =	stream.linear.scatter [tilespmem:s21], [sflag:$0x3], $0x1400, $0x38;
	[tilespmem:$0x1FCC0] =	vst v63  }
0x20: {  	_ =	swait.ge [sflag:s20], $0x1400  }
0x21: {  	[sflag:s20] =	ssyncset.done $0x0  }
0x22: {  	[sflag:s20] =	ssyncadd.s32 $0xFFFFEC00  }
0x23: {  	[spmem:s8] =	stream.linear.scatter [tilespmem:s21], [sflag:$0x3], $0x1400, $0x38;
	[tilespmem:$0x1FCC0] =	vst v63  }
0x24: {  	_ =	swait.ge [sflag:s20], $0x1400  }
0x25: {  	[sflag:s20] =	ssyncset.done $0x0  }
0x26: {  	[sflag:s20] =	ssyncadd.s32 $0xFFFFEC00  }
0x27: {  	[spmem:s9] =	stream.linear.scatter [tilespmem:s21], [sflag:$0x3], $0x1400, $0x38;
	[tilespmem:$0x1FCC0] =	vst v63  }
0x28: {  	_ =	swait.ge [sflag:s20], $0x1400  }
0x29: {  	[sflag:s20] =	ssyncset.done $0x0  }
0x2a: {  	[sflag:s20] =	ssyncadd.s32 $0xFFFFEC00  }
0x2b: {  	[spmem:s10] =	stream.linear.scatter [tilespmem:s21], [sflag:$0x3], $0x1400, $0x38;
	[tilespmem:$0x1FCC0] =	vst v63  }
0x2c: {  	_ =	swait.ge [sflag:s20], $0x1400  }
0x2d: {  	[sflag:s20] =	ssyncset.done $0x0  }
0x2e: {  	[sflag:s20] =	ssyncadd.s32 $0xFFFFEC00  }
0x2f: {  	[spmem:s11] =	stream.linear.scatter [tilespmem:s21], [sflag:$0x3], $0x1400, $0x38;
	[tilespmem:$0x1FCC0] =	vst v63  }
0x30: {  	_ =	swait.ge [sflag:s20], $0x1400  }
0x31: {  	[sflag:s20] =	ssyncset.done $0x0  }
0x32: {  	[sflag:s20] =	ssyncadd.s32 $0xFFFFEC00  }
0x33: {  	[spmem:s12] =	stream.linear.scatter [tilespmem:s21], [sflag:$0x3], $0x1400, $0x38;
	[tilespmem:$0x1FCC0] =	vst v63  }
0x34: {  	_ =	swait.ge [sflag:s20], $0x1400  }
0x35: {  	[sflag:s20] =	ssyncset.done $0x0  }
0x36: {  	[sflag:s20] =	ssyncadd.s32 $0xFFFFEC00  }
0x37: {  	[spmem:s13] =	stream.linear.scatter [tilespmem:s21], [sflag:$0x3], $0x1400, $0x38;
	[tilespmem:$0x1FCC0] =	vst v63  }
0x38: {  	_ =	swait.ge [sflag:s20], $0x1400  }
0x39: {  	[sflag:s20] =	ssyncset.done $0x0  }
0x3a: {  	[sflag:s20] =	ssyncadd.s32 $0xFFFFEC00  }
0x3b: {  	[spmem:s14] =	stream.linear.scatter [tilespmem:s21], [sflag:$0x3], $0x1040, $0x38;
	[tilespmem:$0x1FCC0] =	vst v63  }
0x3c: {  	_ =	swait.ge [sflag:s20], $0x1040  }
0x3d: {  	[sflag:s20] =	ssyncset.done $0x0  }
0x3e: {  	s0 =	simm.s32 $0x0;
	[sflag:s20] =	ssyncadd.s32 $0xFFFFEFC0  }
0x3f: {  	[tilespmem:s0], [sflag:$0x3] =	stream.linear.gather [hbm4b:s15+s0], $0x4E20, $0x38;
	[tilespmem:$0x1FCC0] =	vst v63  }
0x40: {  	_ =	swait.ge [sflag:s20], $0x4E20  }
0x41: {  	[sflag:s20] =	ssyncset.done $0x0  }
0x42: {  	s2 =	simm.s32 $0x4E20;
	[sflag:s20] =	ssyncadd.s32 $0xFFFFB1E0  }
0x43: {  	[tilespmem:s2], [sflag:$0x3] =	stream.linear.gather [hbm4b:s16+s0], $0x4E20, $0x38;
	[tilespmem:$0x1FCC0] =	vst v63  }
0x44: {  	_ =	swait.ge [sflag:s20], $0x4E20  }
0x45: {  	[sflag:s20] =	ssyncset.done $0x0  }
0x46: {  	[sflag:s20] =	ssyncadd.s32 $0xFFFFB1E0  }
0x47: {  	[bflag:$0x0] =	sbarrier.arrive $0xFFFF  }
0x48: {  	[tilespmem:s21], [sflag:$0x1] =	stream.indirect.gather [spmem:s1], $0x40, s0, s23, $0xb8;
	[tilespmem:$0x1FCC0] =	vst v63  }
0x49: {  	s28 =	simm.s32 $0x50  }
0x4a: {  	[tilespmem:s24], [sflag:$0x2] =	stream.indirect.gather [spmem:s1], $0x40, s28, s23, $0xb8;
	[tilespmem:$0x1FCC0] =	vst v63  }
0x4b: {  	_ =	swait.ge [sflag:s25], $0x1400  }
0x4c: {  	[sflag:s25] =	ssyncset.done $0x0  }
0x4d: {  	s2 =	simm.s32 $0x4E20;
	[sflag:s25] =	ssyncadd.s32 $0xFFFFEC00  }
0x4e: {  	[spmem:s3] =	stream.indirect.scatter.add.f32 [tilespmem:s21], [sflag:$0x3], $0x40, s2, s23, $0xb8;
	[tilespmem:$0x1FCC0] =	vst v63  }
0x4f: {  	_ =	swait.ge [sflag:s20], $0x1400  }
0x50: {  	[sflag:s20] =	ssyncset.done $0x0  }
0x51: {  	s22 =	simm.s32 $0xA0;
	[sflag:s20] =	ssyncadd.s32 $0xFFFFEC00  }
0x52: {  	[tilespmem:s21], [sflag:$0x1] =	stream.indirect.gather [spmem:s1], $0x40, s22, s23, $0xb8;
	[tilespmem:$0x1FCC0] =	vst v63  }
0x53: {  	_ =	swait.ge [sflag:s26], $0x1400  }
0x54: {  	[sflag:s26] =	ssyncset.done $0x0  }
0x55: {  	s28 =	simm.s32 $0x4E70;
	[sflag:s26] =	ssyncadd.s32 $0xFFFFEC00  }
0x56: {  	[spmem:s3] =	stream.indirect.scatter.add.f32 [tilespmem:s24], [sflag:$0x3], $0x40, s28, s23, $0xb8;
	[tilespmem:$0x1FCC0] =	vst v63  }
0x57: {  	_ =	swait.ge [sflag:s20], $0x1400  }
0x58: {  	s31 =	simm.s32 $0xA0;
	s2 =	simm.s32 $0x500;
	[sflag:s20] =	ssyncset.done $0x0  }
.LBB2_4:
0x59: {  	s0 =	sadd.s32 $0x50, s31  }
0x5a: {  	[sflag:s20] =	ssyncadd.s32 $0xFFFFEC00;
	s22 =	smov.u32 s2;
	s28 =	sadd.s32 $0x280, s2  }
0x5b: {  	[tilespmem:s24], [sflag:$0x2] =	stream.indirect.gather [spmem:s1], $0x40, s0, s23, $0xb8;
	[tilespmem:$0x1FCC0] =	vst v63  }
0x5c: {  	p0 =	sne.s32 s2, $0x13380;
	_ =	swait.ge [sflag:s25], $0x1400  }
0x5d: {  	[sflag:s25] =	ssyncset.done $0x0  }
0x5e: {  	s0 =	sadd.s32 $0x4E20, s31;
	[sflag:s25] =	ssyncadd.s32 $0xFFFFEC00  }
0x5f: {  	[spmem:s3] =	stream.indirect.scatter.add.f32 [tilespmem:s21], [sflag:$0x3], $0x40, s0, s23, $0xb8;
	[tilespmem:$0x1FCC0] =	vst v63  }
0x60: {  	_ =	swait.ge [sflag:s20], $0x1400  }
0x61: {  	[sflag:s20] =	ssyncset.done $0x0  }
0x62: {  	s0 =	sadd.s32 $0xA0, s31;
	[sflag:s20] =	ssyncadd.s32 $0xFFFFEC00  }
0x63: {  	[tilespmem:s21], [sflag:$0x1] =	stream.indirect.gather [spmem:s1], $0x40, s0, s23, $0xb8;
	[tilespmem:$0x1FCC0] =	vst v63  }
0x64: {  	_ =	swait.ge [sflag:s26], $0x1400  }
.Ltmp1:
0x65: {  	[sflag:s26] =	ssyncset.done $0x0;
	(pc) =	sbr.rel @p0 .LBB2_4-.Ltmp1, $4  }
0x66: {  	s0 =	sadd.s32 $0x4E70, s31;
	[sflag:s26] =	ssyncadd.s32 $0xFFFFEC00  }
0x67: {  	[spmem:s3] =	stream.indirect.scatter.add.f32 [tilespmem:s24], [sflag:$0x3], $0x40, s0, s23, $0xb8;
	[tilespmem:$0x1FCC0] =	vst v63  }
0x68: {  	_ =	swait.ge [sflag:s20], $0x1400  }
0x69: {  	s2 =	smov.u32 s28;
	s31 =	sshra.s32 s22, $0x2;
	[sflag:s20] =	ssyncset.done $0x0  }
0x6a: {  	s0 =	sadd.s32 $0x50, s31;
	[sflag:s20] =	ssyncadd.s32 $0xFFFFEC00  }
0x6b: {  	[tilespmem:s24], [sflag:$0x2] =	stream.indirect.gather [spmem:s1], $0x40, s0, s23, $0xb8;
	[tilespmem:$0x1FCC0] =	vst v63  }
0x6c: {  	_ =	swait.ge [sflag:s25], $0x1400  }
0x6d: {  	[sflag:s25] =	ssyncset.done $0x0  }
0x6e: {  	s28 =	sadd.s32 $0x4E20, s31;
	[sflag:s25] =	ssyncadd.s32 $0xFFFFEC00  }
0x6f: {  	[spmem:s3] =	stream.indirect.scatter.add.f32 [tilespmem:s21], [sflag:$0x3], $0x40, s28, s23, $0xb8;
	[tilespmem:$0x1FCC0] =	vst v63  }
0x70: {  	_ =	swait.ge [sflag:s20], $0x1400  }
0x71: {  	[sflag:s20] =	ssyncset.done $0x0  }
0x72: {  	s2 =	sadd.s32 $0xA0, s31;
	[sflag:s20] =	ssyncadd.s32 $0xFFFFEC00  }
0x73: {  	[tilespmem:s21], [sflag:$0x1] =	stream.indirect.gather [spmem:s1], $0x40, s2, s23, $0xb8;
	[tilespmem:$0x1FCC0] =	vst v63  }
0x74: {  	_ =	swait.ge [sflag:s26], $0x1400  }
0x75: {  	[sflag:s26] =	ssyncset.done $0x0  }
0x76: {  	s22 =	sadd.s32 $0x4E70, s31;
	[sflag:s26] =	ssyncadd.s32 $0xFFFFEC00  }
0x77: {  	[spmem:s3] =	stream.indirect.scatter.add.f32 [tilespmem:s24], [sflag:$0x3], $0x40, s22, s23, $0xb8;
	[tilespmem:$0x1FCC0] =	vst v63  }
0x78: {  	_ =	swait.ge [sflag:s20], $0x1400  }
0x79: {  	[sflag:s20] =	ssyncset.done $0x0  }
0x7a: {  	s28 =	simm.s32 $0x4DD0;
	[sflag:s20] =	ssyncadd.s32 $0xFFFFEC00  }
0x7b: {  	[tilespmem:s24], [sflag:$0x2] =	stream.indirect.gather [spmem:s1], $0x40, s28, s23, $0xb8;
	[tilespmem:$0x1FCC0] =	vst v63  }
0x7c: {  	_ =	swait.ge [sflag:s25], $0x1400  }
0x7d: {  	[sflag:s25] =	ssyncset.done $0x0  }
0x7e: {  	[sflag:s25] =	ssyncadd.s32 $0xFFFFEC00  }
0x7f: {  	[spmem:s3] =	stream.indirect.scatter.add.f32 [tilespmem:s21], [sflag:$0x3], $0x40, s29, s23, $0xb8;
	[tilespmem:$0x1FCC0] =	vst v63  }
0x80: {  	_ =	swait.ge [sflag:s20], $0x1400  }
0x81: {  	[sflag:s20] =	ssyncset.done $0x0  }
0x82: {  	[sflag:s20] =	ssyncadd.s32 $0xFFFFEC00  }
0x83: {  	_ =	swait.ge [sflag:s26], $0x1400  }
0x84: {  	[sflag:s26] =	ssyncset.done $0x0  }
0x85: {  	[sflag:s26] =	ssyncadd.s32 $0xFFFFEC00  }
0x86: {  	[spmem:s3] =	stream.indirect.scatter.add.f32 [tilespmem:s24], [sflag:$0x3], $0x40, s30, s23, $0xb8;
	[tilespmem:$0x1FCC0] =	vst v63  }
0x87: {  	_ =	swait.ge [sflag:s20], $0x1400  }
0x88: {  	s4 =	sadd.s32 $0x1, s4;
	[sflag:s20] =	ssyncset.done $0x0  }
0x89: {  	p0 =	sne.s32 s4, s18;
	[sflag:s20] =	ssyncadd.s32 $0xFFFFEC00  }
.Ltmp2:
0x8a: {  	s31 =	sshrl.u32 s7, $0x3;
	[bflag:$0x0] =	sbarrier.arrive $0xFFFF;
	(pc) =	sbr.rel @p0 .LBB2_1-.Ltmp2, $4  }
0x8b: {  	[hbm:s17], [sflag:s6] =	dma.local [spmem:s31], $0x1388  }
0x8c: {  	_ =	swait.ge [sflag:s20], $0x1388  }
0x8d: {  	[sflag:s20] =	ssyncset.done $0x0  }
0x8e: {  	[sflag:s20] =	ssyncadd.s32 $0xFFFFEC78  }
0x8f: {  	_ =	sfence.sel $0x180000  }
0x90: {  	[bflag:$0x0] =	sbarrier.arrive $0xFFFF  }
0x91: {  	_ =	strace $0x9000004D  }
0x92: {  	s0 =	stileid.u32;
	[bflag:$0x2] =	sbarrier.arrive $0xFFFF  }
0x93: {  	p0 =	sne.s32 s0, $0x0;
	s0 =	rddreg [dreg:$0x3]  }
0x94: {  	s0 =	sadd.s32 @!p0 $0x100000, s0  }
0x95: {  	[sflag:s0] =	ssyncadd.tile.s32 @!p0 $0x1;
	_ =	shalt  }
.Lfunc_end2:
_tile_overlayer_lowered:
.L_overlay_start_2:
0x96: {  	(tag) =	ssettag $0x2  }
0x97: {  	s0 =	rddreg [dreg:$0x0];
	s2 =	stileid.u32  }
0x98: {  	s1 =	rddreg [dreg:$0x1];
	p0 =	sne.s32 s2, $0x0  }
0x99: {  	s3 =	rddreg [dreg:$0x2];
	[bflag:$0x3] =	sbarrier.arrive $0xFFFF;
	s2 =	simm.s32 @!p0 $0x1C03  }
0x9a: {  	[timem:s3], [sflag:s2] =	dma.local @!p0 [hbm:s0], s1  }
0x9b: {  	s0 =	simm.s32 @!p0 $0x3  }
0x9c: {  	_ =	swait.ge @!p0 [sflag:s0], s1  }
0x9d: {  	s1 =	ssub.s32 @!p0 $0x0, s1;
	[sflag:s0] =	ssyncset.done @!p0 $0x0  }
0x9e: {  	[sflag:s0] =	ssyncadd.s32 @!p0 s1  }
0x9f: {  	[bflag:$0x3] =	sbarrier.arrive $0xFFFF  }
0xa0: {  	_ =	shalt  }

// kernel: kernel.19.cloned.1.call-start
scs
__scs_entry_jumppad:
0x0: {  	(pc) =	sbr.rel $0x88, $3  }
0x1: {  	(tag) =	ssettag $0x0;
	lr =	simm.s32 $0x1  }
0x2: {  	[smem:$0x3F90] =	sst lr;
	_ =	strace $0xD0000000  }
0x3: {  	_ = 	snop  }
0x4: {  	_ = 	snop  }
0x5: {  	_ = 	snop  }
0x6: {  	_ = 	snop  }
0x7: {  	_ = 	snop  }
__scs_overlays_trampoline_lowered:
0x8: {  	[smem:$0x3F9F] =	sst s0  }
0x9: {  	[smem:$0x3FA0] =	sst s1  }
0xa: {  	[smem:$0x3FA1] =	sst s2  }
0xb: {  	[smem:$0x3FA2] =	sst s3  }
0xc: {  	[smem:$0x3FA3] =	sst s4  }
0xd: {  	[smem:$0x3FA4] =	sst s5  }
0xe: {  	[smem:$0x3FA5] =	sst s6  }
0xf: {  	[smem:$0x3FA6] =	sst s7  }
0x10: {  	[smem:$0x3FA7] =	sst s8  }
0x11: {  	[smem:$0x3FA8] =	sst s9;
	s0 =	simm.s32 @!p0 $0x0  }
0x12: {  	s1 =	sld [smem:$0x3F8E];
	s0 =	simm.s32 @p0 $0x1  }
0x13: {  	[smem:$0x3FA9] =	sst s0;
	s0 =	simm.s32 @!p1 $0x0  }
0x14: {  	s2 =	sld [smem:$0x3F8D];
	s0 =	simm.s32 @p1 $0x1  }
0x15: {  	[smem:$0x3FAA] =	sst s0;
	s0 =	simm.s32 @!p2 $0x0  }
0x16: {  	s3 =	sld [smem:$0x3FDB];
	s0 =	simm.s32 @p2 $0x1  }
0x17: {  	s4 =	simm.s32 $0x1BF5;
	[smem:$0x3FAC] =	sst s0  }
0x18: {  	s0 =	sld [smem:$0x3F8F];
	_ =	swait.ge [sflag:s4], $0x0  }
0x19: {  	s7 =	sld [smem:$0x3F90]  }
0x1a: {  	s8 =	sadd.s32 $0xFFFFE003, lr  }
0x1b: {  	s9 =	sadd.s32 $0xFFFFFEF7, lr;
	s5 =	simm.s32 $0xFFFFFFFF;
	p2 =	slt.u32 s8, $0xFFFFF086  }
0x1c: {  	p1 =	slt.u32 s9, $0xF7A;
	s5 =	simm.s32 @!p2 $0x0  }
0x1d: {  	s5 =	simm.s32 @p1 $0x1;
	p0 =	seq.s32 s7, s2  }
0x1e: {  	s7 =	smul.u32 @!p0 $0xF7A, s2;
	p2 =	seq.s32 @!p0 s5, $0x0  }
0x1f: {  	s9 =	smul.u32 $0xF7A, s1;
	s8 =	simm.s32 @!p0 $0x1BF5;
	p2 =	por !p2, p0  }
0x20: {  	[sflag:s8] =	ssyncset.s32 @!p0 $0xFFFFF086;
	s6 =	sadd.s32 @!p0 s3, s7;
	s7 =	simm.s32 @!p0 $0x108  }
0x21: {  	s3 =	sadd.s32 s3, s9;
	s6 =	sadd.s32 @!p0 $0x88, s6;
	s7 =	simm.s32 @p2 $0x1082  }
0x22: {  	[simem:s7], [sflag:s8] =	dma.local @!p0 [hbm:s6], $0xF7A  }
0x23: {  	s9 =	sor.u32 $0xD0000000, s2;
	s6 =	simm.s32 $0x108;
	_ =	swait.ge @!p0 [sflag:s8], $0x0  }
0x24: {  	s3 =	sadd.s32 $0x88, s3;
	s6 =	simm.s32 @!p1 $0x1082;
	[sflag:s4] =	ssyncset.s32 $0xFFFFF086  }
0x25: {  	[simem:s6], [sflag:s4] =	dma.local [hbm:s3], $0xF7A  }
0x26: {  	[smem:$0x3F90] =	sst s1;
	(tag) =	ssettag s2;
	_ =	strace s9  }
0x27: {  	s1 =	sld [smem:$0x3FA0]  }
0x28: {  	s2 =	sld [smem:$0x3FA1]  }
0x29: {  	s4 =	sld [smem:$0x3FA3]  }
0x2a: {  	p0 =	seq.s32 s5, $0x0;
	s5 =	sld [smem:$0x3FA4]  }
0x2b: {  	s6 =	sld [smem:$0x3FA5]  }
0x2c: {  	s7 =	sld [smem:$0x3FA6]  }
0x2d: {  	s3 =	simm.s32 $0x108;
	s8 =	sld [smem:$0x3FA7]  }
0x2e: {  	s3 =	simm.s32 @!p0 $0x1082;
	s9 =	sld [smem:$0x3FA8]  }
0x2f: {  	lr =	sadd.s32 s0, s3;
	s0 =	sld [smem:$0x3F9F]  }
0x30: {  	s3 =	sld [smem:$0x3FA2]  }
0x31: {  	[smem:$0x3FAB] =	sst s10  }
0x32: {  	s10 =	sld [smem:$0x3FA9];
	_ =	sdelay $0x3  }
0x33: {  	p0 =	seq.s32 s10, $0x1;
	s10 =	sld [smem:$0x3FAB];
	_ =	sdelay $0x3  }
0x34: {  	[smem:$0x3FAB] =	sst s10  }
0x35: {  	s10 =	sld [smem:$0x3FAA];
	_ =	sdelay $0x3  }
0x36: {  	p1 =	seq.s32 s10, $0x1;
	s10 =	sld [smem:$0x3FAB];
	_ =	sdelay $0x3  }
0x37: {  	[smem:$0x3FAB] =	sst s10  }
0x38: {  	s10 =	sld [smem:$0x3FAC]  }
0x39: {  	_ = 	snop;
	(pc) =	sbr.ind lr, $3  }
0x3a: {  	_ = 	snop  }
0x3b: {  	_ = 	snop  }
0x3c: {  	p2 =	seq.s32 s10, $0x1;
	s10 =	sld [smem:$0x3FAB]  }
0x3d: {  	_ =	shalt  }
0x3e: {  	_ =	shalt  }
0x3f: {  	_ =	shalt  }
0x40: {  	_ =	shalt  }
0x41: {  	_ =	shalt  }
0x42: {  	_ =	shalt  }
0x43: {  	_ =	shalt  }
0x44: {  	_ =	shalt  }
0x45: {  	_ =	shalt  }
0x46: {  	_ =	shalt  }
0x47: {  	_ =	shalt  }
0x48: {  	_ =	shalt  }
0x49: {  	_ =	shalt  }
0x4a: {  	_ =	shalt  }
0x4b: {  	_ =	shalt  }
0x4c: {  	_ =	shalt  }
0x4d: {  	_ =	shalt  }
0x4e: {  	_ =	shalt  }
0x4f: {  	_ =	shalt  }
0x50: {  	_ =	shalt  }
0x51: {  	_ =	shalt  }
0x52: {  	_ =	shalt  }
0x53: {  	_ =	shalt  }
0x54: {  	_ =	shalt  }
0x55: {  	_ =	shalt  }
0x56: {  	_ =	shalt  }
0x57: {  	_ =	shalt  }
0x58: {  	_ =	shalt  }
0x59: {  	_ =	shalt  }
0x5a: {  	_ =	shalt  }
0x5b: {  	_ =	shalt  }
0x5c: {  	_ =	shalt  }
0x5d: {  	_ =	shalt  }
0x5e: {  	_ =	shalt  }
0x5f: {  	_ =	shalt  }
0x60: {  	_ =	shalt  }
0x61: {  	_ =	shalt  }
0x62: {  	_ =	shalt  }
0x63: {  	_ =	shalt  }
0x64: {  	_ =	shalt  }
0x65: {  	_ =	shalt  }
0x66: {  	_ =	shalt  }
0x67: {  	_ =	shalt  }
0x68: {  	_ =	shalt  }
0x69: {  	_ =	shalt  }
0x6a: {  	_ =	shalt  }
0x6b: {  	_ =	shalt  }
0x6c: {  	_ =	shalt  }
0x6d: {  	_ =	shalt  }
0x6e: {  	_ =	shalt  }
0x6f: {  	_ =	shalt  }
0x70: {  	_ =	shalt  }
0x71: {  	_ =	shalt  }
0x72: {  	_ =	shalt  }
0x73: {  	_ =	shalt  }
0x74: {  	_ =	shalt  }
0x75: {  	_ =	shalt  }
0x76: {  	_ =	shalt  }
0x77: {  	_ =	shalt  }
0x78: {  	_ =	shalt  }
0x79: {  	_ =	shalt  }
0x7a: {  	_ =	shalt  }
0x7b: {  	_ =	shalt  }
0x7c: {  	_ =	shalt  }
0x7d: {  	_ =	shalt  }
0x7e: {  	_ =	shalt  }
0x7f: {  	_ =	shalt  }
0x80: {  	_ =	shalt  }
0x81: {  	_ =	shalt  }
0x82: {  	_ =	shalt  }
0x83: {  	_ =	shalt  }
0x84: {  	_ =	shalt  }
0x85: {  	_ =	shalt  }
0x86: {  	_ =	shalt  }
0x87: {  	_ =	shalt  }
.Lfunc_end0:
.L_simem_size_0:
called_computation.3_lowered:
.L_overlay_start_0:
0x88: {  	s2 =	sld [smem:$0x3FD9]  }
0x89: {  	s3 =	sld [smem:$0x3FFE];
	_ =	sdelay $0x1  }
0x8a: {  	s1 =	srdreg.scid  }
0x8b: {  	s0 =	sand.u32 $0x1, s1  }
0x8c: {  	s16 =	sshll.u32 s0, $0xA;
	s2 =	sadd.s32 s3, s2  }
0x8d: {  	s2 =	sadd.s32 s2, s16  }
0x8e: {  	[smem:$0x3FB7] =	sst s2  }
0x8f: {  	_ = 	snop  }
0x90: {  	(tm) =	ssettm $0x1  }
0x91: {  	s17 =	sld [smem:$0x3FFB];
	_ =	sdelay $0x3  }
0x92: {  	_ =	strace s17  }
0x93: {  	s2 =	sld [smem:$0x3FFC];
	_ =	sdelay $0x3  }
0x94: {  	_ =	strace s2  }
0x95: {  	s2 =	sld [smem:$0x3FFD];
	_ =	sdelay $0x3  }
0x96: {  	_ =	strace s2  }
0x97: {  	_ =	strace $0x8FFFFFFF  }
0x98: {  	s18 =	sld [smem:$0x3FDB];
	_ =	sdelay $0x1  }
0x99: {  	s19 =	simm.s32 $_scs_section_size  }
0x9a: {  	s4 =	simm.s32 $_size__tile_overlayer_lowered;
	s5 =	simm.s32 $_tile_overlayer_lowered  }
0x9b: {  	s22 =	simm.s32 $0x1BFF;
	s21 =	sshll.u32 s5, $0x1;
	s2 =	sadd.s32 s19, s18  }
0x9c: {  	s6 =	simm.s32 $0x0;
	s20 =	sshll.u32 s4, $0x1;
	s4 =	sadd.s32 s21, s2  }
0x9d: {  	[timem:s6], [sflag:s22] =	dma.local [hbm:s4], s20  }
0x9e: {  	_ =	swait.ge [sflag:s22], s20  }
0x9f: {  	s3 =	ssub.s32 $0x0, s20;
	[sflag:s22] =	ssyncset.done $0x0  }
0xa0: {  	[sflag:s22] =	ssyncadd.s32 s3;
	_ =	sdelay $0x1  }
0xa1: {  	s23 =	simm.s32 $0x1B8B  }
0xa2: {  	_ =	swait.ge [sflag:s23], $0x1  }
0xa3: {  	[sflag:s23] =	ssyncset.done $0x0  }
0xa4: {  	s25 =	simm.s32 $0x1B8E;
	s24 =	sld [smem:$0x3FFE];
	[sflag:s23] =	ssyncadd.s32 $0xFFFFFFFF  }
0xa5: {  	s26 =	simm.s32 $execute0_lowered;
	[smem:$0x3FD2] =	sst s25  }
0xa6: {  	s4 =	sshll.u32 s26, $0x1;
	_ =	strace $0x8000004F;
	[dreg:$0x1] =	wrdreg $0xFFFFFFFF  }
0xa7: {  	s28 =	simm.s32 $_size_execute0_lowered;
	s2 =	sadd.s32 s2, s4;
	[dreg:$0x0] =	wrdreg $0x0  }
0xa8: {  	s4 =	sshll.u32 s28, $0x1;
	[dreg:$0x2] =	wrdreg s2  }
0xa9: {  	[dreg:$0x3] =	wrdreg s4  }
0xaa: {  	[dreg:$0x4] =	wrdreg $0xC0  }
0xab: {  	_ =	task [dreg:s6], $0x5FFFF  }
0xac: {  	[dreg:$0x1] =	wrdreg $0xFFFFFFFF  }
0xad: {  	[dreg:$0x0] =	wrdreg $0x60  }
0xae: {  	[dreg:$0x2] =	wrdreg s24  }
0xaf: {  	[dreg:$0x3] =	wrdreg $0xC4400  }
0xb0: {  	[dreg:$0x4] =	wrdreg $0x160800  }
0xb1: {  	[dreg:$0x5] =	wrdreg $0x9  }
0xb2: {  	_ =	task.clear_ibuf [dreg:s6], $0x6FFFF;
	_ =	strace $0x9000004F  }
0xb3: {  	s29 =	simm.s32 $0x9;
	_ =	strace $0x80000051  }
0xb4: {  	_ =	swait.ge [sflag:s29], $0x1  }
0xb5: {  	[sflag:s29] =	ssyncadd.s32 $0xFFFFFFFF  }
0xb6: {  	_ =	strace $0x90000051  }
0xb7: {  	_ =	sfence  }
0xb8: {  	s30 =	sld [smem:$0x0];
	_ =	sdelay $0x2  }
0xb9: {  	s31 =	sshll.u32 s1, $0xD;
	s1 =	sshrl.u32 s1, $0x2  }
0xba: {  	s3 =	sand.u32 $0x4000, s31;
	s1 =	sadd.s32 s1, s30  }
0xbb: {  	s0 =	sor.u32 s3, s0;
	s1 =	sshll.u32 s1, $0x11  }
0xbc: {  	s0 =	sor.u32 s1, s0  }
0xbd: {  	s0 =	sadd.s32 $0x8F2B, s0  }
0xbe: {  	[sflag:s0] =	ssyncadd.remote.s32 $0x1  }
0xbf: {  	_ =	sfence.sel $0xFFFF  }
0xc0: {  	[dreg:$0x0] =	wrdreg $0xFFFFFFFF;
	(pc) =	sbr.abs _section_cstart, $3  }
0xc1: {  	[dreg:$0x1] =	wrdreg $0xFFFFFFFF  }
0xc2: {  	_ =	task.clear_ibuf [dreg:s6], $0x2FFFF;
	_ =	strace $0x9FFFFFFF  }
0xc3: {  	(tm) =	ssettm $0x7FFFFFFF  }
tec
execute0_lowered:
.L_overlay_start_1:
0x0: {  	(tag) =	ssettag $0x1  }
0x1: {  	s2 =	rddreg [dreg:$0x0]  }
0x2: {  	s1 =	rddreg [dreg:$0x1];
	s0 =	stileid.u32  }
0x3: {  	s4 =	srdreg.scid;
	s3 =	rddreg [dreg:$0x2];
	s20 =	simm.s32 $0x3  }
0x4: {  	s21 =	simm.s32 $0x9C40;
	s23 =	simm.s32 $0x50;
	s24 =	simm.s32 $0xB040  }
0x5: {  	s25 =	simm.s32 $0x1;
	s29 =	simm.s32 $0x9BA0;
	s5 =	smul.u32 $0x4E20, s0  }
0x6: {  	s30 =	simm.s32 $0x9BF0;
	s6 =	sand.u32 $0x1, s4;
	s7 =	smul.u32 $0x9C40, s0  }
0x7: {  	s4 =	simm.s32 $0x0;
	s9 =	smul.u32 $0x27100, s0;
	s31 =	sshll.u32 s0, $0x6  }
0x8: {  	s8 =	smul.u32 $0x9C400, s6;
	[smem:$0x7FF] =	sst s4;
	s6 =	ssub.s32 $0x2, s6  }
0x9: {  	_ =	strace $0x80000050;
	s5 =	sshrl.u32 s5, $0x3;
	s26 =	sshrl.u32 s6, $0x1  }
0xa: {  	s19 =	sadd.s32 s7, s1;
	s28 =	sshrl.u32 s9, $0x2;
	s8 =	sadd.s32 s7, s8  }
0xb: {  	s16 =	sadd.s32 s5, s2;
	s18 =	ssub.s32 s6, s26;
	s14 =	sadd.s32 s28, s3  }
0xc: {  	s6 =	sor.u32 $0x1C03, s31;
	s7 =	sadd.s32 s7, s3;
	s19 =	sshrl.u32 s19, $0x3  }
0xd: {  	s26 =	simm.s32 $0x2;
	s8 =	sshrl.u32 s8, $0x3;
	s9 =	sadd.s32 $0x2800, s14  }
0xe: {  	s10 =	sadd.s32 $0x3C00, s14;
	s11 =	sadd.s32 $0x5000, s14;
	s12 =	sadd.s32 $0x6400, s14  }
0xf: {  	s13 =	sadd.s32 $0x7800, s14;
	s15 =	sadd.s32 $0x28800, s16;
	s16 =	sadd.s32 $0x32440, s16  }
0x10: {  	s18 =	smax.u32 s18, $0x1;
	s2 =	sadd.s32 s8, s2;
	s8 =	sadd.s32 $0x1400, s14  }
0x11: {  	v0 =	vimm.f32 $0.0e+00;
	s14 =	sadd.s32 $0x8C00, s14;
	s5 =	sadd.s32 $0xB1800, s2;
	s17 =	sadd.s32 $0x126C00, s2  }
.LBB2_1:
0x12: {  	[spmem:s19], [sflag:s6] =	dma.local [hbm:s5], $0x1388  }
0x13: {  	_ =	swait.ge [sflag:s20], $0x1388  }
0x14: {  	[sflag:s20] =	ssyncset.done $0x0  }
0x15: {  	s2 =	simm.s32 $0x100;
	s31 =	simm.s32 $0x0;
	[sflag:s20] =	ssyncadd.s32 $0xFFFFEC78  }
.LBB2_2:
0x16: {  	p0 =	sne.s32 s2, $0x4F00;
	[tilespmem:s31+$0x9C70] =	vst v0;
	s0 =	smov.u32 s2;
	s2 =	sadd.s32 $0x100, s2  }
.Ltmp0:
0x17: {  	[tilespmem:s31+$0x9C60] =	vst v0;
	(pc) =	sbr.rel @p0 .LBB2_2-.Ltmp0, $3  }
0x18: {  	[tilespmem:s31+$0x9C40] =	vst v0  }
0x19: {  	[tilespmem:s31+$0x9C50] =	vst v0;
	_ =	sdelay $0x1  }
0x1a: {  	s31 =	sshra.s32 s0, $0x2  }
0x1b: {  	[tilespmem:s31+$0x9C70] =	vst v0  }
0x1c: {  	[tilespmem:s31+$0x9C60] =	vst v0  }
0x1d: {  	[tilespmem:s31+$0x9C40] =	vst v0  }
0x1e: {  	[tilespmem:s31+$0x9C50] =	vst v0  }
0x1f: {  	[spmem:s7] =	stream.linear.scatter [tilespmem:s21], [sflag:$0x3], $0x1400, $0x38;
	[tilespmem:$0x1FCC0] =	vst v63  }
0x20: {  	_ =	swait.ge [sflag:s20], $0x1400  }
0x21: {  	[sflag:s20] =	ssyncset.done $0x0  }
0x22: {  	[sflag:s20] =	ssyncadd.s32 $0xFFFFEC00  }
0x23: {  	[spmem:s8] =	stream.linear.scatter [tilespmem:s21], [sflag:$0x3], $0x1400, $0x38;
	[tilespmem:$0x1FCC0] =	vst v63  }
0x24: {  	_ =	swait.ge [sflag:s20], $0x1400  }
0x25: {  	[sflag:s20] =	ssyncset.done $0x0  }
0x26: {  	[sflag:s20] =	ssyncadd.s32 $0xFFFFEC00  }
0x27: {  	[spmem:s9] =	stream.linear.scatter [tilespmem:s21], [sflag:$0x3], $0x1400, $0x38;
	[tilespmem:$0x1FCC0] =	vst v63  }
0x28: {  	_ =	swait.ge [sflag:s20], $0x1400  }
0x29: {  	[sflag:s20] =	ssyncset.done $0x0  }
0x2a: {  	[sflag:s20] =	ssyncadd.s32 $0xFFFFEC00  }
0x2b: {  	[spmem:s10] =	stream.linear.scatter [tilespmem:s21], [sflag:$0x3], $0x1400, $0x38;
	[tilespmem:$0x1FCC0] =	vst v63  }
0x2c: {  	_ =	swait.ge [sflag:s20], $0x1400  }
0x2d: {  	[sflag:s20] =	ssyncset.done $0x0  }
0x2e: {  	[sflag:s20] =	ssyncadd.s32 $0xFFFFEC00  }
0x2f: {  	[spmem:s11] =	stream.linear.scatter [tilespmem:s21], [sflag:$0x3], $0x1400, $0x38;
	[tilespmem:$0x1FCC0] =	vst v63  }
0x30: {  	_ =	swait.ge [sflag:s20], $0x1400  }
0x31: {  	[sflag:s20] =	ssyncset.done $0x0  }
0x32: {  	[sflag:s20] =	ssyncadd.s32 $0xFFFFEC00  }
0x33: {  	[spmem:s12] =	stream.linear.scatter [tilespmem:s21], [sflag:$0x3], $0x1400, $0x38;
	[tilespmem:$0x1FCC0] =	vst v63  }
0x34: {  	_ =	swait.ge [sflag:s20], $0x1400  }
0x35: {  	[sflag:s20] =	ssyncset.done $0x0  }
0x36: {  	[sflag:s20] =	ssyncadd.s32 $0xFFFFEC00  }
0x37: {  	[spmem:s13] =	stream.linear.scatter [tilespmem:s21], [sflag:$0x3], $0x1400, $0x38;
	[tilespmem:$0x1FCC0] =	vst v63  }
0x38: {  	_ =	swait.ge [sflag:s20], $0x1400  }
0x39: {  	[sflag:s20] =	ssyncset.done $0x0  }
0x3a: {  	[sflag:s20] =	ssyncadd.s32 $0xFFFFEC00  }
0x3b: {  	[spmem:s14] =	stream.linear.scatter [tilespmem:s21], [sflag:$0x3], $0x1040, $0x38;
	[tilespmem:$0x1FCC0] =	vst v63  }
0x3c: {  	_ =	swait.ge [sflag:s20], $0x1040  }
0x3d: {  	[sflag:s20] =	ssyncset.done $0x0  }
0x3e: {  	s0 =	simm.s32 $0x0;
	[sflag:s20] =	ssyncadd.s32 $0xFFFFEFC0  }
0x3f: {  	[tilespmem:s0], [sflag:$0x3] =	stream.linear.gather [hbm4b:s15+s0], $0x4E20, $0x38;
	[tilespmem:$0x1FCC0] =	vst v63  }
0x40: {  	_ =	swait.ge [sflag:s20], $0x4E20  }
0x41: {  	[sflag:s20] =	ssyncset.done $0x0  }
0x42: {  	s2 =	simm.s32 $0x4E20;
	[sflag:s20] =	ssyncadd.s32 $0xFFFFB1E0  }
0x43: {  	[tilespmem:s2], [sflag:$0x3] =	stream.linear.gather [hbm4b:s16+s0], $0x4E20, $0x38;
	[tilespmem:$0x1FCC0] =	vst v63  }
0x44: {  	_ =	swait.ge [sflag:s20], $0x4E20  }
0x45: {  	[sflag:s20] =	ssyncset.done $0x0  }
0x46: {  	[sflag:s20] =	ssyncadd.s32 $0xFFFFB1E0  }
0x47: {  	[bflag:$0x0] =	sbarrier.arrive $0xFFFF  }
0x48: {  	[tilespmem:s21], [sflag:$0x1] =	stream.indirect.gather [spmem:s1], $0x40, s0, s23, $0xb8;
	[tilespmem:$0x1FCC0] =	vst v63  }
0x49: {  	s28 =	simm.s32 $0x50  }
0x4a: {  	[tilespmem:s24], [sflag:$0x2] =	stream.indirect.gather [spmem:s1], $0x40, s28, s23, $0xb8;
	[tilespmem:$0x1FCC0] =	vst v63  }
0x4b: {  	_ =	swait.ge [sflag:s25], $0x1400  }
0x4c: {  	[sflag:s25] =	ssyncset.done $0x0  }
0x4d: {  	s2 =	simm.s32 $0x4E20;
	[sflag:s25] =	ssyncadd.s32 $0xFFFFEC00  }
0x4e: {  	[spmem:s3] =	stream.indirect.scatter.add.f32 [tilespmem:s21], [sflag:$0x3], $0x40, s2, s23, $0xb8;
	[tilespmem:$0x1FCC0] =	vst v63  }
0x4f: {  	_ =	swait.ge [sflag:s20], $0x1400  }
0x50: {  	[sflag:s20] =	ssyncset.done $0x0  }
0x51: {  	s22 =	simm.s32 $0xA0;
	[sflag:s20] =	ssyncadd.s32 $0xFFFFEC00  }
0x52: {  	[tilespmem:s21], [sflag:$0x1] =	stream.indirect.gather [spmem:s1], $0x40, s22, s23, $0xb8;
	[tilespmem:$0x1FCC0] =	vst v63  }
0x53: {  	_ =	swait.ge [sflag:s26], $0x1400  }
0x54: {  	[sflag:s26] =	ssyncset.done $0x0  }
0x55: {  	s28 =	simm.s32 $0x4E70;
	[sflag:s26] =	ssyncadd.s32 $0xFFFFEC00  }
0x56: {  	[spmem:s3] =	stream.indirect.scatter.add.f32 [tilespmem:s24], [sflag:$0x3], $0x40, s28, s23, $0xb8;
	[tilespmem:$0x1FCC0] =	vst v63  }
0x57: {  	_ =	swait.ge [sflag:s20], $0x1400  }
0x58: {  	s31 =	simm.s32 $0xA0;
	s2 =	simm.s32 $0x500;
	[sflag:s20] =	ssyncset.done $0x0  }
.LBB2_4:
0x59: {  	s0 =	sadd.s32 $0x50, s31  }
0x5a: {  	[sflag:s20] =	ssyncadd.s32 $0xFFFFEC00;
	s22 =	smov.u32 s2;
	s28 =	sadd.s32 $0x280, s2  }
0x5b: {  	[tilespmem:s24], [sflag:$0x2] =	stream.indirect.gather [spmem:s1], $0x40, s0, s23, $0xb8;
	[tilespmem:$0x1FCC0] =	vst v63  }
0x5c: {  	p0 =	sne.s32 s2, $0x13380;
	_ =	swait.ge [sflag:s25], $0x1400  }
0x5d: {  	[sflag:s25] =	ssyncset.done $0x0  }
0x5e: {  	s0 =	sadd.s32 $0x4E20, s31;
	[sflag:s25] =	ssyncadd.s32 $0xFFFFEC00  }
0x5f: {  	[spmem:s3] =	stream.indirect.scatter.add.f32 [tilespmem:s21], [sflag:$0x3], $0x40, s0, s23, $0xb8;
	[tilespmem:$0x1FCC0] =	vst v63  }
0x60: {  	_ =	swait.ge [sflag:s20], $0x1400  }
0x61: {  	[sflag:s20] =	ssyncset.done $0x0  }
0x62: {  	s0 =	sadd.s32 $0xA0, s31;
	[sflag:s20] =	ssyncadd.s32 $0xFFFFEC00  }
0x63: {  	[tilespmem:s21], [sflag:$0x1] =	stream.indirect.gather [spmem:s1], $0x40, s0, s23, $0xb8;
	[tilespmem:$0x1FCC0] =	vst v63  }
0x64: {  	_ =	swait.ge [sflag:s26], $0x1400  }
.Ltmp1:
0x65: {  	[sflag:s26] =	ssyncset.done $0x0;
	(pc) =	sbr.rel @p0 .LBB2_4-.Ltmp1, $4  }
0x66: {  	s0 =	sadd.s32 $0x4E70, s31;
	[sflag:s26] =	ssyncadd.s32 $0xFFFFEC00  }
0x67: {  	[spmem:s3] =	stream.indirect.scatter.add.f32 [tilespmem:s24], [sflag:$0x3], $0x40, s0, s23, $0xb8;
	[tilespmem:$0x1FCC0] =	vst v63  }
0x68: {  	_ =	swait.ge [sflag:s20], $0x1400  }
0x69: {  	s2 =	smov.u32 s28;
	s31 =	sshra.s32 s22, $0x2;
	[sflag:s20] =	ssyncset.done $0x0  }
0x6a: {  	s0 =	sadd.s32 $0x50, s31;
	[sflag:s20] =	ssyncadd.s32 $0xFFFFEC00  }
0x6b: {  	[tilespmem:s24], [sflag:$0x2] =	stream.indirect.gather [spmem:s1], $0x40, s0, s23, $0xb8;
	[tilespmem:$0x1FCC0] =	vst v63  }
0x6c: {  	_ =	swait.ge [sflag:s25], $0x1400  }
0x6d: {  	[sflag:s25] =	ssyncset.done $0x0  }
0x6e: {  	s28 =	sadd.s32 $0x4E20, s31;
	[sflag:s25] =	ssyncadd.s32 $0xFFFFEC00  }
0x6f: {  	[spmem:s3] =	stream.indirect.scatter.add.f32 [tilespmem:s21], [sflag:$0x3], $0x40, s28, s23, $0xb8;
	[tilespmem:$0x1FCC0] =	vst v63  }
0x70: {  	_ =	swait.ge [sflag:s20], $0x1400  }
0x71: {  	[sflag:s20] =	ssyncset.done $0x0  }
0x72: {  	s2 =	sadd.s32 $0xA0, s31;
	[sflag:s20] =	ssyncadd.s32 $0xFFFFEC00  }
0x73: {  	[tilespmem:s21], [sflag:$0x1] =	stream.indirect.gather [spmem:s1], $0x40, s2, s23, $0xb8;
	[tilespmem:$0x1FCC0] =	vst v63  }
0x74: {  	_ =	swait.ge [sflag:s26], $0x1400  }
0x75: {  	[sflag:s26] =	ssyncset.done $0x0  }
0x76: {  	s22 =	sadd.s32 $0x4E70, s31;
	[sflag:s26] =	ssyncadd.s32 $0xFFFFEC00  }
0x77: {  	[spmem:s3] =	stream.indirect.scatter.add.f32 [tilespmem:s24], [sflag:$0x3], $0x40, s22, s23, $0xb8;
	[tilespmem:$0x1FCC0] =	vst v63  }
0x78: {  	_ =	swait.ge [sflag:s20], $0x1400  }
0x79: {  	[sflag:s20] =	ssyncset.done $0x0  }
0x7a: {  	s28 =	simm.s32 $0x4DD0;
	[sflag:s20] =	ssyncadd.s32 $0xFFFFEC00  }
0x7b: {  	[tilespmem:s24], [sflag:$0x2] =	stream.indirect.gather [spmem:s1], $0x40, s28, s23, $0xb8;
	[tilespmem:$0x1FCC0] =	vst v63  }
0x7c: {  	_ =	swait.ge [sflag:s25], $0x1400  }
0x7d: {  	[sflag:s25] =	ssyncset.done $0x0  }
0x7e: {  	[sflag:s25] =	ssyncadd.s32 $0xFFFFEC00  }
0x7f: {  	[spmem:s3] =	stream.indirect.scatter.add.f32 [tilespmem:s21], [sflag:$0x3], $0x40, s29, s23, $0xb8;
	[tilespmem:$0x1FCC0] =	vst v63  }
0x80: {  	_ =	swait.ge [sflag:s20], $0x1400  }
0x81: {  	[sflag:s20] =	ssyncset.done $0x0  }
0x82: {  	[sflag:s20] =	ssyncadd.s32 $0xFFFFEC00  }
0x83: {  	_ =	swait.ge [sflag:s26], $0x1400  }
0x84: {  	[sflag:s26] =	ssyncset.done $0x0  }
0x85: {  	[sflag:s26] =	ssyncadd.s32 $0xFFFFEC00  }
0x86: {  	[spmem:s3] =	stream.indirect.scatter.add.f32 [tilespmem:s24], [sflag:$0x3], $0x40, s30, s23, $0xb8;
	[tilespmem:$0x1FCC0] =	vst v63  }
0x87: {  	_ =	swait.ge [sflag:s20], $0x1400  }
0x88: {  	s4 =	sadd.s32 $0x1, s4;
	[sflag:s20] =	ssyncset.done $0x0  }
0x89: {  	p0 =	sne.s32 s4, s18;
	[sflag:s20] =	ssyncadd.s32 $0xFFFFEC00  }
.Ltmp2:
0x8a: {  	s31 =	sshrl.u32 s7, $0x3;
	[bflag:$0x0] =	sbarrier.arrive $0xFFFF;
	(pc) =	sbr.rel @p0 .LBB2_1-.Ltmp2, $4  }
0x8b: {  	[hbm:s17], [sflag:s6] =	dma.local [spmem:s31], $0x1388  }
0x8c: {  	_ =	swait.ge [sflag:s20], $0x1388  }
0x8d: {  	[sflag:s20] =	ssyncset.done $0x0  }
0x8e: {  	[sflag:s20] =	ssyncadd.s32 $0xFFFFEC78  }
0x8f: {  	_ =	sfence.sel $0x180000  }
0x90: {  	[bflag:$0x0] =	sbarrier.arrive $0xFFFF  }
0x91: {  	_ =	strace $0x90000050  }
0x92: {  	s0 =	stileid.u32;
	[bflag:$0x2] =	sbarrier.arrive $0xFFFF  }
0x93: {  	p0 =	sne.s32 s0, $0x0;
	s0 =	rddreg [dreg:$0x3]  }
0x94: {  	s0 =	sadd.s32 @!p0 $0x100000, s0  }
0x95: {  	[sflag:s0] =	ssyncadd.tile.s32 @!p0 $0x1;
	_ =	shalt  }
.Lfunc_end2:
_tile_overlayer_lowered:
.L_overlay_start_2:
0x96: {  	(tag) =	ssettag $0x2  }
0x97: {  	s0 =	rddreg [dreg:$0x0];
	s2 =	stileid.u32  }
0x98: {  	s1 =	rddreg [dreg:$0x1];
	p0 =	sne.s32 s2, $0x0  }
0x99: {  	s3 =	rddreg [dreg:$0x2];
	[bflag:$0x3] =	sbarrier.arrive $0xFFFF;
	s2 =	simm.s32 @!p0 $0x1C03  }
0x9a: {  	[timem:s3], [sflag:s2] =	dma.local @!p0 [hbm:s0], s1  }
0x9b: {  	s0 =	simm.s32 @!p0 $0x3  }
0x9c: {  	_ =	swait.ge @!p0 [sflag:s0], s1  }
0x9d: {  	s1 =	ssub.s32 @!p0 $0x0, s1;
	[sflag:s0] =	ssyncset.done @!p0 $0x0  }
0x9e: {  	[sflag:s0] =	ssyncadd.s32 @!p0 s1  }
0x9f: {  	[bflag:$0x3] =	sbarrier.arrive $0xFFFF  }
0xa0: {  	_ =	shalt  }

</sc_bundles>
